<compile_context>
chip_gen: v7x
topology: tpu7x:2x2x1
jax: 0.10.2.dev20260603
libtpu: 0.0.44.dev20260713+nightly
codegen_flags: <defaults>
</compile_context>

<pallas_src>
import functools

import jax
import jax.numpy as jnp
from jax import lax
from jax.experimental import pallas as pl
from jax.experimental.pallas import tpu as pltpu
from jax.experimental.pallas import tpu_sc as plsc

N = 10000
E = 320000
D = 128
ED = 16

_NC = 2
_NS = 16
_L = 16
_NW = _NC * _NS

_CH = 128
_NCHUNKS = E // _CH
_CHW = _NCHUNKS // _NW
_CHREM = _NCHUNKS % _NW
_NP = 10240
_RPT = _NP // _NS
_ZR = 128

_PREC = jax.lax.Precision.HIGHEST

_mesh = plsc.VectorSubcoreMesh(core_axis_name="c", subcore_axis_name="s")
_mesh1 = plsc.VectorSubcoreMesh(core_axis_name="c", subcore_axis_name="s",
                                num_cores=1)
_CHW1 = _NCHUNKS // _NS
_CHREM1 = _NCHUNKS % _NS



def _node_pre_body(x_ref, w_ref, b_ref, p_ref, q_ref, g_ref):
    y = jnp.dot(x_ref[...], w_ref[...], preferred_element_type=jnp.float32,
                precision=_PREC) + b_ref[...]
    p_ref[...] = y[:, :D]
    q_ref[...] = y[:, D:2 * D]
    g_ref[...] = y[:, 2 * D:]


def _node_pre(node_h, Wn, bn):
    BN = 2000
    return pl.pallas_call(
        _node_pre_body,
        grid=(N // BN,),
        in_specs=[
            pl.BlockSpec((BN, D), lambda i: (i, 0)),
            pl.BlockSpec((D, 5 * D), lambda i: (0, 0)),
            pl.BlockSpec((1, 5 * D), lambda i: (0, 0)),
        ],
        out_specs=[
            pl.BlockSpec((BN, D), lambda i: (i, 0)),
            pl.BlockSpec((BN, D), lambda i: (i, 0)),
            pl.BlockSpec((BN, 3 * D), lambda i: (i, 0)),
        ],
        out_shape=[
            jax.ShapeDtypeStruct((N, D), jnp.float32),
            jax.ShapeDtypeStruct((N, D), jnp.float32),
            jax.ShapeDtypeStruct((N, 3 * D), jnp.float32),
        ],
    )(node_h, Wn, bn)


def _edge_pre_body(e_ref, w_ref, b_ref, r_ref):
    r_ref[...] = jnp.dot(e_ref[...], w_ref[...],
                         preferred_element_type=jnp.float32,
                         precision=_PREC) + b_ref[...]


def _edge_pre(edge_h, W1eT, mb1):
    BE = 2000
    return pl.pallas_call(
        _edge_pre_body,
        grid=(E // BE,),
        in_specs=[
            pl.BlockSpec((BE, ED), lambda i: (i, 0)),
            pl.BlockSpec((ED, D), lambda i: (0, 0)),
            pl.BlockSpec((1, D), lambda i: (0, 0)),
        ],
        out_specs=pl.BlockSpec((BE, D), lambda i: (i, 0)),
        out_shape=jax.ShapeDtypeStruct((E, D), jnp.float32),
    )(edge_h, W1eT, mb1)


def _node_upd_body(h0_ref, h1_ref, d0_ref, d1_ref, x_ref, gh_ref,
                   mw2_ref, mb2_ref, wih_ref, bih_ref, gam_ref, bet_ref,
                   ew_ref, n_ref, pe_ref, qe_ref):
    hs = h0_ref[...] + h1_ref[...]
    deg = d0_ref[:, 0:1] + d1_ref[:, 0:1]
    agg = (jnp.dot(hs, mw2_ref[...], preferred_element_type=jnp.float32,
                   precision=_PREC) + deg * mb2_ref[...])
    gi = jnp.dot(agg, wih_ref[...], preferred_element_type=jnp.float32,
                 precision=_PREC) + bih_ref[...]
    gh = gh_ref[...]
    x = x_ref[...]
    r = jax.nn.sigmoid(gi[:, :D] + gh[:, :D])
    z = jax.nn.sigmoid(gi[:, D:2 * D] + gh[:, D:2 * D])
    n = jnp.tanh(gi[:, 2 * D:] + r * gh[:, 2 * D:])
    new_h = (1.0 - z) * n + z * x
    mu = jnp.mean(new_h, axis=-1, keepdims=True)
    xc = new_h - mu
    var = jnp.mean(xc * xc, axis=-1, keepdims=True)
    normed = xc * jax.lax.rsqrt(var + 1e-5) * gam_ref[...] + bet_ref[...]
    n_ref[...] = normed
    pq = jnp.dot(normed, ew_ref[...], preferred_element_type=jnp.float32,
                 precision=_PREC)
    pe_ref[...] = pq[:, :D]
    qe_ref[...] = pq[:, D:]


def _node_upd(H0, H1, D0, D1, node_h, GH, mW2T, mb2, WihT, bih, gam, bet, eWst):
    BN = 2000
    return pl.pallas_call(
        _node_upd_body,
        grid=(N // BN,),
        in_specs=[
            pl.BlockSpec((BN, D), lambda i: (i, 0)),
            pl.BlockSpec((BN, D), lambda i: (i, 0)),
            pl.BlockSpec((BN, ED), lambda i: (i, 0)),
            pl.BlockSpec((BN, ED), lambda i: (i, 0)),
            pl.BlockSpec((BN, D), lambda i: (i, 0)),
            pl.BlockSpec((BN, 3 * D), lambda i: (i, 0)),
            pl.BlockSpec((D, D), lambda i: (0, 0)),
            pl.BlockSpec((1, D), lambda i: (0, 0)),
            pl.BlockSpec((D, 3 * D), lambda i: (0, 0)),
            pl.BlockSpec((1, 3 * D), lambda i: (0, 0)),
            pl.BlockSpec((1, D), lambda i: (0, 0)),
            pl.BlockSpec((1, D), lambda i: (0, 0)),
            pl.BlockSpec((D, 2 * D), lambda i: (0, 0)),
        ],
        out_specs=[
            pl.BlockSpec((BN, D), lambda i: (i, 0)),
            pl.BlockSpec((BN, D), lambda i: (i, 0)),
            pl.BlockSpec((BN, D), lambda i: (i, 0)),
        ],
        out_shape=[
            jax.ShapeDtypeStruct((N, D), jnp.float32),
            jax.ShapeDtypeStruct((N, D), jnp.float32),
            jax.ShapeDtypeStruct((N, D), jnp.float32),
        ],
    )(H0, H1, D0, D1, node_h, GH, mW2T, mb2, WihT, bih, gam, bet, eWst)


def _edge_fin_body(s_ref, e_ref, w1_ref, b1_ref, w2_ref, b2_ref, o_ref):
    eh = e_ref[...]
    re = jnp.dot(eh, w1_ref[...], preferred_element_type=jnp.float32,
                 precision=_PREC) + b1_ref[...]
    e1 = jnp.maximum(s_ref[...] + re, 0.0)
    eo = jnp.dot(e1, w2_ref[...], preferred_element_type=jnp.float32,
                 precision=_PREC) + b2_ref[...]
    o_ref[...] = jnp.maximum(eo + eh, 0.0)


def _edge_fin(esum, edge_h, eW1eT, eb1, eW2T, eb2):
    BE = 2000
    return pl.pallas_call(
        _edge_fin_body,
        grid=(E // BE,),
        in_specs=[
            pl.BlockSpec((BE, D), lambda i: (i, 0)),
            pl.BlockSpec((BE, ED), lambda i: (i, 0)),
            pl.BlockSpec((ED, D), lambda i: (0, 0)),
            pl.BlockSpec((1, D), lambda i: (0, 0)),
            pl.BlockSpec((D, ED), lambda i: (0, 0)),
            pl.BlockSpec((1, ED), lambda i: (0, 0)),
        ],
        out_specs=pl.BlockSpec((BE, ED), lambda i: (i, 0)),
        out_shape=jax.ShapeDtypeStruct((E, ED), jnp.float32),
    )(esum, edge_h, eW1eT, eb1, eW2T, eb2)



_HALF = 1280
_NPASS = 10240 // _HALF
_HPAD = _HALF + 32
_ZRH = _HPAD // _NS
_OPT = _HALF // _NS
_TRASH = _HALF + 8


def _sc_wid():
    return lax.axis_index("s") * _NC + lax.axis_index("c")


def _sc_h1(P, Q, R, src, tgt):

    @functools.partial(
        pl.kernel,
        out_type=jax.ShapeDtypeStruct((E, D), jnp.float32),
        mesh=_mesh,
        scratch_types=[
            pltpu.VMEM((_CH,), jnp.int32),
            pltpu.VMEM((_CH,), jnp.int32),
            pltpu.VMEM((_CH, D), jnp.float32),
            pltpu.VMEM((_CH, D), jnp.float32),
            pltpu.VMEM((_CH, D), jnp.float32),
            pltpu.SemaphoreType.DMA,
            pltpu.SemaphoreType.DMA,
            pltpu.SemaphoreType.DMA,
        ],
    )
    def body(p_hbm, q_hbm, r_hbm, src_hbm, tgt_hbm, h1_hbm,
             srcv, tgtv, bufP, bufQ, bufR, semP, semQ, semR):
        wid = _sc_wid()

        def do_chunk(e0):
            pltpu.sync_copy(tgt_hbm.at[pl.ds(e0, _CH)], tgtv)
            pltpu.sync_copy(src_hbm.at[pl.ds(e0, _CH)], srcv)
            cpP = pltpu.async_copy(p_hbm.at[srcv], bufP, semP)
            cpQ = pltpu.async_copy(q_hbm.at[tgtv], bufQ, semQ)
            cpR = pltpu.async_copy(r_hbm.at[pl.ds(e0, _CH)], bufR, semR)
            cpP.wait()
            cpQ.wait()
            cpR.wait()

            @pl.loop(0, _CH)
            def _r(rr):
                @pl.loop(0, D, step=_L)
                def _c(cc):
                    v = (bufP[rr, pl.ds(cc, _L)] + bufQ[rr, pl.ds(cc, _L)]
                         + bufR[rr, pl.ds(cc, _L)])
                    bufP[rr, pl.ds(cc, _L)] = jnp.maximum(v, 0.0)

            pltpu.sync_copy(bufP, h1_hbm.at[pl.ds(e0, _CH)])

        @pl.loop(0, _CHW)
        def _main(i):
            do_chunk((wid * _CHW + i) * _CH)

        @pl.when(wid < _CHREM)
        def _tail():
            do_chunk((_NW * _CHW + wid) * _CH)

    return body(P, Q, R, src, tgt)


def _sc_esum(Pe, Qe, src, tgt):

    @functools.partial(
        pl.kernel,
        out_type=jax.ShapeDtypeStruct((E, D), jnp.float32),
        mesh=_mesh,
        scratch_types=[
            pltpu.VMEM((_CH,), jnp.int32),
            pltpu.VMEM((_CH,), jnp.int32),
            pltpu.VMEM((_CH, D), jnp.float32),
            pltpu.VMEM((_CH, D), jnp.float32),
            pltpu.SemaphoreType.DMA,
            pltpu.SemaphoreType.DMA,
        ],
    )
    def body(p_hbm, q_hbm, src_hbm, tgt_hbm, out_hbm,
             srcv, tgtv, bufP, bufQ, semP, semQ):
        wid = _sc_wid()

        def do_chunk(e0):
                pltpu.sync_copy(src_hbm.at[pl.ds(e0, _CH)], srcv)
                pltpu.sync_copy(tgt_hbm.at[pl.ds(e0, _CH)], tgtv)
                cpP = pltpu.async_copy(p_hbm.at[srcv], bufP, semP)
                cpQ = pltpu.async_copy(q_hbm.at[tgtv], bufQ, semQ)
                cpP.wait()
                cpQ.wait()

                @pl.loop(0, _CH)
                def _r(rr):
                    @pl.loop(0, D, step=_L)
                    def _c(cc):
                        bufP[rr, pl.ds(cc, _L)] = (bufP[rr, pl.ds(cc, _L)]
                                                   + bufQ[rr, pl.ds(cc, _L)])

                pltpu.sync_copy(bufP, out_hbm.at[pl.ds(e0, _CH)])

        @pl.loop(0, _CHW)
        def _main(i):
            do_chunk((wid * _CHW + i) * _CH)

        @pl.when(wid < _CHREM)
        def _tail():
            do_chunk((_NW * _CHW + wid) * _CH)

    return body(Pe, Qe, src, tgt)



def kernel(node_h, edge_index, edge_h, mW1, mb1, mW2, mb2, Wih, Whh, bih,
           bhh, gamma, beta, eW1, eb1, eW2, eb2):
    src = edge_index[0]
    tgt = edge_index[1]

    Wn = jnp.concatenate([mW1[:, :D].T, mW1[:, D:2 * D].T, Whh.T], axis=1)
    bn = jnp.concatenate([jnp.zeros((2 * D,), jnp.float32), bhh]).reshape(1, 5 * D)
    P, Q, GH = _node_pre(node_h, Wn, bn)

    Rm = _edge_pre(edge_h, mW1[:, 2 * D:].T, mb1.reshape(1, D))

    h1 = _sc_h1(P, Q, Rm, src, tgt)
    Hfull = jnp.zeros((_NPASS * _HALF, D), jnp.float32).at[tgt].add(h1)
    Dfull = jnp.zeros((_NPASS * _HALF, ED), jnp.float32).at[tgt].add(
        jnp.ones((E, ED), jnp.float32))
    Hr = jnp.stack([Hfull, jnp.zeros_like(Hfull)])
    Dr = jnp.stack([Dfull, jnp.zeros_like(Dfull)])

    eWst = jnp.concatenate([eW1[:, :D].T, eW1[:, D:2 * D].T], axis=1)
    normed, Pe, Qe = _node_upd(
        Hr[0, :N], Hr[1, :N], Dr[0, :N], Dr[1, :N], node_h, GH,
        mW2.T, mb2.reshape(1, D), Wih.T, bih.reshape(1, 3 * D),
        gamma.reshape(1, D), beta.reshape(1, D), eWst)

    esum = _sc_esum(Pe, Qe, src, tgt)

    new_edge = _edge_fin(esum, edge_h, eW1[:, 2 * D:].T, eb1.reshape(1, D),
                         eW2.T, eb2.reshape(1, ED))

    return normed, new_edge

# --- scband reference (transcript-rebuilt; emitter-appended) ---
"""Pipeline reference for scband-signnlayer-15685220565559 (READ-ONLY COPY).

The authoritative reference and input builder live on the scoring server;
editing this copy changes nothing except your own understanding.
"""

import jax, jax.numpy as jnp
import numpy as np

N_NODES = 10000
N_EDGES = 320000
NODE_DIM = 128
EDGE_DIM = 16
HIDDEN_DIM = 128


def _uinit(k, shape, fan_in):
    bound = 1.0 / np.sqrt(fan_in)
    return jax.random.uniform(k, shape, minval=-bound, maxval=bound, dtype=jnp.float32)


def setup_inputs(seed: int = 0) -> dict:
    key = jax.random.key(seed)
    ks = jax.random.split(key, 24)
    inp = {}
    inp["node_h"] = jax.random.normal(ks[0], (N_NODES, NODE_DIM), dtype=jnp.float32)
    inp["edge_index"] = jax.random.randint(ks[1], (2, N_EDGES), 0, N_NODES, dtype=jnp.int32)
    inp["edge_h"] = jax.random.normal(ks[2], (N_EDGES, EDGE_DIM), dtype=jnp.float32)
    din = 2 * NODE_DIM + EDGE_DIM
    # message_net: Linear(din, hidden) -> ReLU -> Linear(hidden, node_dim)
    inp["mW1"] = _uinit(ks[3], (HIDDEN_DIM, din), din)
    inp["mb1"] = _uinit(ks[4], (HIDDEN_DIM,), din)
    inp["mW2"] = _uinit(ks[5], (NODE_DIM, HIDDEN_DIM), HIDDEN_DIM)
    inp["mb2"] = _uinit(ks[6], (NODE_DIM,), HIDDEN_DIM)
    # GRUCell(node_dim, node_dim)
    inp["Wih"] = _uinit(ks[7], (3 * NODE_DIM, NODE_DIM), NODE_DIM)
    inp["Whh"] = _uinit(ks[8], (3 * NODE_DIM, NODE_DIM), NODE_DIM)
    inp["bih"] = _uinit(ks[9], (3 * NODE_DIM,), NODE_DIM)
    inp["bhh"] = _uinit(ks[10], (3 * NODE_DIM,), NODE_DIM)
    # LayerNorm(node_dim)
    inp["gamma"] = jnp.ones((NODE_DIM,), dtype=jnp.float32)
    inp["beta"] = jnp.zeros((NODE_DIM,), dtype=jnp.float32)
    # edge_update: Linear(din, hidden) -> ReLU -> Linear(hidden, edge_dim)
    inp["eW1"] = _uinit(ks[11], (HIDDEN_DIM, din), din)
    inp["eb1"] = _uinit(ks[12], (HIDDEN_DIM,), din)
    inp["eW2"] = _uinit(ks[13], (EDGE_DIM, HIDDEN_DIM), HIDDEN_DIM)
    inp["eb2"] = _uinit(ks[14], (EDGE_DIM,), HIDDEN_DIM)
    return inp


def reference(node_h, edge_index, edge_h, mW1, mb1, mW2, mb2, Wih, Whh, bih, bhh, gamma, beta, eW1, eb1, eW2, eb2):
    src = edge_index[0]
    tgt = edge_index[1]
    src_h = jnp.take(node_h, src, axis=0)
    tgt_h = jnp.take(node_h, tgt, axis=0)
    msg_in = jnp.concatenate([src_h, tgt_h, edge_h], axis=1)
    h1 = jax.nn.relu(msg_in @ mW1.T + mb1)
    messages = h1 @ mW2.T + mb2
    agg = jnp.zeros_like(node_h).at[tgt].add(messages)
    # GRUCell: x=agg, h=node_h
    gi = agg @ Wih.T + bih
    gh = node_h @ Whh.T + bhh
    i_r, i_z, i_n = jnp.split(gi, 3, axis=1)
    h_r, h_z, h_n = jnp.split(gh, 3, axis=1)
    r = jax.nn.sigmoid(i_r + h_r)
    z = jax.nn.sigmoid(i_z + h_z)
    n = jnp.tanh(i_n + r * h_n)
    new_h = (1.0 - z) * n + z * node_h
    mu = jnp.mean(new_h, axis=-1, keepdims=True)
    var = jnp.var(new_h, axis=-1, keepdims=True)
    normed = (new_h - mu) / jnp.sqrt(var + 1e-5) * gamma + beta
    # dropout p=0.0 -> identity
    e_in = jnp.concatenate([jnp.take(normed, src, axis=0), jnp.take(normed, tgt, axis=0), edge_h], axis=1)
    e1 = jax.nn.relu(e_in @ eW1.T + eb1)
    e_out = e1 @ eW2.T + eb2
    new_edge = jax.nn.relu(e_out + edge_h)
    return (normed, new_edge)

if __name__ == "__main__":
    import jax
    _d = setup_inputs()
    print(jax.jit(kernel)(*tuple(_d.values())))

</pallas_src>

<mosaic_0001>
#map = affine_map<(d0, d1) -> (0, 0)>
#map1 = affine_map<(d0, d1) -> (0)>
module attributes {stable_mosaic.version = 14 : i64} {
  func.func @body(%arg0: i32, %arg1: i32, %arg2: memref<10000x128xf32, #tpu.memory_space<hbm>>, %arg3: memref<10000x128xf32, #tpu.memory_space<hbm>>, %arg4: memref<320000x128xf32, #tpu.memory_space<hbm>>, %arg5: memref<320000xi32, #tpu.memory_space<hbm>>, %arg6: memref<320000xi32, #tpu.memory_space<hbm>>, %arg7: memref<320000x128xf32, #tpu.memory_space<hbm>>, %arg8: memref<128xi32, #tpu.memory_space<vmem>>, %arg9: memref<128xi32, #tpu.memory_space<vmem>>, %arg10: memref<128x128xf32, #tpu.memory_space<vmem>>, %arg11: memref<128x128xf32, #tpu.memory_space<vmem>>, %arg12: memref<128x128xf32, #tpu.memory_space<vmem>>, %arg13: memref<!tpu.dma_semaphore, #tpu.memory_space<semaphore_mem>>, %arg14: memref<!tpu.dma_semaphore, #tpu.memory_space<semaphore_mem>>, %arg15: memref<!tpu.dma_semaphore, #tpu.memory_space<semaphore_mem>>) attributes {dimension_semantics = [#tpu.dimension_semantics<core_parallel>, #tpu.dimension_semantics<subcore_parallel>], iteration_bounds = array<i64: 2, 16>, scalar_prefetch = 0 : i64, scratch_operands = 8 : i64, tpu.core_type = #tpu.core_type<sc_vector_subcore>, window_params = [{transform_indices = #map}, {transform_indices = #map}, {transform_indices = #map}, {transform_indices = #map1}, {transform_indices = #map1}, {transform_indices = #map}]} {
    %mul3A = arith.constant 2 : i32
    %mul3A_0 = arith.muli %arg1, %mul3A : i32
    %add3A = arith.addi %mul3A_0, %arg0 : i32
    %scan3A = arith.constant 0 : i32
    %scan3A_1 = arith.constant 78 : i32
    %scan3A_2 = arith.addi %scan3A, %scan3A_1 : i32
    %scan3A_3 = arith.constant 1 : i32
    scf.for %scan3A_7 = %scan3A to %scan3A_2 step %scan3A_3  : i32 {
      %mul3A_8 = arith.constant 1 : i32
      %mul3A_9 = arith.muli %scan3A_7, %mul3A_8 : i32
      %add3A_10 = arith.constant 0 : i32
      %add3A_11 = arith.addi %add3A_10, %mul3A_9 : i32
      %mul3A_12 = arith.constant 78 : i32
      %mul3A_13 = arith.muli %add3A, %mul3A_12 : i32
      %add3A_14 = arith.addi %mul3A_13, %add3A_11 : i32
      %mul3A_15 = arith.constant 128 : i32
      %mul3A_16 = arith.muli %add3A_14, %mul3A_15 : i32
      "tpu.region"() ({
        %run_scoped3A = tpu.sem_alloc : memref<!tpu.dma_semaphore, #tpu.memory_space<semaphore_mem>>
        %dma_start3A_40 = tpu.memref_slice %arg6[%mul3A_16] : memref<320000xi32, #tpu.memory_space<hbm>> -> memref<128xi32, #tpu.memory_space<hbm>>
        %dma_start3A_41 = tpu.memref_slice %arg6[%mul3A_16] : memref<320000xi32, #tpu.memory_space<hbm>> -> memref<128xi32, #tpu.memory_space<hbm>>
        tpu.enqueue_dma source(%dma_start3A_41 : memref<128xi32, #tpu.memory_space<hbm>>) target(%arg9 : memref<128xi32, #tpu.memory_space<vmem>>) target_semaphore(%run_scoped3A : memref<!tpu.dma_semaphore, #tpu.memory_space<semaphore_mem>>)
        %dma_wait3A_42 = tpu.memref_slice %arg6[%mul3A_16] : memref<320000xi32, #tpu.memory_space<hbm>> -> memref<128xi32, #tpu.memory_space<hbm>>
        %dma_wait3A_43 = tpu.memref_slice %arg6[%mul3A_16] : memref<320000xi32, #tpu.memory_space<hbm>> -> memref<128xi32, #tpu.memory_space<hbm>>
        tpu.wait_dma2 semaphore(%run_scoped3A : memref<!tpu.dma_semaphore, #tpu.memory_space<semaphore_mem>>) src(%dma_wait3A_43 : memref<128xi32, #tpu.memory_space<hbm>>) dst(%arg9 : memref<128xi32, #tpu.memory_space<vmem>>)
        tpu.yield
      }) : () -> ()
      "tpu.region"() ({
        %run_scoped3A = tpu.sem_alloc : memref<!tpu.dma_semaphore, #tpu.memory_space<semaphore_mem>>
        %dma_start3A_40 = tpu.memref_slice %arg5[%mul3A_16] : memref<320000xi32, #tpu.memory_space<hbm>> -> memref<128xi32, #tpu.memory_space<hbm>>
        %dma_start3A_41 = tpu.memref_slice %arg5[%mul3A_16] : memref<320000xi32, #tpu.memory_space<hbm>> -> memref<128xi32, #tpu.memory_space<hbm>>
        tpu.enqueue_dma source(%dma_start3A_41 : memref<128xi32, #tpu.memory_space<hbm>>) target(%arg8 : memref<128xi32, #tpu.memory_space<vmem>>) target_semaphore(%run_scoped3A : memref<!tpu.dma_semaphore, #tpu.memory_space<semaphore_mem>>)
        %dma_wait3A_42 = tpu.memref_slice %arg5[%mul3A_16] : memref<320000xi32, #tpu.memory_space<hbm>> -> memref<128xi32, #tpu.memory_space<hbm>>
        %dma_wait3A_43 = tpu.memref_slice %arg5[%mul3A_16] : memref<320000xi32, #tpu.memory_space<hbm>> -> memref<128xi32, #tpu.memory_space<hbm>>
        tpu.wait_dma2 semaphore(%run_scoped3A : memref<!tpu.dma_semaphore, #tpu.memory_space<semaphore_mem>>) src(%dma_wait3A_43 : memref<128xi32, #tpu.memory_space<hbm>>) dst(%arg8 : memref<128xi32, #tpu.memory_space<vmem>>)
        tpu.yield
      }) : () -> ()
      %dma_start3A = arith.constant 0 : i32
      %dma_start3A_17 = arith.constant 0 : i32
      %dma_start3A_18 = tpu.memref_slice %arg2[%dma_start3A, %dma_start3A_17] : memref<10000x128xf32, #tpu.memory_space<hbm>> -> memref<10000x128xf32, #tpu.memory_space<hbm>>
      tpu.enqueue_indirect_dma source(%dma_start3A_18 : memref<10000x128xf32, #tpu.memory_space<hbm>>) target(%arg10 : memref<128x128xf32, #tpu.memory_space<vmem>>) offsets(%arg8 : memref<128xi32, #tpu.memory_space<vmem>>) semaphore(%arg13 : memref<!tpu.dma_semaphore, #tpu.memory_space<semaphore_mem>>)
      %dma_start3A_19 = arith.constant 0 : i32
      %dma_start3A_20 = arith.constant 0 : i32
      %dma_start3A_21 = tpu.memref_slice %arg3[%dma_start3A_19, %dma_start3A_20] : memref<10000x128xf32, #tpu.memory_space<hbm>> -> memref<10000x128xf32, #tpu.memory_space<hbm>>
      tpu.enqueue_indirect_dma source(%dma_start3A_21 : memref<10000x128xf32, #tpu.memory_space<hbm>>) target(%arg11 : memref<128x128xf32, #tpu.memory_space<vmem>>) offsets(%arg9 : memref<128xi32, #tpu.memory_space<vmem>>) semaphore(%arg14 : memref<!tpu.dma_semaphore, #tpu.memory_space<semaphore_mem>>)
      %dma_start3A_22 = arith.constant 0 : i32
      %dma_start3A_23 = tpu.memref_slice %arg4[%mul3A_16, %dma_start3A_22] : memref<320000x128xf32, #tpu.memory_space<hbm>> -> memref<128x128xf32, #tpu.memory_space<hbm>>
      %dma_start3A_24 = arith.constant 0 : i32
      %dma_start3A_25 = tpu.memref_slice %arg4[%mul3A_16, %dma_start3A_24] : memref<320000x128xf32, #tpu.memory_space<hbm>> -> memref<128x128xf32, #tpu.memory_space<hbm>>
      tpu.enqueue_dma source(%dma_start3A_25 : memref<128x128xf32, #tpu.memory_space<hbm>>) target(%arg12 : memref<128x128xf32, #tpu.memory_space<vmem>>) target_semaphore(%arg15 : memref<!tpu.dma_semaphore, #tpu.memory_space<semaphore_mem>>)
      %dma_wait3A = arith.constant 0 : i32
      %dma_wait3A_26 = arith.constant 0 : i32
      %dma_wait3A_27 = tpu.memref_slice %arg2[%dma_wait3A, %dma_wait3A_26] : memref<10000x128xf32, #tpu.memory_space<hbm>> -> memref<10000x128xf32, #tpu.memory_space<hbm>>
      tpu.wait_indirect_dma semaphore(%arg13 : memref<!tpu.dma_semaphore, #tpu.memory_space<semaphore_mem>>) src(%dma_wait3A_27 : memref<10000x128xf32, #tpu.memory_space<hbm>>) dst(%arg10 : memref<128x128xf32, #tpu.memory_space<vmem>>)
      %dma_wait3A_28 = arith.constant 0 : i32
      %dma_wait3A_29 = arith.constant 0 : i32
      %dma_wait3A_30 = tpu.memref_slice %arg3[%dma_wait3A_28, %dma_wait3A_29] : memref<10000x128xf32, #tpu.memory_space<hbm>> -> memref<10000x128xf32, #tpu.memory_space<hbm>>
      tpu.wait_indirect_dma semaphore(%arg14 : memref<!tpu.dma_semaphore, #tpu.memory_space<semaphore_mem>>) src(%dma_wait3A_30 : memref<10000x128xf32, #tpu.memory_space<hbm>>) dst(%arg11 : memref<128x128xf32, #tpu.memory_space<vmem>>)
      %dma_wait3A_31 = arith.constant 0 : i32
      %dma_wait3A_32 = tpu.memref_slice %arg4[%mul3A_16, %dma_wait3A_31] : memref<320000x128xf32, #tpu.memory_space<hbm>> -> memref<128x128xf32, #tpu.memory_space<hbm>>
      %dma_wait3A_33 = arith.constant 0 : i32
      %dma_wait3A_34 = tpu.memref_slice %arg4[%mul3A_16, %dma_wait3A_33] : memref<320000x128xf32, #tpu.memory_space<hbm>> -> memref<128x128xf32, #tpu.memory_space<hbm>>
      tpu.wait_dma2 semaphore(%arg15 : memref<!tpu.dma_semaphore, #tpu.memory_space<semaphore_mem>>) src(%dma_wait3A_34 : memref<128x128xf32, #tpu.memory_space<hbm>>) dst(%arg12 : memref<128x128xf32, #tpu.memory_space<vmem>>)
      %scan3A_35 = arith.constant 0 : i32
      %scan3A_36 = arith.constant 128 : i32
      %scan3A_37 = arith.addi %scan3A_35, %scan3A_36 : i32
      %scan3A_38 = arith.constant 1 : i32
      scf.for %scan3A_40 = %scan3A_35 to %scan3A_37 step %scan3A_38  : i32 {
        %mul3A_41 = arith.constant 1 : i32
        %mul3A_42 = arith.muli %scan3A_40, %mul3A_41 : i32
        %add3A_43 = arith.constant 0 : i32
        %add3A_44 = arith.addi %add3A_43, %mul3A_42 : i32
        %scan3A_45 = arith.constant 0 : i32
        %scan3A_46 = arith.constant 8 : i32
        %scan3A_47 = arith.addi %scan3A_45, %scan3A_46 : i32
        %scan3A_48 = arith.constant 1 : i32
        scf.for %scan3A_50 = %scan3A_45 to %scan3A_47 step %scan3A_48  : i32 {
          %mul3A_51 = arith.constant 16 : i32
          %mul3A_52 = arith.muli %scan3A_50, %mul3A_51 : i32
          %add3A_53 = arith.constant 0 : i32
          %add3A_54 = arith.addi %add3A_53, %mul3A_52 : i32
          %get3A = arith.index_cast %add3A_44 : i32 to index
          %get3A_55 = arith.index_cast %add3A_54 : i32 to index
          %get3A_56 = tpu.vector_load %arg10[%get3A, %get3A_55] {strides = array<i32>} : memref<128x128xf32, #tpu.memory_space<vmem>>, vector<1x16xf32>,
          %get3A_57 = vector.shape_cast %get3A_56 : vector<1x16xf32> to vector<16xf32>
          %get3A_58 = arith.index_cast %add3A_44 : i32 to index
          %get3A_59 = arith.index_cast %add3A_54 : i32 to index
          %get3A_60 = tpu.vector_load %arg11[%get3A_58, %get3A_59] {strides = array<i32>} : memref<128x128xf32, #tpu.memory_space<vmem>>, vector<1x16xf32>,
          %get3A_61 = vector.shape_cast %get3A_60 : vector<1x16xf32> to vector<16xf32>
          %add3A_62 = arith.addf %get3A_57, %get3A_61 : vector<16xf32>
          %get3A_63 = arith.index_cast %add3A_44 : i32 to index
          %get3A_64 = arith.index_cast %add3A_54 : i32 to index
          %get3A_65 = tpu.vector_load %arg12[%get3A_63, %get3A_64] {strides = array<i32>} : memref<128x128xf32, #tpu.memory_space<vmem>>, vector<1x16xf32>,
          %get3A_66 = vector.shape_cast %get3A_65 : vector<1x16xf32> to vector<16xf32>
          %add3A_67 = arith.addf %add3A_62, %get3A_66 : vector<16xf32>
          %max3A = arith.constant 0.000000e+00 : f32
          %max3A_68 = vector.broadcast %max3A : f32 to vector<16xf32>
          %max3A_69 = arith.maximumf %add3A_67, %max3A_68 : vector<16xf32>
          %swap3A = arith.index_cast %add3A_44 : i32 to index
          %swap3A_70 = arith.index_cast %add3A_54 : i32 to index
          %swap3A_71 = tpu.vector_load %arg10[%swap3A, %swap3A_70] {strides = array<i32>} : memref<128x128xf32, #tpu.memory_space<vmem>>, vector<1x16xf32>,
          %swap3A_72 = vector.shape_cast %swap3A_71 : vector<1x16xf32> to vector<16xf32>
          %swap3A_73 = vector.shape_cast %max3A_69 : vector<16xf32> to vector<1x16xf32>
          tpu.vector_store %arg10[%swap3A, %swap3A_70], %swap3A_73 {strides = array<i32>} : memref<128x128xf32, #tpu.memory_space<vmem>>, vector<1x16xf32>,
        }
        %scan3A_49 = arith.constant 8 : i32
      }
      %scan3A_39 = arith.constant 128 : i32
      "tpu.region"() ({
        %run_scoped3A = tpu.sem_alloc : memref<!tpu.dma_semaphore, #tpu.memory_space<semaphore_mem>>
        %dma_start3A_40 = arith.constant 0 : i32
        %dma_start3A_41 = tpu.memref_slice %arg7[%mul3A_16, %dma_start3A_40] : memref<320000x128xf32, #tpu.memory_space<hbm>> -> memref<128x128xf32, #tpu.memory_space<hbm>>
        %dma_start3A_42 = arith.constant 0 : i32
        %dma_start3A_43 = tpu.memref_slice %arg7[%mul3A_16, %dma_start3A_42] : memref<320000x128xf32, #tpu.memory_space<hbm>> -> memref<128x128xf32, #tpu.memory_space<hbm>>
        tpu.enqueue_dma source(%arg10 : memref<128x128xf32, #tpu.memory_space<vmem>>) target(%dma_start3A_43 : memref<128x128xf32, #tpu.memory_space<hbm>>) target_semaphore(%run_scoped3A : memref<!tpu.dma_semaphore, #tpu.memory_space<semaphore_mem>>)
        %dma_wait3A_44 = arith.constant 0 : i32
        %dma_wait3A_45 = tpu.memref_slice %arg7[%mul3A_16, %dma_wait3A_44] : memref<320000x128xf32, #tpu.memory_space<hbm>> -> memref<128x128xf32, #tpu.memory_space<hbm>>
        %dma_wait3A_46 = arith.constant 0 : i32
        %dma_wait3A_47 = tpu.memref_slice %arg7[%mul3A_16, %dma_wait3A_46] : memref<320000x128xf32, #tpu.memory_space<hbm>> -> memref<128x128xf32, #tpu.memory_space<hbm>>
        tpu.wait_dma2 semaphore(%run_scoped3A : memref<!tpu.dma_semaphore, #tpu.memory_space<semaphore_mem>>) src(%arg10 : memref<128x128xf32, #tpu.memory_space<vmem>>) dst(%dma_wait3A_47 : memref<128x128xf32, #tpu.memory_space<hbm>>)
        tpu.yield
      }) : () -> ()
    }
    %scan3A_4 = arith.constant 78 : i32
    %lt3A = arith.constant 4 : i32
    %lt3A_5 = arith.cmpi slt, %add3A, %lt3A : i32
    %convert_element_type3A = arith.extui %lt3A_5 : i1 to i32
    %cond3A = arith.constant 0 : i32
    %cond3A_6 = arith.cmpi ne, %convert_element_type3A, %cond3A : i32
    scf.if %cond3A_6 {
      %add3A_7 = arith.constant 2496 : i32
      %add3A_8 = arith.addi %add3A_7, %add3A : i32
      %mul3A_9 = arith.constant 128 : i32
      %mul3A_10 = arith.muli %add3A_8, %mul3A_9 : i32
      "tpu.region"() ({
        %run_scoped3A = tpu.sem_alloc : memref<!tpu.dma_semaphore, #tpu.memory_space<semaphore_mem>>
        %dma_start3A_34 = tpu.memref_slice %arg6[%mul3A_10] : memref<320000xi32, #tpu.memory_space<hbm>> -> memref<128xi32, #tpu.memory_space<hbm>>
        %dma_start3A_35 = tpu.memref_slice %arg6[%mul3A_10] : memref<320000xi32, #tpu.memory_space<hbm>> -> memref<128xi32, #tpu.memory_space<hbm>>
        tpu.enqueue_dma source(%dma_start3A_35 : memref<128xi32, #tpu.memory_space<hbm>>) target(%arg9 : memref<128xi32, #tpu.memory_space<vmem>>) target_semaphore(%run_scoped3A : memref<!tpu.dma_semaphore, #tpu.memory_space<semaphore_mem>>)
        %dma_wait3A_36 = tpu.memref_slice %arg6[%mul3A_10] : memref<320000xi32, #tpu.memory_space<hbm>> -> memref<128xi32, #tpu.memory_space<hbm>>
        %dma_wait3A_37 = tpu.memref_slice %arg6[%mul3A_10] : memref<320000xi32, #tpu.memory_space<hbm>> -> memref<128xi32, #tpu.memory_space<hbm>>
        tpu.wait_dma2 semaphore(%run_scoped3A : memref<!tpu.dma_semaphore, #tpu.memory_space<semaphore_mem>>) src(%dma_wait3A_37 : memref<128xi32, #tpu.memory_space<hbm>>) dst(%arg9 : memref<128xi32, #tpu.memory_space<vmem>>)
        tpu.yield
      }) : () -> ()
      "tpu.region"() ({
        %run_scoped3A = tpu.sem_alloc : memref<!tpu.dma_semaphore, #tpu.memory_space<semaphore_mem>>
        %dma_start3A_34 = tpu.memref_slice %arg5[%mul3A_10] : memref<320000xi32, #tpu.memory_space<hbm>> -> memref<128xi32, #tpu.memory_space<hbm>>
        %dma_start3A_35 = tpu.memref_slice %arg5[%mul3A_10] : memref<320000xi32, #tpu.memory_space<hbm>> -> memref<128xi32, #tpu.memory_space<hbm>>
        tpu.enqueue_dma source(%dma_start3A_35 : memref<128xi32, #tpu.memory_space<hbm>>) target(%arg8 : memref<128xi32, #tpu.memory_space<vmem>>) target_semaphore(%run_scoped3A : memref<!tpu.dma_semaphore, #tpu.memory_space<semaphore_mem>>)
        %dma_wait3A_36 = tpu.memref_slice %arg5[%mul3A_10] : memref<320000xi32, #tpu.memory_space<hbm>> -> memref<128xi32, #tpu.memory_space<hbm>>
        %dma_wait3A_37 = tpu.memref_slice %arg5[%mul3A_10] : memref<320000xi32, #tpu.memory_space<hbm>> -> memref<128xi32, #tpu.memory_space<hbm>>
        tpu.wait_dma2 semaphore(%run_scoped3A : memref<!tpu.dma_semaphore, #tpu.memory_space<semaphore_mem>>) src(%dma_wait3A_37 : memref<128xi32, #tpu.memory_space<hbm>>) dst(%arg8 : memref<128xi32, #tpu.memory_space<vmem>>)
        tpu.yield
      }) : () -> ()
      %dma_start3A = arith.constant 0 : i32
      %dma_start3A_11 = arith.constant 0 : i32
      %dma_start3A_12 = tpu.memref_slice %arg2[%dma_start3A, %dma_start3A_11] : memref<10000x128xf32, #tpu.memory_space<hbm>> -> memref<10000x128xf32, #tpu.memory_space<hbm>>
      tpu.enqueue_indirect_dma source(%dma_start3A_12 : memref<10000x128xf32, #tpu.memory_space<hbm>>) target(%arg10 : memref<128x128xf32, #tpu.memory_space<vmem>>) offsets(%arg8 : memref<128xi32, #tpu.memory_space<vmem>>) semaphore(%arg13 : memref<!tpu.dma_semaphore, #tpu.memory_space<semaphore_mem>>)
      %dma_start3A_13 = arith.constant 0 : i32
      %dma_start3A_14 = arith.constant 0 : i32
      %dma_start3A_15 = tpu.memref_slice %arg3[%dma_start3A_13, %dma_start3A_14] : memref<10000x128xf32, #tpu.memory_space<hbm>> -> memref<10000x128xf32, #tpu.memory_space<hbm>>
      tpu.enqueue_indirect_dma source(%dma_start3A_15 : memref<10000x128xf32, #tpu.memory_space<hbm>>) target(%arg11 : memref<128x128xf32, #tpu.memory_space<vmem>>) offsets(%arg9 : memref<128xi32, #tpu.memory_space<vmem>>) semaphore(%arg14 : memref<!tpu.dma_semaphore, #tpu.memory_space<semaphore_mem>>)
      %dma_start3A_16 = arith.constant 0 : i32
      %dma_start3A_17 = tpu.memref_slice %arg4[%mul3A_10, %dma_start3A_16] : memref<320000x128xf32, #tpu.memory_space<hbm>> -> memref<128x128xf32, #tpu.memory_space<hbm>>
      %dma_start3A_18 = arith.constant 0 : i32
      %dma_start3A_19 = tpu.memref_slice %arg4[%mul3A_10, %dma_start3A_18] : memref<320000x128xf32, #tpu.memory_space<hbm>> -> memref<128x128xf32, #tpu.memory_space<hbm>>
      tpu.enqueue_dma source(%dma_start3A_19 : memref<128x128xf32, #tpu.memory_space<hbm>>) target(%arg12 : memref<128x128xf32, #tpu.memory_space<vmem>>) target_semaphore(%arg15 : memref<!tpu.dma_semaphore, #tpu.memory_space<semaphore_mem>>)
      %dma_wait3A = arith.constant 0 : i32
      %dma_wait3A_20 = arith.constant 0 : i32
      %dma_wait3A_21 = tpu.memref_slice %arg2[%dma_wait3A, %dma_wait3A_20] : memref<10000x128xf32, #tpu.memory_space<hbm>> -> memref<10000x128xf32, #tpu.memory_space<hbm>>
      tpu.wait_indirect_dma semaphore(%arg13 : memref<!tpu.dma_semaphore, #tpu.memory_space<semaphore_mem>>) src(%dma_wait3A_21 : memref<10000x128xf32, #tpu.memory_space<hbm>>) dst(%arg10 : memref<128x128xf32, #tpu.memory_space<vmem>>)
      %dma_wait3A_22 = arith.constant 0 : i32
      %dma_wait3A_23 = arith.constant 0 : i32
      %dma_wait3A_24 = tpu.memref_slice %arg3[%dma_wait3A_22, %dma_wait3A_23] : memref<10000x128xf32, #tpu.memory_space<hbm>> -> memref<10000x128xf32, #tpu.memory_space<hbm>>
      tpu.wait_indirect_dma semaphore(%arg14 : memref<!tpu.dma_semaphore, #tpu.memory_space<semaphore_mem>>) src(%dma_wait3A_24 : memref<10000x128xf32, #tpu.memory_space<hbm>>) dst(%arg11 : memref<128x128xf32, #tpu.memory_space<vmem>>)
      %dma_wait3A_25 = arith.constant 0 : i32
      %dma_wait3A_26 = tpu.memref_slice %arg4[%mul3A_10, %dma_wait3A_25] : memref<320000x128xf32, #tpu.memory_space<hbm>> -> memref<128x128xf32, #tpu.memory_space<hbm>>
      %dma_wait3A_27 = arith.constant 0 : i32
      %dma_wait3A_28 = tpu.memref_slice %arg4[%mul3A_10, %dma_wait3A_27] : memref<320000x128xf32, #tpu.memory_space<hbm>> -> memref<128x128xf32, #tpu.memory_space<hbm>>
      tpu.wait_dma2 semaphore(%arg15 : memref<!tpu.dma_semaphore, #tpu.memory_space<semaphore_mem>>) src(%dma_wait3A_28 : memref<128x128xf32, #tpu.memory_space<hbm>>) dst(%arg12 : memref<128x128xf32, #tpu.memory_space<vmem>>)
      %scan3A_29 = arith.constant 0 : i32
      %scan3A_30 = arith.constant 128 : i32
      %scan3A_31 = arith.addi %scan3A_29, %scan3A_30 : i32
      %scan3A_32 = arith.constant 1 : i32
      scf.for %scan3A_34 = %scan3A_29 to %scan3A_31 step %scan3A_32  : i32 {
        %mul3A_35 = arith.constant 1 : i32
        %mul3A_36 = arith.muli %scan3A_34, %mul3A_35 : i32
        %add3A_37 = arith.constant 0 : i32
        %add3A_38 = arith.addi %add3A_37, %mul3A_36 : i32
        %scan3A_39 = arith.constant 0 : i32
        %scan3A_40 = arith.constant 8 : i32
        %scan3A_41 = arith.addi %scan3A_39, %scan3A_40 : i32
        %scan3A_42 = arith.constant 1 : i32
        scf.for %scan3A_44 = %scan3A_39 to %scan3A_41 step %scan3A_42  : i32 {
          %mul3A_45 = arith.constant 16 : i32
          %mul3A_46 = arith.muli %scan3A_44, %mul3A_45 : i32
          %add3A_47 = arith.constant 0 : i32
          %add3A_48 = arith.addi %add3A_47, %mul3A_46 : i32
          %get3A = arith.index_cast %add3A_38 : i32 to index
          %get3A_49 = arith.index_cast %add3A_48 : i32 to index
          %get3A_50 = tpu.vector_load %arg10[%get3A, %get3A_49] {strides = array<i32>} : memref<128x128xf32, #tpu.memory_space<vmem>>, vector<1x16xf32>,
          %get3A_51 = vector.shape_cast %get3A_50 : vector<1x16xf32> to vector<16xf32>
          %get3A_52 = arith.index_cast %add3A_38 : i32 to index
          %get3A_53 = arith.index_cast %add3A_48 : i32 to index
          %get3A_54 = tpu.vector_load %arg11[%get3A_52, %get3A_53] {strides = array<i32>} : memref<128x128xf32, #tpu.memory_space<vmem>>, vector<1x16xf32>,
          %get3A_55 = vector.shape_cast %get3A_54 : vector<1x16xf32> to vector<16xf32>
          %add3A_56 = arith.addf %get3A_51, %get3A_55 : vector<16xf32>
          %get3A_57 = arith.index_cast %add3A_38 : i32 to index
          %get3A_58 = arith.index_cast %add3A_48 : i32 to index
          %get3A_59 = tpu.vector_load %arg12[%get3A_57, %get3A_58] {strides = array<i32>} : memref<128x128xf32, #tpu.memory_space<vmem>>, vector<1x16xf32>,
          %get3A_60 = vector.shape_cast %get3A_59 : vector<1x16xf32> to vector<16xf32>
          %add3A_61 = arith.addf %add3A_56, %get3A_60 : vector<16xf32>
          %max3A = arith.constant 0.000000e+00 : f32
          %max3A_62 = vector.broadcast %max3A : f32 to vector<16xf32>
          %max3A_63 = arith.maximumf %add3A_61, %max3A_62 : vector<16xf32>
          %swap3A = arith.index_cast %add3A_38 : i32 to index
          %swap3A_64 = arith.index_cast %add3A_48 : i32 to index
          %swap3A_65 = tpu.vector_load %arg10[%swap3A, %swap3A_64] {strides = array<i32>} : memref<128x128xf32, #tpu.memory_space<vmem>>, vector<1x16xf32>,
          %swap3A_66 = vector.shape_cast %swap3A_65 : vector<1x16xf32> to vector<16xf32>
          %swap3A_67 = vector.shape_cast %max3A_63 : vector<16xf32> to vector<1x16xf32>
          tpu.vector_store %arg10[%swap3A, %swap3A_64], %swap3A_67 {strides = array<i32>} : memref<128x128xf32, #tpu.memory_space<vmem>>, vector<1x16xf32>,
        }
        %scan3A_43 = arith.constant 8 : i32
      }
      %scan3A_33 = arith.constant 128 : i32
      "tpu.region"() ({
        %run_scoped3A = tpu.sem_alloc : memref<!tpu.dma_semaphore, #tpu.memory_space<semaphore_mem>>
        %dma_start3A_34 = arith.constant 0 : i32
        %dma_start3A_35 = tpu.memref_slice %arg7[%mul3A_10, %dma_start3A_34] : memref<320000x128xf32, #tpu.memory_space<hbm>> -> memref<128x128xf32, #tpu.memory_space<hbm>>
        %dma_start3A_36 = arith.constant 0 : i32
        %dma_start3A_37 = tpu.memref_slice %arg7[%mul3A_10, %dma_start3A_36] : memref<320000x128xf32, #tpu.memory_space<hbm>> -> memref<128x128xf32, #tpu.memory_space<hbm>>
        tpu.enqueue_dma source(%arg10 : memref<128x128xf32, #tpu.memory_space<vmem>>) target(%dma_start3A_37 : memref<128x128xf32, #tpu.memory_space<hbm>>) target_semaphore(%run_scoped3A : memref<!tpu.dma_semaphore, #tpu.memory_space<semaphore_mem>>)
        %dma_wait3A_38 = arith.constant 0 : i32
        %dma_wait3A_39 = tpu.memref_slice %arg7[%mul3A_10, %dma_wait3A_38] : memref<320000x128xf32, #tpu.memory_space<hbm>> -> memref<128x128xf32, #tpu.memory_space<hbm>>
        %dma_wait3A_40 = arith.constant 0 : i32
        %dma_wait3A_41 = tpu.memref_slice %arg7[%mul3A_10, %dma_wait3A_40] : memref<320000x128xf32, #tpu.memory_space<hbm>> -> memref<128x128xf32, #tpu.memory_space<hbm>>
        tpu.wait_dma2 semaphore(%run_scoped3A : memref<!tpu.dma_semaphore, #tpu.memory_space<semaphore_mem>>) src(%arg10 : memref<128x128xf32, #tpu.memory_space<vmem>>) dst(%dma_wait3A_41 : memref<128x128xf32, #tpu.memory_space<hbm>>)
        tpu.yield
      }) : () -> ()
    } else {
    }
    return
  }
}

#map = affine_map<(d0, d1) -> (0, 0)>
#map1 = affine_map<(d0, d1) -> (0)>
module attributes {stable_mosaic.version = 14 : i64} {
  func.func @body(%arg0: i32, %arg1: i32, %arg2: memref<10000x128xf32, #tpu.memory_space<hbm>>, %arg3: memref<10000x128xf32, #tpu.memory_space<hbm>>, %arg4: memref<320000xi32, #tpu.memory_space<hbm>>, %arg5: memref<320000xi32, #tpu.memory_space<hbm>>, %arg6: memref<320000x128xf32, #tpu.memory_space<hbm>>, %arg7: memref<128xi32, #tpu.memory_space<vmem>>, %arg8: memref<128xi32, #tpu.memory_space<vmem>>, %arg9: memref<128x128xf32, #tpu.memory_space<vmem>>, %arg10: memref<128x128xf32, #tpu.memory_space<vmem>>, %arg11: memref<!tpu.dma_semaphore, #tpu.memory_space<semaphore_mem>>, %arg12: memref<!tpu.dma_semaphore, #tpu.memory_space<semaphore_mem>>) attributes {dimension_semantics = [#tpu.dimension_semantics<core_parallel>, #tpu.dimension_semantics<subcore_parallel>], iteration_bounds = array<i64: 2, 16>, scalar_prefetch = 0 : i64, scratch_operands = 6 : i64, tpu.core_type = #tpu.core_type<sc_vector_subcore>, window_params = [{transform_indices = #map}, {transform_indices = #map}, {transform_indices = #map1}, {transform_indices = #map1}, {transform_indices = #map}]} {
    %mul3A = arith.constant 2 : i32
    %mul3A_0 = arith.muli %arg1, %mul3A : i32
    %add3A = arith.addi %mul3A_0, %arg0 : i32
    %scan3A = arith.constant 0 : i32
    %scan3A_1 = arith.constant 78 : i32
    %scan3A_2 = arith.addi %scan3A, %scan3A_1 : i32
    %scan3A_3 = arith.constant 1 : i32
    scf.for %scan3A_7 = %scan3A to %scan3A_2 step %scan3A_3  : i32 {
      %mul3A_8 = arith.constant 1 : i32
      %mul3A_9 = arith.muli %scan3A_7, %mul3A_8 : i32
      %add3A_10 = arith.constant 0 : i32
      %add3A_11 = arith.addi %add3A_10, %mul3A_9 : i32
      %mul3A_12 = arith.constant 78 : i32
      %mul3A_13 = arith.muli %add3A, %mul3A_12 : i32
      %add3A_14 = arith.addi %mul3A_13, %add3A_11 : i32
      %mul3A_15 = arith.constant 128 : i32
      %mul3A_16 = arith.muli %add3A_14, %mul3A_15 : i32
      "tpu.region"() ({
        %run_scoped3A = tpu.sem_alloc : memref<!tpu.dma_semaphore, #tpu.memory_space<semaphore_mem>>
        %dma_start3A_32 = tpu.memref_slice %arg4[%mul3A_16] : memref<320000xi32, #tpu.memory_space<hbm>> -> memref<128xi32, #tpu.memory_space<hbm>>
        %dma_start3A_33 = tpu.memref_slice %arg4[%mul3A_16] : memref<320000xi32, #tpu.memory_space<hbm>> -> memref<128xi32, #tpu.memory_space<hbm>>
        tpu.enqueue_dma source(%dma_start3A_33 : memref<128xi32, #tpu.memory_space<hbm>>) target(%arg7 : memref<128xi32, #tpu.memory_space<vmem>>) target_semaphore(%run_scoped3A : memref<!tpu.dma_semaphore, #tpu.memory_space<semaphore_mem>>)
        %dma_wait3A_34 = tpu.memref_slice %arg4[%mul3A_16] : memref<320000xi32, #tpu.memory_space<hbm>> -> memref<128xi32, #tpu.memory_space<hbm>>
        %dma_wait3A_35 = tpu.memref_slice %arg4[%mul3A_16] : memref<320000xi32, #tpu.memory_space<hbm>> -> memref<128xi32, #tpu.memory_space<hbm>>
        tpu.wait_dma2 semaphore(%run_scoped3A : memref<!tpu.dma_semaphore, #tpu.memory_space<semaphore_mem>>) src(%dma_wait3A_35 : memref<128xi32, #tpu.memory_space<hbm>>) dst(%arg7 : memref<128xi32, #tpu.memory_space<vmem>>)
        tpu.yield
      }) : () -> ()
      "tpu.region"() ({
        %run_scoped3A = tpu.sem_alloc : memref<!tpu.dma_semaphore, #tpu.memory_space<semaphore_mem>>
        %dma_start3A_32 = tpu.memref_slice %arg5[%mul3A_16] : memref<320000xi32, #tpu.memory_space<hbm>> -> memref<128xi32, #tpu.memory_space<hbm>>
        %dma_start3A_33 = tpu.memref_slice %arg5[%mul3A_16] : memref<320000xi32, #tpu.memory_space<hbm>> -> memref<128xi32, #tpu.memory_space<hbm>>
        tpu.enqueue_dma source(%dma_start3A_33 : memref<128xi32, #tpu.memory_space<hbm>>) target(%arg8 : memref<128xi32, #tpu.memory_space<vmem>>) target_semaphore(%run_scoped3A : memref<!tpu.dma_semaphore, #tpu.memory_space<semaphore_mem>>)
        %dma_wait3A_34 = tpu.memref_slice %arg5[%mul3A_16] : memref<320000xi32, #tpu.memory_space<hbm>> -> memref<128xi32, #tpu.memory_space<hbm>>
        %dma_wait3A_35 = tpu.memref_slice %arg5[%mul3A_16] : memref<320000xi32, #tpu.memory_space<hbm>> -> memref<128xi32, #tpu.memory_space<hbm>>
        tpu.wait_dma2 semaphore(%run_scoped3A : memref<!tpu.dma_semaphore, #tpu.memory_space<semaphore_mem>>) src(%dma_wait3A_35 : memref<128xi32, #tpu.memory_space<hbm>>) dst(%arg8 : memref<128xi32, #tpu.memory_space<vmem>>)
        tpu.yield
      }) : () -> ()
      %dma_start3A = arith.constant 0 : i32
      %dma_start3A_17 = arith.constant 0 : i32
      %dma_start3A_18 = tpu.memref_slice %arg2[%dma_start3A, %dma_start3A_17] : memref<10000x128xf32, #tpu.memory_space<hbm>> -> memref<10000x128xf32, #tpu.memory_space<hbm>>
      tpu.enqueue_indirect_dma source(%dma_start3A_18 : memref<10000x128xf32, #tpu.memory_space<hbm>>) target(%arg9 : memref<128x128xf32, #tpu.memory_space<vmem>>) offsets(%arg7 : memref<128xi32, #tpu.memory_space<vmem>>) semaphore(%arg11 : memref<!tpu.dma_semaphore, #tpu.memory_space<semaphore_mem>>)
      %dma_start3A_19 = arith.constant 0 : i32
      %dma_start3A_20 = arith.constant 0 : i32
      %dma_start3A_21 = tpu.memref_slice %arg3[%dma_start3A_19, %dma_start3A_20] : memref<10000x128xf32, #tpu.memory_space<hbm>> -> memref<10000x128xf32, #tpu.memory_space<hbm>>
      tpu.enqueue_indirect_dma source(%dma_start3A_21 : memref<10000x128xf32, #tpu.memory_space<hbm>>) target(%arg10 : memref<128x128xf32, #tpu.memory_space<vmem>>) offsets(%arg8 : memref<128xi32, #tpu.memory_space<vmem>>) semaphore(%arg12 : memref<!tpu.dma_semaphore, #tpu.memory_space<semaphore_mem>>)
      %dma_wait3A = arith.constant 0 : i32
      %dma_wait3A_22 = arith.constant 0 : i32
      %dma_wait3A_23 = tpu.memref_slice %arg2[%dma_wait3A, %dma_wait3A_22] : memref<10000x128xf32, #tpu.memory_space<hbm>> -> memref<10000x128xf32, #tpu.memory_space<hbm>>
      tpu.wait_indirect_dma semaphore(%arg11 : memref<!tpu.dma_semaphore, #tpu.memory_space<semaphore_mem>>) src(%dma_wait3A_23 : memref<10000x128xf32, #tpu.memory_space<hbm>>) dst(%arg9 : memref<128x128xf32, #tpu.memory_space<vmem>>)
      %dma_wait3A_24 = arith.constant 0 : i32
      %dma_wait3A_25 = arith.constant 0 : i32
      %dma_wait3A_26 = tpu.memref_slice %arg3[%dma_wait3A_24, %dma_wait3A_25] : memref<10000x128xf32, #tpu.memory_space<hbm>> -> memref<10000x128xf32, #tpu.memory_space<hbm>>
      tpu.wait_indirect_dma semaphore(%arg12 : memref<!tpu.dma_semaphore, #tpu.memory_space<semaphore_mem>>) src(%dma_wait3A_26 : memref<10000x128xf32, #tpu.memory_space<hbm>>) dst(%arg10 : memref<128x128xf32, #tpu.memory_space<vmem>>)
      %scan3A_27 = arith.constant 0 : i32
      %scan3A_28 = arith.constant 128 : i32
      %scan3A_29 = arith.addi %scan3A_27, %scan3A_28 : i32
      %scan3A_30 = arith.constant 1 : i32
      scf.for %scan3A_32 = %scan3A_27 to %scan3A_29 step %scan3A_30  : i32 {
        %mul3A_33 = arith.constant 1 : i32
        %mul3A_34 = arith.muli %scan3A_32, %mul3A_33 : i32
        %add3A_35 = arith.constant 0 : i32
        %add3A_36 = arith.addi %add3A_35, %mul3A_34 : i32
        %scan3A_37 = arith.constant 0 : i32
        %scan3A_38 = arith.constant 8 : i32
        %scan3A_39 = arith.addi %scan3A_37, %scan3A_38 : i32
        %scan3A_40 = arith.constant 1 : i32
        scf.for %scan3A_42 = %scan3A_37 to %scan3A_39 step %scan3A_40  : i32 {
          %mul3A_43 = arith.constant 16 : i32
          %mul3A_44 = arith.muli %scan3A_42, %mul3A_43 : i32
          %add3A_45 = arith.constant 0 : i32
          %add3A_46 = arith.addi %add3A_45, %mul3A_44 : i32
          %get3A = arith.index_cast %add3A_36 : i32 to index
          %get3A_47 = arith.index_cast %add3A_46 : i32 to index
          %get3A_48 = tpu.vector_load %arg9[%get3A, %get3A_47] {strides = array<i32>} : memref<128x128xf32, #tpu.memory_space<vmem>>, vector<1x16xf32>,
          %get3A_49 = vector.shape_cast %get3A_48 : vector<1x16xf32> to vector<16xf32>
          %get3A_50 = arith.index_cast %add3A_36 : i32 to index
          %get3A_51 = arith.index_cast %add3A_46 : i32 to index
          %get3A_52 = tpu.vector_load %arg10[%get3A_50, %get3A_51] {strides = array<i32>} : memref<128x128xf32, #tpu.memory_space<vmem>>, vector<1x16xf32>,
          %get3A_53 = vector.shape_cast %get3A_52 : vector<1x16xf32> to vector<16xf32>
          %add3A_54 = arith.addf %get3A_49, %get3A_53 : vector<16xf32>
          %swap3A = arith.index_cast %add3A_36 : i32 to index
          %swap3A_55 = arith.index_cast %add3A_46 : i32 to index
          %swap3A_56 = tpu.vector_load %arg9[%swap3A, %swap3A_55] {strides = array<i32>} : memref<128x128xf32, #tpu.memory_space<vmem>>, vector<1x16xf32>,
          %swap3A_57 = vector.shape_cast %swap3A_56 : vector<1x16xf32> to vector<16xf32>
          %swap3A_58 = vector.shape_cast %add3A_54 : vector<16xf32> to vector<1x16xf32>
          tpu.vector_store %arg9[%swap3A, %swap3A_55], %swap3A_58 {strides = array<i32>} : memref<128x128xf32, #tpu.memory_space<vmem>>, vector<1x16xf32>,
        }
        %scan3A_41 = arith.constant 8 : i32
      }
      %scan3A_31 = arith.constant 128 : i32
      "tpu.region"() ({
        %run_scoped3A = tpu.sem_alloc : memref<!tpu.dma_semaphore, #tpu.memory_space<semaphore_mem>>
        %dma_start3A_32 = arith.constant 0 : i32
        %dma_start3A_33 = tpu.memref_slice %arg6[%mul3A_16, %dma_start3A_32] : memref<320000x128xf32, #tpu.memory_space<hbm>> -> memref<128x128xf32, #tpu.memory_space<hbm>>
        %dma_start3A_34 = arith.constant 0 : i32
        %dma_start3A_35 = tpu.memref_slice %arg6[%mul3A_16, %dma_start3A_34] : memref<320000x128xf32, #tpu.memory_space<hbm>> -> memref<128x128xf32, #tpu.memory_space<hbm>>
        tpu.enqueue_dma source(%arg9 : memref<128x128xf32, #tpu.memory_space<vmem>>) target(%dma_start3A_35 : memref<128x128xf32, #tpu.memory_space<hbm>>) target_semaphore(%run_scoped3A : memref<!tpu.dma_semaphore, #tpu.memory_space<semaphore_mem>>)
        %dma_wait3A_36 = arith.constant 0 : i32
        %dma_wait3A_37 = tpu.memref_slice %arg6[%mul3A_16, %dma_wait3A_36] : memref<320000x128xf32, #tpu.memory_space<hbm>> -> memref<128x128xf32, #tpu.memory_space<hbm>>
        %dma_wait3A_38 = arith.constant 0 : i32
        %dma_wait3A_39 = tpu.memref_slice %arg6[%mul3A_16, %dma_wait3A_38] : memref<320000x128xf32, #tpu.memory_space<hbm>> -> memref<128x128xf32, #tpu.memory_space<hbm>>
        tpu.wait_dma2 semaphore(%run_scoped3A : memref<!tpu.dma_semaphore, #tpu.memory_space<semaphore_mem>>) src(%arg9 : memref<128x128xf32, #tpu.memory_space<vmem>>) dst(%dma_wait3A_39 : memref<128x128xf32, #tpu.memory_space<hbm>>)
        tpu.yield
      }) : () -> ()
    }
    %scan3A_4 = arith.constant 78 : i32
    %lt3A = arith.constant 4 : i32
    %lt3A_5 = arith.cmpi slt, %add3A, %lt3A : i32
    %convert_element_type3A = arith.extui %lt3A_5 : i1 to i32
    %cond3A = arith.constant 0 : i32
    %cond3A_6 = arith.cmpi ne, %convert_element_type3A, %cond3A : i32
    scf.if %cond3A_6 {
      %add3A_7 = arith.constant 2496 : i32
      %add3A_8 = arith.addi %add3A_7, %add3A : i32
      %mul3A_9 = arith.constant 128 : i32
      %mul3A_10 = arith.muli %add3A_8, %mul3A_9 : i32
      "tpu.region"() ({
        %run_scoped3A = tpu.sem_alloc : memref<!tpu.dma_semaphore, #tpu.memory_space<semaphore_mem>>
        %dma_start3A_26 = tpu.memref_slice %arg4[%mul3A_10] : memref<320000xi32, #tpu.memory_space<hbm>> -> memref<128xi32, #tpu.memory_space<hbm>>
        %dma_start3A_27 = tpu.memref_slice %arg4[%mul3A_10] : memref<320000xi32, #tpu.memory_space<hbm>> -> memref<128xi32, #tpu.memory_space<hbm>>
        tpu.enqueue_dma source(%dma_start3A_27 : memref<128xi32, #tpu.memory_space<hbm>>) target(%arg7 : memref<128xi32, #tpu.memory_space<vmem>>) target_semaphore(%run_scoped3A : memref<!tpu.dma_semaphore, #tpu.memory_space<semaphore_mem>>)
        %dma_wait3A_28 = tpu.memref_slice %arg4[%mul3A_10] : memref<320000xi32, #tpu.memory_space<hbm>> -> memref<128xi32, #tpu.memory_space<hbm>>
        %dma_wait3A_29 = tpu.memref_slice %arg4[%mul3A_10] : memref<320000xi32, #tpu.memory_space<hbm>> -> memref<128xi32, #tpu.memory_space<hbm>>
        tpu.wait_dma2 semaphore(%run_scoped3A : memref<!tpu.dma_semaphore, #tpu.memory_space<semaphore_mem>>) src(%dma_wait3A_29 : memref<128xi32, #tpu.memory_space<hbm>>) dst(%arg7 : memref<128xi32, #tpu.memory_space<vmem>>)
        tpu.yield
      }) : () -> ()
      "tpu.region"() ({
        %run_scoped3A = tpu.sem_alloc : memref<!tpu.dma_semaphore, #tpu.memory_space<semaphore_mem>>
        %dma_start3A_26 = tpu.memref_slice %arg5[%mul3A_10] : memref<320000xi32, #tpu.memory_space<hbm>> -> memref<128xi32, #tpu.memory_space<hbm>>
        %dma_start3A_27 = tpu.memref_slice %arg5[%mul3A_10] : memref<320000xi32, #tpu.memory_space<hbm>> -> memref<128xi32, #tpu.memory_space<hbm>>
        tpu.enqueue_dma source(%dma_start3A_27 : memref<128xi32, #tpu.memory_space<hbm>>) target(%arg8 : memref<128xi32, #tpu.memory_space<vmem>>) target_semaphore(%run_scoped3A : memref<!tpu.dma_semaphore, #tpu.memory_space<semaphore_mem>>)
        %dma_wait3A_28 = tpu.memref_slice %arg5[%mul3A_10] : memref<320000xi32, #tpu.memory_space<hbm>> -> memref<128xi32, #tpu.memory_space<hbm>>
        %dma_wait3A_29 = tpu.memref_slice %arg5[%mul3A_10] : memref<320000xi32, #tpu.memory_space<hbm>> -> memref<128xi32, #tpu.memory_space<hbm>>
        tpu.wait_dma2 semaphore(%run_scoped3A : memref<!tpu.dma_semaphore, #tpu.memory_space<semaphore_mem>>) src(%dma_wait3A_29 : memref<128xi32, #tpu.memory_space<hbm>>) dst(%arg8 : memref<128xi32, #tpu.memory_space<vmem>>)
        tpu.yield
      }) : () -> ()
      %dma_start3A = arith.constant 0 : i32
      %dma_start3A_11 = arith.constant 0 : i32
      %dma_start3A_12 = tpu.memref_slice %arg2[%dma_start3A, %dma_start3A_11] : memref<10000x128xf32, #tpu.memory_space<hbm>> -> memref<10000x128xf32, #tpu.memory_space<hbm>>
      tpu.enqueue_indirect_dma source(%dma_start3A_12 : memref<10000x128xf32, #tpu.memory_space<hbm>>) target(%arg9 : memref<128x128xf32, #tpu.memory_space<vmem>>) offsets(%arg7 : memref<128xi32, #tpu.memory_space<vmem>>) semaphore(%arg11 : memref<!tpu.dma_semaphore, #tpu.memory_space<semaphore_mem>>)
      %dma_start3A_13 = arith.constant 0 : i32
      %dma_start3A_14 = arith.constant 0 : i32
      %dma_start3A_15 = tpu.memref_slice %arg3[%dma_start3A_13, %dma_start3A_14] : memref<10000x128xf32, #tpu.memory_space<hbm>> -> memref<10000x128xf32, #tpu.memory_space<hbm>>
      tpu.enqueue_indirect_dma source(%dma_start3A_15 : memref<10000x128xf32, #tpu.memory_space<hbm>>) target(%arg10 : memref<128x128xf32, #tpu.memory_space<vmem>>) offsets(%arg8 : memref<128xi32, #tpu.memory_space<vmem>>) semaphore(%arg12 : memref<!tpu.dma_semaphore, #tpu.memory_space<semaphore_mem>>)
      %dma_wait3A = arith.constant 0 : i32
      %dma_wait3A_16 = arith.constant 0 : i32
      %dma_wait3A_17 = tpu.memref_slice %arg2[%dma_wait3A, %dma_wait3A_16] : memref<10000x128xf32, #tpu.memory_space<hbm>> -> memref<10000x128xf32, #tpu.memory_space<hbm>>
      tpu.wait_indirect_dma semaphore(%arg11 : memref<!tpu.dma_semaphore, #tpu.memory_space<semaphore_mem>>) src(%dma_wait3A_17 : memref<10000x128xf32, #tpu.memory_space<hbm>>) dst(%arg9 : memref<128x128xf32, #tpu.memory_space<vmem>>)
      %dma_wait3A_18 = arith.constant 0 : i32
      %dma_wait3A_19 = arith.constant 0 : i32
      %dma_wait3A_20 = tpu.memref_slice %arg3[%dma_wait3A_18, %dma_wait3A_19] : memref<10000x128xf32, #tpu.memory_space<hbm>> -> memref<10000x128xf32, #tpu.memory_space<hbm>>
      tpu.wait_indirect_dma semaphore(%arg12 : memref<!tpu.dma_semaphore, #tpu.memory_space<semaphore_mem>>) src(%dma_wait3A_20 : memref<10000x128xf32, #tpu.memory_space<hbm>>) dst(%arg10 : memref<128x128xf32, #tpu.memory_space<vmem>>)
      %scan3A_21 = arith.constant 0 : i32
      %scan3A_22 = arith.constant 128 : i32
      %scan3A_23 = arith.addi %scan3A_21, %scan3A_22 : i32
      %scan3A_24 = arith.constant 1 : i32
      scf.for %scan3A_26 = %scan3A_21 to %scan3A_23 step %scan3A_24  : i32 {
        %mul3A_27 = arith.constant 1 : i32
        %mul3A_28 = arith.muli %scan3A_26, %mul3A_27 : i32
        %add3A_29 = arith.constant 0 : i32
        %add3A_30 = arith.addi %add3A_29, %mul3A_28 : i32
        %scan3A_31 = arith.constant 0 : i32
        %scan3A_32 = arith.constant 8 : i32
        %scan3A_33 = arith.addi %scan3A_31, %scan3A_32 : i32
        %scan3A_34 = arith.constant 1 : i32
        scf.for %scan3A_36 = %scan3A_31 to %scan3A_33 step %scan3A_34  : i32 {
          %mul3A_37 = arith.constant 16 : i32
          %mul3A_38 = arith.muli %scan3A_36, %mul3A_37 : i32
          %add3A_39 = arith.constant 0 : i32
          %add3A_40 = arith.addi %add3A_39, %mul3A_38 : i32
          %get3A = arith.index_cast %add3A_30 : i32 to index
          %get3A_41 = arith.index_cast %add3A_40 : i32 to index
          %get3A_42 = tpu.vector_load %arg9[%get3A, %get3A_41] {strides = array<i32>} : memref<128x128xf32, #tpu.memory_space<vmem>>, vector<1x16xf32>,
          %get3A_43 = vector.shape_cast %get3A_42 : vector<1x16xf32> to vector<16xf32>
          %get3A_44 = arith.index_cast %add3A_30 : i32 to index
          %get3A_45 = arith.index_cast %add3A_40 : i32 to index
          %get3A_46 = tpu.vector_load %arg10[%get3A_44, %get3A_45] {strides = array<i32>} : memref<128x128xf32, #tpu.memory_space<vmem>>, vector<1x16xf32>,
          %get3A_47 = vector.shape_cast %get3A_46 : vector<1x16xf32> to vector<16xf32>
          %add3A_48 = arith.addf %get3A_43, %get3A_47 : vector<16xf32>
          %swap3A = arith.index_cast %add3A_30 : i32 to index
          %swap3A_49 = arith.index_cast %add3A_40 : i32 to index
          %swap3A_50 = tpu.vector_load %arg9[%swap3A, %swap3A_49] {strides = array<i32>} : memref<128x128xf32, #tpu.memory_space<vmem>>, vector<1x16xf32>,
          %swap3A_51 = vector.shape_cast %swap3A_50 : vector<1x16xf32> to vector<16xf32>
          %swap3A_52 = vector.shape_cast %add3A_48 : vector<16xf32> to vector<1x16xf32>
          tpu.vector_store %arg9[%swap3A, %swap3A_49], %swap3A_52 {strides = array<i32>} : memref<128x128xf32, #tpu.memory_space<vmem>>, vector<1x16xf32>,
        }
        %scan3A_35 = arith.constant 8 : i32
      }
      %scan3A_25 = arith.constant 128 : i32
      "tpu.region"() ({
        %run_scoped3A = tpu.sem_alloc : memref<!tpu.dma_semaphore, #tpu.memory_space<semaphore_mem>>
        %dma_start3A_26 = arith.constant 0 : i32
        %dma_start3A_27 = tpu.memref_slice %arg6[%mul3A_10, %dma_start3A_26] : memref<320000x128xf32, #tpu.memory_space<hbm>> -> memref<128x128xf32, #tpu.memory_space<hbm>>
        %dma_start3A_28 = arith.constant 0 : i32
        %dma_start3A_29 = tpu.memref_slice %arg6[%mul3A_10, %dma_start3A_28] : memref<320000x128xf32, #tpu.memory_space<hbm>> -> memref<128x128xf32, #tpu.memory_space<hbm>>
        tpu.enqueue_dma source(%arg9 : memref<128x128xf32, #tpu.memory_space<vmem>>) target(%dma_start3A_29 : memref<128x128xf32, #tpu.memory_space<hbm>>) target_semaphore(%run_scoped3A : memref<!tpu.dma_semaphore, #tpu.memory_space<semaphore_mem>>)
        %dma_wait3A_30 = arith.constant 0 : i32
        %dma_wait3A_31 = tpu.memref_slice %arg6[%mul3A_10, %dma_wait3A_30] : memref<320000x128xf32, #tpu.memory_space<hbm>> -> memref<128x128xf32, #tpu.memory_space<hbm>>
        %dma_wait3A_32 = arith.constant 0 : i32
        %dma_wait3A_33 = tpu.memref_slice %arg6[%mul3A_10, %dma_wait3A_32] : memref<320000x128xf32, #tpu.memory_space<hbm>> -> memref<128x128xf32, #tpu.memory_space<hbm>>
        tpu.wait_dma2 semaphore(%run_scoped3A : memref<!tpu.dma_semaphore, #tpu.memory_space<semaphore_mem>>) src(%arg9 : memref<128x128xf32, #tpu.memory_space<vmem>>) dst(%dma_wait3A_33 : memref<128x128xf32, #tpu.memory_space<hbm>>)
        tpu.yield
      }) : () -> ()
    } else {
    }
    return
  }
}

module attributes {stable_mosaic.version = 14 : i64} {
  func.func @_node_pre_body(%arg0: i32, %arg1: memref<2000x128xf32, #tpu.memory_space<vmem>>, %arg2: memref<128x640xf32, #tpu.memory_space<vmem>>, %arg3: memref<1x640xf32, #tpu.memory_space<vmem>>, %arg4: memref<2000x128xf32, #tpu.memory_space<vmem>>, %arg5: memref<2000x128xf32, #tpu.memory_space<vmem>>, %arg6: memref<2000x384xf32, #tpu.memory_space<vmem>>) attributes {dimension_semantics = [#tpu.dimension_semantics<arbitrary>], iteration_bounds = array<i64: 5>, scalar_prefetch = 0 : i64, scratch_operands = 0 : i64, tpu.core_type = #tpu.core_type<tc>, window_params = [{transform_indices = @transform_0, window_bounds = array<i64: 2000, 128>}, {pipeline_mode = #tpu.pipeline_mode<synchronous>, transform_indices = @transform_1, window_bounds = array<i64: 128, 640>}, {pipeline_mode = #tpu.pipeline_mode<synchronous>, transform_indices = @transform_2, window_bounds = array<i64: 1, 640>}, {transform_indices = @transform_3, window_bounds = array<i64: 2000, 128>}, {transform_indices = @transform_4, window_bounds = array<i64: 2000, 128>}, {transform_indices = @transform_5, window_bounds = array<i64: 2000, 384>}]} {
    %get3A = arith.constant 0 : index
    %get3A_0 = arith.constant 0 : index
    %get3A_1 = vector.load %arg1[%get3A, %get3A_0] : memref<2000x128xf32, #tpu.memory_space<vmem>>, vector<2000x128xf32>
    %get3A_2 = arith.constant 0 : index
    %get3A_3 = arith.constant 0 : index
    %get3A_4 = vector.load %arg2[%get3A_2, %get3A_3] : memref<128x640xf32, #tpu.memory_space<vmem>>, vector<128x640xf32>
    %dot_general3A = arith.constant dense<0.000000e+00> : vector<2000x640xf32>
    %dot_general3A_5 = tpu.matmul %get3A_1, %get3A_4, %dot_general3A {dimension_numbers = #tpu.dot_dimension_numbers<[1], [0], [0], [1], [0, 0, 1, 1], [], []>, precision = #tpu.contract_precision<fp32>, transpose_lhs_hint = false} : vector<2000x128xf32>, vector<128x640xf32>, vector<2000x640xf32> -> vector<2000x640xf32>
    %get3A_6 = arith.constant 0 : index
    %get3A_7 = arith.constant 0 : index
    %get3A_8 = vector.load %arg3[%get3A_6, %get3A_7] : memref<1x640xf32, #tpu.memory_space<vmem>>, vector<1x640xf32>
    %add3A = vector.broadcast %get3A_8 : vector<1x640xf32> to vector<2000x640xf32>
    %add3A_9 = arith.addf %dot_general3A_5, %add3A : vector<2000x640xf32>
    %slice3A = vector.extract_strided_slice %add3A_9 {offsets = [0, 0], sizes = [2000, 128], strides = [1, 1]} : vector<2000x640xf32> to vector<2000x128xf32>
    %swap3A = arith.constant 0 : index
    %swap3A_10 = arith.constant 0 : index
    %swap3A_11 = vector.load %arg4[%swap3A, %swap3A_10] : memref<2000x128xf32, #tpu.memory_space<vmem>>, vector<2000x128xf32>
    tpu.vector_store %arg4[%swap3A, %swap3A_10], %slice3A {strides = array<i32>} : memref<2000x128xf32, #tpu.memory_space<vmem>>, vector<2000x128xf32>,
    %slice3A_12 = vector.extract_strided_slice %add3A_9 {offsets = [0, 128], sizes = [2000, 128], strides = [1, 1]} : vector<2000x640xf32> to vector<2000x128xf32>
    %swap3A_13 = arith.constant 0 : index
    %swap3A_14 = arith.constant 0 : index
    %swap3A_15 = vector.load %arg5[%swap3A_13, %swap3A_14] : memref<2000x128xf32, #tpu.memory_space<vmem>>, vector<2000x128xf32>
    tpu.vector_store %arg5[%swap3A_13, %swap3A_14], %slice3A_12 {strides = array<i32>} : memref<2000x128xf32, #tpu.memory_space<vmem>>, vector<2000x128xf32>,
    %slice3A_16 = vector.extract_strided_slice %add3A_9 {offsets = [0, 256], sizes = [2000, 384], strides = [1, 1]} : vector<2000x640xf32> to vector<2000x384xf32>
    %swap3A_17 = arith.constant 0 : index
    %swap3A_18 = arith.constant 0 : index
    %swap3A_19 = vector.load %arg6[%swap3A_17, %swap3A_18] : memref<2000x384xf32, #tpu.memory_space<vmem>>, vector<2000x384xf32>
    tpu.vector_store %arg6[%swap3A_17, %swap3A_18], %slice3A_16 {strides = array<i32>} : memref<2000x384xf32, #tpu.memory_space<vmem>>, vector<2000x384xf32>,
    return
  }
  func.func @transform_0(%arg0: i32) -> (i32, i32) {
    %c0_i32 = arith.constant 0 : i32
    %c0_i32_0 = arith.constant 0 : i32
    return %arg0, %c0_i32 : i32, i32
  }
  func.func @transform_1(%arg0: i32) -> (i32, i32) {
    %c0_i32 = arith.constant 0 : i32
    %c0_i32_0 = arith.constant 0 : i32
    %c0_i32_1 = arith.constant 0 : i32
    return %c0_i32, %c0_i32_0 : i32, i32
  }
  func.func @transform_2(%arg0: i32) -> (i32, i32) {
    %c0_i32 = arith.constant 0 : i32
    %c0_i32_0 = arith.constant 0 : i32
    %c0_i32_1 = arith.constant 0 : i32
    return %c0_i32, %c0_i32_0 : i32, i32
  }
  func.func @transform_3(%arg0: i32) -> (i32, i32) {
    %c0_i32 = arith.constant 0 : i32
    %c0_i32_0 = arith.constant 0 : i32
    return %arg0, %c0_i32 : i32, i32
  }
  func.func @transform_4(%arg0: i32) -> (i32, i32) {
    %c0_i32 = arith.constant 0 : i32
    %c0_i32_0 = arith.constant 0 : i32
    return %arg0, %c0_i32 : i32, i32
  }
  func.func @transform_5(%arg0: i32) -> (i32, i32) {
    %c0_i32 = arith.constant 0 : i32
    %c0_i32_0 = arith.constant 0 : i32
    return %arg0, %c0_i32 : i32, i32
  }
}

module attributes {stable_mosaic.version = 14 : i64} {
  func.func @_edge_pre_body(%arg0: i32, %arg1: memref<2000x16xf32, #tpu.memory_space<vmem>>, %arg2: memref<16x128xf32, #tpu.memory_space<vmem>>, %arg3: memref<1x128xf32, #tpu.memory_space<vmem>>, %arg4: memref<2000x128xf32, #tpu.memory_space<vmem>>) attributes {dimension_semantics = [#tpu.dimension_semantics<arbitrary>], iteration_bounds = array<i64: 160>, scalar_prefetch = 0 : i64, scratch_operands = 0 : i64, tpu.core_type = #tpu.core_type<tc>, window_params = [{transform_indices = @transform_0, window_bounds = array<i64: 2000, 16>}, {pipeline_mode = #tpu.pipeline_mode<synchronous>, transform_indices = @transform_1, window_bounds = array<i64: 16, 128>}, {pipeline_mode = #tpu.pipeline_mode<synchronous>, transform_indices = @transform_2, window_bounds = array<i64: 1, 128>}, {transform_indices = @transform_3, window_bounds = array<i64: 2000, 128>}]} {
    %get3A = arith.constant 0 : index
    %get3A_0 = arith.constant 0 : index
    %get3A_1 = vector.load %arg1[%get3A, %get3A_0] : memref<2000x16xf32, #tpu.memory_space<vmem>>, vector<2000x16xf32>
    %get3A_2 = arith.constant 0 : index
    %get3A_3 = arith.constant 0 : index
    %get3A_4 = vector.load %arg2[%get3A_2, %get3A_3] : memref<16x128xf32, #tpu.memory_space<vmem>>, vector<16x128xf32>
    %dot_general3A = arith.constant dense<0.000000e+00> : vector<2000x128xf32>
    %dot_general3A_5 = tpu.matmul %get3A_1, %get3A_4, %dot_general3A {dimension_numbers = #tpu.dot_dimension_numbers<[1], [0], [0], [1], [0, 0, 1, 1], [], []>, precision = #tpu.contract_precision<fp32>, transpose_lhs_hint = false} : vector<2000x16xf32>, vector<16x128xf32>, vector<2000x128xf32> -> vector<2000x128xf32>
    %get3A_6 = arith.constant 0 : index
    %get3A_7 = arith.constant 0 : index
    %get3A_8 = vector.load %arg3[%get3A_6, %get3A_7] : memref<1x128xf32, #tpu.memory_space<vmem>>, vector<1x128xf32>
    %add3A = vector.broadcast %get3A_8 : vector<1x128xf32> to vector<2000x128xf32>
    %add3A_9 = arith.addf %dot_general3A_5, %add3A : vector<2000x128xf32>
    %swap3A = arith.constant 0 : index
    %swap3A_10 = arith.constant 0 : index
    %swap3A_11 = vector.load %arg4[%swap3A, %swap3A_10] : memref<2000x128xf32, #tpu.memory_space<vmem>>, vector<2000x128xf32>
    tpu.vector_store %arg4[%swap3A, %swap3A_10], %add3A_9 {strides = array<i32>} : memref<2000x128xf32, #tpu.memory_space<vmem>>, vector<2000x128xf32>,
    return
  }
  func.func @transform_0(%arg0: i32) -> (i32, i32) {
    %c0_i32 = arith.constant 0 : i32
    %c0_i32_0 = arith.constant 0 : i32
    return %arg0, %c0_i32 : i32, i32
  }
  func.func @transform_1(%arg0: i32) -> (i32, i32) {
    %c0_i32 = arith.constant 0 : i32
    %c0_i32_0 = arith.constant 0 : i32
    %c0_i32_1 = arith.constant 0 : i32
    return %c0_i32, %c0_i32_0 : i32, i32
  }
  func.func @transform_2(%arg0: i32) -> (i32, i32) {
    %c0_i32 = arith.constant 0 : i32
    %c0_i32_0 = arith.constant 0 : i32
    %c0_i32_1 = arith.constant 0 : i32
    return %c0_i32, %c0_i32_0 : i32, i32
  }
  func.func @transform_3(%arg0: i32) -> (i32, i32) {
    %c0_i32 = arith.constant 0 : i32
    %c0_i32_0 = arith.constant 0 : i32
    return %arg0, %c0_i32 : i32, i32
  }
}

module attributes {stable_mosaic.version = 14 : i64} {
  func.func @_node_upd_body(%arg0: i32, %arg1: memref<2000x128xf32, #tpu.memory_space<vmem>>, %arg2: memref<2000x128xf32, #tpu.memory_space<vmem>>, %arg3: memref<2000x16xf32, #tpu.memory_space<vmem>>, %arg4: memref<2000x16xf32, #tpu.memory_space<vmem>>, %arg5: memref<2000x128xf32, #tpu.memory_space<vmem>>, %arg6: memref<2000x384xf32, #tpu.memory_space<vmem>>, %arg7: memref<128x128xf32, #tpu.memory_space<vmem>>, %arg8: memref<1x128xf32, #tpu.memory_space<vmem>>, %arg9: memref<128x384xf32, #tpu.memory_space<vmem>>, %arg10: memref<1x384xf32, #tpu.memory_space<vmem>>, %arg11: memref<1x128xf32, #tpu.memory_space<vmem>>, %arg12: memref<1x128xf32, #tpu.memory_space<vmem>>, %arg13: memref<128x256xf32, #tpu.memory_space<vmem>>, %arg14: memref<2000x128xf32, #tpu.memory_space<vmem>>, %arg15: memref<2000x128xf32, #tpu.memory_space<vmem>>, %arg16: memref<2000x128xf32, #tpu.memory_space<vmem>>) attributes {dimension_semantics = [#tpu.dimension_semantics<arbitrary>], iteration_bounds = array<i64: 5>, scalar_prefetch = 0 : i64, scratch_operands = 0 : i64, tpu.core_type = #tpu.core_type<tc>, window_params = [{transform_indices = @transform_0, window_bounds = array<i64: 2000, 128>}, {transform_indices = @transform_1, window_bounds = array<i64: 2000, 128>}, {transform_indices = @transform_2, window_bounds = array<i64: 2000, 16>}, {transform_indices = @transform_3, window_bounds = array<i64: 2000, 16>}, {transform_indices = @transform_4, window_bounds = array<i64: 2000, 128>}, {transform_indices = @transform_5, window_bounds = array<i64: 2000, 384>}, {pipeline_mode = #tpu.pipeline_mode<synchronous>, transform_indices = @transform_6, window_bounds = array<i64: 128, 128>}, {pipeline_mode = #tpu.pipeline_mode<synchronous>, transform_indices = @transform_7, window_bounds = array<i64: 1, 128>}, {pipeline_mode = #tpu.pipeline_mode<synchronous>, transform_indices = @transform_8, window_bounds = array<i64: 128, 384>}, {pipeline_mode = #tpu.pipeline_mode<synchronous>, transform_indices = @transform_9, window_bounds = array<i64: 1, 384>}, {pipeline_mode = #tpu.pipeline_mode<synchronous>, transform_indices = @transform_10, window_bounds = array<i64: 1, 128>}, {pipeline_mode = #tpu.pipeline_mode<synchronous>, transform_indices = @transform_11, window_bounds = array<i64: 1, 128>}, {pipeline_mode = #tpu.pipeline_mode<synchronous>, transform_indices = @transform_12, window_bounds = array<i64: 128, 256>}, {transform_indices = @transform_13, window_bounds = array<i64: 2000, 128>}, {transform_indices = @transform_14, window_bounds = array<i64: 2000, 128>}, {transform_indices = @transform_15, window_bounds = array<i64: 2000, 128>}]} {
    %get3A = arith.constant 0 : index
    %get3A_0 = arith.constant 0 : index
    %get3A_1 = vector.load %arg1[%get3A, %get3A_0] : memref<2000x128xf32, #tpu.memory_space<vmem>>, vector<2000x128xf32>
    %get3A_2 = arith.constant 0 : index
    %get3A_3 = arith.constant 0 : index
    %get3A_4 = vector.load %arg2[%get3A_2, %get3A_3] : memref<2000x128xf32, #tpu.memory_space<vmem>>, vector<2000x128xf32>
    %add3A = arith.addf %get3A_1, %get3A_4 : vector<2000x128xf32>
    %get3A_5 = arith.constant 0 : index
    %get3A_6 = arith.constant 0 : index
    %get3A_7 = vector.load %arg3[%get3A_5, %get3A_6] : memref<2000x16xf32, #tpu.memory_space<vmem>>, vector<2000x1xf32>
    %get3A_8 = arith.constant 0 : index
    %get3A_9 = arith.constant 0 : index
    %get3A_10 = vector.load %arg4[%get3A_8, %get3A_9] : memref<2000x16xf32, #tpu.memory_space<vmem>>, vector<2000x1xf32>
    %add3A_11 = arith.addf %get3A_7, %get3A_10 : vector<2000x1xf32>
    %get3A_12 = arith.constant 0 : index
    %get3A_13 = arith.constant 0 : index
    %get3A_14 = vector.load %arg7[%get3A_12, %get3A_13] : memref<128x128xf32, #tpu.memory_space<vmem>>, vector<128x128xf32>
    %dot_general3A = arith.constant dense<0.000000e+00> : vector<2000x128xf32>
    %dot_general3A_15 = tpu.matmul %add3A, %get3A_14, %dot_general3A {dimension_numbers = #tpu.dot_dimension_numbers<[1], [0], [0], [1], [0, 0, 1, 1], [], []>, precision = #tpu.contract_precision<fp32>, transpose_lhs_hint = false} : vector<2000x128xf32>, vector<128x128xf32>, vector<2000x128xf32> -> vector<2000x128xf32>
    %get3A_16 = arith.constant 0 : index
    %get3A_17 = arith.constant 0 : index
    %get3A_18 = vector.load %arg8[%get3A_16, %get3A_17] : memref<1x128xf32, #tpu.memory_space<vmem>>, vector<1x128xf32>
    %mul3A = vector.broadcast %add3A_11 : vector<2000x1xf32> to vector<2000x128xf32>
    %mul3A_19 = vector.broadcast %get3A_18 : vector<1x128xf32> to vector<2000x128xf32>
    %mul3A_20 = arith.mulf %mul3A, %mul3A_19 : vector<2000x128xf32>
    %add3A_21 = arith.addf %dot_general3A_15, %mul3A_20 : vector<2000x128xf32>
    %get3A_22 = arith.constant 0 : index
    %get3A_23 = arith.constant 0 : index
    %get3A_24 = vector.load %arg9[%get3A_22, %get3A_23] : memref<128x384xf32, #tpu.memory_space<vmem>>, vector<128x384xf32>
    %dot_general3A_25 = arith.constant dense<0.000000e+00> : vector<2000x384xf32>
    %dot_general3A_26 = tpu.matmul %add3A_21, %get3A_24, %dot_general3A_25 {dimension_numbers = #tpu.dot_dimension_numbers<[1], [0], [0], [1], [0, 0, 1, 1], [], []>, precision = #tpu.contract_precision<fp32>, transpose_lhs_hint = false} : vector<2000x128xf32>, vector<128x384xf32>, vector<2000x384xf32> -> vector<2000x384xf32>
    %get3A_27 = arith.constant 0 : index
    %get3A_28 = arith.constant 0 : index
    %get3A_29 = vector.load %arg10[%get3A_27, %get3A_28] : memref<1x384xf32, #tpu.memory_space<vmem>>, vector<1x384xf32>
    %add3A_30 = vector.broadcast %get3A_29 : vector<1x384xf32> to vector<2000x384xf32>
    %add3A_31 = arith.addf %dot_general3A_26, %add3A_30 : vector<2000x384xf32>
    %get3A_32 = arith.constant 0 : index
    %get3A_33 = arith.constant 0 : index
    %get3A_34 = vector.load %arg6[%get3A_32, %get3A_33] : memref<2000x384xf32, #tpu.memory_space<vmem>>, vector<2000x384xf32>
    %get3A_35 = arith.constant 0 : index
    %get3A_36 = arith.constant 0 : index
    %get3A_37 = vector.load %arg5[%get3A_35, %get3A_36] : memref<2000x128xf32, #tpu.memory_space<vmem>>, vector<2000x128xf32>
    %slice3A = vector.extract_strided_slice %add3A_31 {offsets = [0, 0], sizes = [2000, 128], strides = [1, 1]} : vector<2000x384xf32> to vector<2000x128xf32>
    %slice3A_38 = vector.extract_strided_slice %get3A_34 {offsets = [0, 0], sizes = [2000, 128], strides = [1, 1]} : vector<2000x384xf32> to vector<2000x128xf32>
    %add3A_39 = arith.addf %slice3A, %slice3A_38 : vector<2000x128xf32>
    %logistic3A = arith.negf %add3A_39 : vector<2000x128xf32>
    %logistic3A_40 = math.exp %logistic3A : vector<2000x128xf32>
    %logistic3A_41 = arith.constant 1.000000e+00 : f32
    %logistic3A_42 = vector.broadcast %logistic3A_41 : f32 to vector<2000x128xf32>
    %logistic3A_43 = arith.addf %logistic3A_42, %logistic3A_40 : vector<2000x128xf32>
    %logistic3A_44 = arith.divf %logistic3A_42, %logistic3A_43 : vector<2000x128xf32>
    %slice3A_45 = vector.extract_strided_slice %add3A_31 {offsets = [0, 128], sizes = [2000, 128], strides = [1, 1]} : vector<2000x384xf32> to vector<2000x128xf32>
    %slice3A_46 = vector.extract_strided_slice %get3A_34 {offsets = [0, 128], sizes = [2000, 128], strides = [1, 1]} : vector<2000x384xf32> to vector<2000x128xf32>
    %add3A_47 = arith.addf %slice3A_45, %slice3A_46 : vector<2000x128xf32>
    %logistic3A_48 = arith.negf %add3A_47 : vector<2000x128xf32>
    %logistic3A_49 = math.exp %logistic3A_48 : vector<2000x128xf32>
    %logistic3A_50 = arith.constant 1.000000e+00 : f32
    %logistic3A_51 = vector.broadcast %logistic3A_50 : f32 to vector<2000x128xf32>
    %logistic3A_52 = arith.addf %logistic3A_51, %logistic3A_49 : vector<2000x128xf32>
    %logistic3A_53 = arith.divf %logistic3A_51, %logistic3A_52 : vector<2000x128xf32>
    %slice3A_54 = vector.extract_strided_slice %add3A_31 {offsets = [0, 256], sizes = [2000, 128], strides = [1, 1]} : vector<2000x384xf32> to vector<2000x128xf32>
    %slice3A_55 = vector.extract_strided_slice %get3A_34 {offsets = [0, 256], sizes = [2000, 128], strides = [1, 1]} : vector<2000x384xf32> to vector<2000x128xf32>
    %mul3A_56 = arith.mulf %logistic3A_44, %slice3A_55 : vector<2000x128xf32>
    %add3A_57 = arith.addf %slice3A_54, %mul3A_56 : vector<2000x128xf32>
    %tanh3A = math.tanh %add3A_57 : vector<2000x128xf32>
    %sub3A = arith.constant 1.000000e+00 : f32
    %sub3A_58 = vector.broadcast %sub3A : f32 to vector<2000x128xf32>
    %sub3A_59 = arith.subf %sub3A_58, %logistic3A_53 : vector<2000x128xf32>
    %mul3A_60 = arith.mulf %sub3A_59, %tanh3A : vector<2000x128xf32>
    %mul3A_61 = arith.mulf %logistic3A_53, %get3A_37 : vector<2000x128xf32>
    %add3A_62 = arith.addf %mul3A_60, %mul3A_61 : vector<2000x128xf32>
    %reduce_sum3A = arith.constant dense<0.000000e+00> : vector<2000xf32>
    %reduce_sum3A_63 = vector.multi_reduction <add>, %add3A_62, %reduce_sum3A [1] : vector<2000x128xf32> to vector<2000xf32>
    %broadcast_in_dim3A = vector.shape_cast %reduce_sum3A_63 : vector<2000xf32> to vector<2000x1xf32>
    %div3A = arith.constant 1.280000e+02 : f32
    %div3A_64 = vector.broadcast %div3A : f32 to vector<2000x1xf32>
    %div3A_65 = arith.divf %broadcast_in_dim3A, %div3A_64 : vector<2000x1xf32>
    %sub3A_66 = vector.broadcast %div3A_65 : vector<2000x1xf32> to vector<2000x128xf32>
    %sub3A_67 = arith.subf %add3A_62, %sub3A_66 : vector<2000x128xf32>
    %mul3A_68 = arith.mulf %sub3A_67, %sub3A_67 : vector<2000x128xf32>
    %reduce_sum3A_69 = arith.constant dense<0.000000e+00> : vector<2000xf32>
    %reduce_sum3A_70 = vector.multi_reduction <add>, %mul3A_68, %reduce_sum3A_69 [1] : vector<2000x128xf32> to vector<2000xf32>
    %broadcast_in_dim3A_71 = vector.shape_cast %reduce_sum3A_70 : vector<2000xf32> to vector<2000x1xf32>
    %div3A_72 = arith.constant 1.280000e+02 : f32
    %div3A_73 = vector.broadcast %div3A_72 : f32 to vector<2000x1xf32>
    %div3A_74 = arith.divf %broadcast_in_dim3A_71, %div3A_73 : vector<2000x1xf32>
    %add3A_75 = arith.constant 9.99999974E-6 : f32
    %add3A_76 = vector.broadcast %add3A_75 : f32 to vector<2000x1xf32>
    %add3A_77 = arith.addf %div3A_74, %add3A_76 : vector<2000x1xf32>
    %rsqrt3A = math.rsqrt %add3A_77 : vector<2000x1xf32>
    %mul3A_78 = vector.broadcast %rsqrt3A : vector<2000x1xf32> to vector<2000x128xf32>
    %mul3A_79 = arith.mulf %sub3A_67, %mul3A_78 : vector<2000x128xf32>
    %get3A_80 = arith.constant 0 : index
    %get3A_81 = arith.constant 0 : index
    %get3A_82 = vector.load %arg11[%get3A_80, %get3A_81] : memref<1x128xf32, #tpu.memory_space<vmem>>, vector<1x128xf32>
    %mul3A_83 = vector.broadcast %get3A_82 : vector<1x128xf32> to vector<2000x128xf32>
    %mul3A_84 = arith.mulf %mul3A_79, %mul3A_83 : vector<2000x128xf32>
    %get3A_85 = arith.constant 0 : index
    %get3A_86 = arith.constant 0 : index
    %get3A_87 = vector.load %arg12[%get3A_85, %get3A_86] : memref<1x128xf32, #tpu.memory_space<vmem>>, vector<1x128xf32>
    %add3A_88 = vector.broadcast %get3A_87 : vector<1x128xf32> to vector<2000x128xf32>
    %add3A_89 = arith.addf %mul3A_84, %add3A_88 : vector<2000x128xf32>
    %swap3A = arith.constant 0 : index
    %swap3A_90 = arith.constant 0 : index
    %swap3A_91 = vector.load %arg14[%swap3A, %swap3A_90] : memref<2000x128xf32, #tpu.memory_space<vmem>>, vector<2000x128xf32>
    tpu.vector_store %arg14[%swap3A, %swap3A_90], %add3A_89 {strides = array<i32>} : memref<2000x128xf32, #tpu.memory_space<vmem>>, vector<2000x128xf32>,
    %get3A_92 = arith.constant 0 : index
    %get3A_93 = arith.constant 0 : index
    %get3A_94 = vector.load %arg13[%get3A_92, %get3A_93] : memref<128x256xf32, #tpu.memory_space<vmem>>, vector<128x256xf32>
    %dot_general3A_95 = arith.constant dense<0.000000e+00> : vector<2000x256xf32>
    %dot_general3A_96 = tpu.matmul %add3A_89, %get3A_94, %dot_general3A_95 {dimension_numbers = #tpu.dot_dimension_numbers<[1], [0], [0], [1], [0, 0, 1, 1], [], []>, precision = #tpu.contract_precision<fp32>, transpose_lhs_hint = false} : vector<2000x128xf32>, vector<128x256xf32>, vector<2000x256xf32> -> vector<2000x256xf32>
    %slice3A_97 = vector.extract_strided_slice %dot_general3A_96 {offsets = [0, 0], sizes = [2000, 128], strides = [1, 1]} : vector<2000x256xf32> to vector<2000x128xf32>
    %swap3A_98 = arith.constant 0 : index
    %swap3A_99 = arith.constant 0 : index
    %swap3A_100 = vector.load %arg15[%swap3A_98, %swap3A_99] : memref<2000x128xf32, #tpu.memory_space<vmem>>, vector<2000x128xf32>
    tpu.vector_store %arg15[%swap3A_98, %swap3A_99], %slice3A_97 {strides = array<i32>} : memref<2000x128xf32, #tpu.memory_space<vmem>>, vector<2000x128xf32>,
    %slice3A_101 = vector.extract_strided_slice %dot_general3A_96 {offsets = [0, 128], sizes = [2000, 128], strides = [1, 1]} : vector<2000x256xf32> to vector<2000x128xf32>
    %swap3A_102 = arith.constant 0 : index
    %swap3A_103 = arith.constant 0 : index
    %swap3A_104 = vector.load %arg16[%swap3A_102, %swap3A_103] : memref<2000x128xf32, #tpu.memory_space<vmem>>, vector<2000x128xf32>
    tpu.vector_store %arg16[%swap3A_102, %swap3A_103], %slice3A_101 {strides = array<i32>} : memref<2000x128xf32, #tpu.memory_space<vmem>>, vector<2000x128xf32>,
    return
  }
  func.func @transform_0(%arg0: i32) -> (i32, i32) {
    %c0_i32 = arith.constant 0 : i32
    %c0_i32_0 = arith.constant 0 : i32
    return %arg0, %c0_i32 : i32, i32
  }
  func.func @transform_1(%arg0: i32) -> (i32, i32) {
    %c0_i32 = arith.constant 0 : i32
    %c0_i32_0 = arith.constant 0 : i32
    return %arg0, %c0_i32 : i32, i32
  }
  func.func @transform_2(%arg0: i32) -> (i32, i32) {
    %c0_i32 = arith.constant 0 : i32
    %c0_i32_0 = arith.constant 0 : i32
    return %arg0, %c0_i32 : i32, i32
  }
  func.func @transform_3(%arg0: i32) -> (i32, i32) {
    %c0_i32 = arith.constant 0 : i32
    %c0_i32_0 = arith.constant 0 : i32
    return %arg0, %c0_i32 : i32, i32
  }
  func.func @transform_4(%arg0: i32) -> (i32, i32) {
    %c0_i32 = arith.constant 0 : i32
    %c0_i32_0 = arith.constant 0 : i32
    return %arg0, %c0_i32 : i32, i32
  }
  func.func @transform_5(%arg0: i32) -> (i32, i32) {
    %c0_i32 = arith.constant 0 : i32
    %c0_i32_0 = arith.constant 0 : i32
    return %arg0, %c0_i32 : i32, i32
  }
  func.func @transform_6(%arg0: i32) -> (i32, i32) {
    %c0_i32 = arith.constant 0 : i32
    %c0_i32_0 = arith.constant 0 : i32
    %c0_i32_1 = arith.constant 0 : i32
    return %c0_i32, %c0_i32_0 : i32, i32
  }
  func.func @transform_7(%arg0: i32) -> (i32, i32) {
    %c0_i32 = arith.constant 0 : i32
    %c0_i32_0 = arith.constant 0 : i32
    %c0_i32_1 = arith.constant 0 : i32
    return %c0_i32, %c0_i32_0 : i32, i32
  }
  func.func @transform_8(%arg0: i32) -> (i32, i32) {
    %c0_i32 = arith.constant 0 : i32
    %c0_i32_0 = arith.constant 0 : i32
    %c0_i32_1 = arith.constant 0 : i32
    return %c0_i32, %c0_i32_0 : i32, i32
  }
  func.func @transform_9(%arg0: i32) -> (i32, i32) {
    %c0_i32 = arith.constant 0 : i32
    %c0_i32_0 = arith.constant 0 : i32
    %c0_i32_1 = arith.constant 0 : i32
    return %c0_i32, %c0_i32_0 : i32, i32
  }
  func.func @transform_10(%arg0: i32) -> (i32, i32) {
    %c0_i32 = arith.constant 0 : i32
    %c0_i32_0 = arith.constant 0 : i32
    %c0_i32_1 = arith.constant 0 : i32
    return %c0_i32, %c0_i32_0 : i32, i32
  }
  func.func @transform_11(%arg0: i32) -> (i32, i32) {
    %c0_i32 = arith.constant 0 : i32
    %c0_i32_0 = arith.constant 0 : i32
    %c0_i32_1 = arith.constant 0 : i32
    return %c0_i32, %c0_i32_0 : i32, i32
  }
  func.func @transform_12(%arg0: i32) -> (i32, i32) {
    %c0_i32 = arith.constant 0 : i32
    %c0_i32_0 = arith.constant 0 : i32
    %c0_i32_1 = arith.constant 0 : i32
    return %c0_i32, %c0_i32_0 : i32, i32
  }
  func.func @transform_13(%arg0: i32) -> (i32, i32) {
    %c0_i32 = arith.constant 0 : i32
    %c0_i32_0 = arith.constant 0 : i32
    return %arg0, %c0_i32 : i32, i32
  }
  func.func @transform_14(%arg0: i32) -> (i32, i32) {
    %c0_i32 = arith.constant 0 : i32
    %c0_i32_0 = arith.constant 0 : i32
    return %arg0, %c0_i32 : i32, i32
  }
  func.func @transform_15(%arg0: i32) -> (i32, i32) {
    %c0_i32 = arith.constant 0 : i32
    %c0_i32_0 = arith.constant 0 : i32
    return %arg0, %c0_i32 : i32, i32
  }
}

module attributes {stable_mosaic.version = 14 : i64} {
  func.func @_edge_fin_body(%arg0: i32, %arg1: memref<2000x128xf32, #tpu.memory_space<vmem>>, %arg2: memref<2000x16xf32, #tpu.memory_space<vmem>>, %arg3: memref<16x128xf32, #tpu.memory_space<vmem>>, %arg4: memref<1x128xf32, #tpu.memory_space<vmem>>, %arg5: memref<128x16xf32, #tpu.memory_space<vmem>>, %arg6: memref<1x16xf32, #tpu.memory_space<vmem>>, %arg7: memref<2000x16xf32, #tpu.memory_space<vmem>>) attributes {dimension_semantics = [#tpu.dimension_semantics<arbitrary>], iteration_bounds = array<i64: 160>, scalar_prefetch = 0 : i64, scratch_operands = 0 : i64, tpu.core_type = #tpu.core_type<tc>, window_params = [{transform_indices = @transform_0, window_bounds = array<i64: 2000, 128>}, {transform_indices = @transform_1, window_bounds = array<i64: 2000, 16>}, {pipeline_mode = #tpu.pipeline_mode<synchronous>, transform_indices = @transform_2, window_bounds = array<i64: 16, 128>}, {pipeline_mode = #tpu.pipeline_mode<synchronous>, transform_indices = @transform_3, window_bounds = array<i64: 1, 128>}, {pipeline_mode = #tpu.pipeline_mode<synchronous>, transform_indices = @transform_4, window_bounds = array<i64: 128, 16>}, {pipeline_mode = #tpu.pipeline_mode<synchronous>, transform_indices = @transform_5, window_bounds = array<i64: 1, 16>}, {transform_indices = @transform_6, window_bounds = array<i64: 2000, 16>}]} {
    %get3A = arith.constant 0 : index
    %get3A_0 = arith.constant 0 : index
    %get3A_1 = vector.load %arg2[%get3A, %get3A_0] : memref<2000x16xf32, #tpu.memory_space<vmem>>, vector<2000x16xf32>
    %get3A_2 = arith.constant 0 : index
    %get3A_3 = arith.constant 0 : index
    %get3A_4 = vector.load %arg3[%get3A_2, %get3A_3] : memref<16x128xf32, #tpu.memory_space<vmem>>, vector<16x128xf32>
    %dot_general3A = arith.constant dense<0.000000e+00> : vector<2000x128xf32>
    %dot_general3A_5 = tpu.matmul %get3A_1, %get3A_4, %dot_general3A {dimension_numbers = #tpu.dot_dimension_numbers<[1], [0], [0], [1], [0, 0, 1, 1], [], []>, precision = #tpu.contract_precision<fp32>, transpose_lhs_hint = false} : vector<2000x16xf32>, vector<16x128xf32>, vector<2000x128xf32> -> vector<2000x128xf32>
    %get3A_6 = arith.constant 0 : index
    %get3A_7 = arith.constant 0 : index
    %get3A_8 = vector.load %arg4[%get3A_6, %get3A_7] : memref<1x128xf32, #tpu.memory_space<vmem>>, vector<1x128xf32>
    %add3A = vector.broadcast %get3A_8 : vector<1x128xf32> to vector<2000x128xf32>
    %add3A_9 = arith.addf %dot_general3A_5, %add3A : vector<2000x128xf32>
    %get3A_10 = arith.constant 0 : index
    %get3A_11 = arith.constant 0 : index
    %get3A_12 = vector.load %arg1[%get3A_10, %get3A_11] : memref<2000x128xf32, #tpu.memory_space<vmem>>, vector<2000x128xf32>
    %add3A_13 = arith.addf %get3A_12, %add3A_9 : vector<2000x128xf32>
    %max3A = arith.constant 0.000000e+00 : f32
    %max3A_14 = vector.broadcast %max3A : f32 to vector<2000x128xf32>
    %max3A_15 = arith.maximumf %add3A_13, %max3A_14 : vector<2000x128xf32>
    %get3A_16 = arith.constant 0 : index
    %get3A_17 = arith.constant 0 : index
    %get3A_18 = vector.load %arg5[%get3A_16, %get3A_17] : memref<128x16xf32, #tpu.memory_space<vmem>>, vector<128x16xf32>
    %dot_general3A_19 = arith.constant dense<0.000000e+00> : vector<2000x16xf32>
    %dot_general3A_20 = tpu.matmul %max3A_15, %get3A_18, %dot_general3A_19 {dimension_numbers = #tpu.dot_dimension_numbers<[1], [0], [0], [1], [0, 0, 1, 1], [], []>, precision = #tpu.contract_precision<fp32>, transpose_lhs_hint = false} : vector<2000x128xf32>, vector<128x16xf32>, vector<2000x16xf32> -> vector<2000x16xf32>
    %get3A_21 = arith.constant 0 : index
    %get3A_22 = arith.constant 0 : index
    %get3A_23 = vector.load %arg6[%get3A_21, %get3A_22] : memref<1x16xf32, #tpu.memory_space<vmem>>, vector<1x16xf32>
    %add3A_24 = vector.broadcast %get3A_23 : vector<1x16xf32> to vector<2000x16xf32>
    %add3A_25 = arith.addf %dot_general3A_20, %add3A_24 : vector<2000x16xf32>
    %add3A_26 = arith.addf %add3A_25, %get3A_1 : vector<2000x16xf32>
    %max3A_27 = arith.constant 0.000000e+00 : f32
    %max3A_28 = vector.broadcast %max3A_27 : f32 to vector<2000x16xf32>
    %max3A_29 = arith.maximumf %add3A_26, %max3A_28 : vector<2000x16xf32>
    %swap3A = arith.constant 0 : index
    %swap3A_30 = arith.constant 0 : index
    %swap3A_31 = vector.load %arg7[%swap3A, %swap3A_30] : memref<2000x16xf32, #tpu.memory_space<vmem>>, vector<2000x16xf32>
    tpu.vector_store %arg7[%swap3A, %swap3A_30], %max3A_29 {strides = array<i32>} : memref<2000x16xf32, #tpu.memory_space<vmem>>, vector<2000x16xf32>,
    return
  }
  func.func @transform_0(%arg0: i32) -> (i32, i32) {
    %c0_i32 = arith.constant 0 : i32
    %c0_i32_0 = arith.constant 0 : i32
    return %arg0, %c0_i32 : i32, i32
  }
  func.func @transform_1(%arg0: i32) -> (i32, i32) {
    %c0_i32 = arith.constant 0 : i32
    %c0_i32_0 = arith.constant 0 : i32
    return %arg0, %c0_i32 : i32, i32
  }
  func.func @transform_2(%arg0: i32) -> (i32, i32) {
    %c0_i32 = arith.constant 0 : i32
    %c0_i32_0 = arith.constant 0 : i32
    %c0_i32_1 = arith.constant 0 : i32
    return %c0_i32, %c0_i32_0 : i32, i32
  }
  func.func @transform_3(%arg0: i32) -> (i32, i32) {
    %c0_i32 = arith.constant 0 : i32
    %c0_i32_0 = arith.constant 0 : i32
    %c0_i32_1 = arith.constant 0 : i32
    return %c0_i32, %c0_i32_0 : i32, i32
  }
  func.func @transform_4(%arg0: i32) -> (i32, i32) {
    %c0_i32 = arith.constant 0 : i32
    %c0_i32_0 = arith.constant 0 : i32
    %c0_i32_1 = arith.constant 0 : i32
    return %c0_i32, %c0_i32_0 : i32, i32
  }
  func.func @transform_5(%arg0: i32) -> (i32, i32) {
    %c0_i32 = arith.constant 0 : i32
    %c0_i32_0 = arith.constant 0 : i32
    %c0_i32_1 = arith.constant 0 : i32
    return %c0_i32, %c0_i32_0 : i32, i32
  }
  func.func @transform_6(%arg0: i32) -> (i32, i32) {
    %c0_i32 = arith.constant 0 : i32
    %c0_i32_0 = arith.constant 0 : i32
    return %arg0, %c0_i32 : i32, i32
  }
}

</mosaic_0001>

<sc_bundles>
// kernel: kernel.11.cloned.1.call-start
scs
__scs_entry_jumppad:
0x0: {  	(pc) =	sbr.rel $0x88, $3  }
0x1: {  	(tag) =	ssettag $0x0;
	lr =	simm.s32 $0x1  }
0x2: {  	[smem:$0x3F90] =	sst lr;
	_ =	strace $0xD0000000  }
0x3: {  	_ = 	snop  }
0x4: {  	_ = 	snop  }
0x5: {  	_ = 	snop  }
0x6: {  	_ = 	snop  }
0x7: {  	_ = 	snop  }
__scs_overlays_trampoline_lowered:
0x8: {  	[smem:$0x3F9F] =	sst s0  }
0x9: {  	[smem:$0x3FA0] =	sst s1  }
0xa: {  	[smem:$0x3FA1] =	sst s2  }
0xb: {  	[smem:$0x3FA2] =	sst s3  }
0xc: {  	[smem:$0x3FA3] =	sst s4  }
0xd: {  	[smem:$0x3FA4] =	sst s5  }
0xe: {  	[smem:$0x3FA5] =	sst s6  }
0xf: {  	[smem:$0x3FA6] =	sst s7  }
0x10: {  	[smem:$0x3FA7] =	sst s8  }
0x11: {  	[smem:$0x3FA8] =	sst s9;
	s0 =	simm.s32 @!p0 $0x0  }
0x12: {  	s1 =	sld [smem:$0x3F8E];
	s0 =	simm.s32 @p0 $0x1  }
0x13: {  	[smem:$0x3FA9] =	sst s0;
	s0 =	simm.s32 @!p1 $0x0  }
0x14: {  	s2 =	sld [smem:$0x3F8D];
	s0 =	simm.s32 @p1 $0x1  }
0x15: {  	[smem:$0x3FAA] =	sst s0;
	s0 =	simm.s32 @!p2 $0x0  }
0x16: {  	s3 =	sld [smem:$0x3FDB];
	s0 =	simm.s32 @p2 $0x1  }
0x17: {  	s4 =	simm.s32 $0x1BF5;
	[smem:$0x3FAC] =	sst s0  }
0x18: {  	s0 =	sld [smem:$0x3F8F];
	_ =	swait.ge [sflag:s4], $0x0  }
0x19: {  	s7 =	sld [smem:$0x3F90]  }
0x1a: {  	s8 =	sadd.s32 $0xFFFFE003, lr  }
0x1b: {  	s9 =	sadd.s32 $0xFFFFFEF7, lr;
	s5 =	simm.s32 $0xFFFFFFFF;
	p2 =	slt.u32 s8, $0xFFFFF086  }
0x1c: {  	p1 =	slt.u32 s9, $0xF7A;
	s5 =	simm.s32 @!p2 $0x0  }
0x1d: {  	s5 =	simm.s32 @p1 $0x1;
	p0 =	seq.s32 s7, s2  }
0x1e: {  	s7 =	smul.u32 @!p0 $0xF7A, s2;
	p2 =	seq.s32 @!p0 s5, $0x0  }
0x1f: {  	s9 =	smul.u32 $0xF7A, s1;
	s8 =	simm.s32 @!p0 $0x1BF5;
	p2 =	por !p2, p0  }
0x20: {  	[sflag:s8] =	ssyncset.s32 @!p0 $0xFFFFF086;
	s6 =	sadd.s32 @!p0 s3, s7;
	s7 =	simm.s32 @!p0 $0x108  }
0x21: {  	s3 =	sadd.s32 s3, s9;
	s6 =	sadd.s32 @!p0 $0x88, s6;
	s7 =	simm.s32 @p2 $0x1082  }
0x22: {  	[simem:s7], [sflag:s8] =	dma.local @!p0 [hbm:s6], $0xF7A  }
0x23: {  	s9 =	sor.u32 $0xD0000000, s2;
	s6 =	simm.s32 $0x108;
	_ =	swait.ge @!p0 [sflag:s8], $0x0  }
0x24: {  	s3 =	sadd.s32 $0x88, s3;
	s6 =	simm.s32 @!p1 $0x1082;
	[sflag:s4] =	ssyncset.s32 $0xFFFFF086  }
0x25: {  	[simem:s6], [sflag:s4] =	dma.local [hbm:s3], $0xF7A  }
0x26: {  	[smem:$0x3F90] =	sst s1;
	(tag) =	ssettag s2;
	_ =	strace s9  }
0x27: {  	s1 =	sld [smem:$0x3FA0]  }
0x28: {  	s2 =	sld [smem:$0x3FA1]  }
0x29: {  	s4 =	sld [smem:$0x3FA3]  }
0x2a: {  	p0 =	seq.s32 s5, $0x0;
	s5 =	sld [smem:$0x3FA4]  }
0x2b: {  	s6 =	sld [smem:$0x3FA5]  }
0x2c: {  	s7 =	sld [smem:$0x3FA6]  }
0x2d: {  	s3 =	simm.s32 $0x108;
	s8 =	sld [smem:$0x3FA7]  }
0x2e: {  	s3 =	simm.s32 @!p0 $0x1082;
	s9 =	sld [smem:$0x3FA8]  }
0x2f: {  	lr =	sadd.s32 s0, s3;
	s0 =	sld [smem:$0x3F9F]  }
0x30: {  	s3 =	sld [smem:$0x3FA2]  }
0x31: {  	[smem:$0x3FAB] =	sst s10  }
0x32: {  	s10 =	sld [smem:$0x3FA9];
	_ =	sdelay $0x3  }
0x33: {  	p0 =	seq.s32 s10, $0x1;
	s10 =	sld [smem:$0x3FAB];
	_ =	sdelay $0x3  }
0x34: {  	[smem:$0x3FAB] =	sst s10  }
0x35: {  	s10 =	sld [smem:$0x3FAA];
	_ =	sdelay $0x3  }
0x36: {  	p1 =	seq.s32 s10, $0x1;
	s10 =	sld [smem:$0x3FAB];
	_ =	sdelay $0x3  }
0x37: {  	[smem:$0x3FAB] =	sst s10  }
0x38: {  	s10 =	sld [smem:$0x3FAC]  }
0x39: {  	_ = 	snop;
	(pc) =	sbr.ind lr, $3  }
0x3a: {  	_ = 	snop  }
0x3b: {  	_ = 	snop  }
0x3c: {  	p2 =	seq.s32 s10, $0x1;
	s10 =	sld [smem:$0x3FAB]  }
0x3d: {  	_ =	shalt  }
0x3e: {  	_ =	shalt  }
0x3f: {  	_ =	shalt  }
0x40: {  	_ =	shalt  }
0x41: {  	_ =	shalt  }
0x42: {  	_ =	shalt  }
0x43: {  	_ =	shalt  }
0x44: {  	_ =	shalt  }
0x45: {  	_ =	shalt  }
0x46: {  	_ =	shalt  }
0x47: {  	_ =	shalt  }
0x48: {  	_ =	shalt  }
0x49: {  	_ =	shalt  }
0x4a: {  	_ =	shalt  }
0x4b: {  	_ =	shalt  }
0x4c: {  	_ =	shalt  }
0x4d: {  	_ =	shalt  }
0x4e: {  	_ =	shalt  }
0x4f: {  	_ =	shalt  }
0x50: {  	_ =	shalt  }
0x51: {  	_ =	shalt  }
0x52: {  	_ =	shalt  }
0x53: {  	_ =	shalt  }
0x54: {  	_ =	shalt  }
0x55: {  	_ =	shalt  }
0x56: {  	_ =	shalt  }
0x57: {  	_ =	shalt  }
0x58: {  	_ =	shalt  }
0x59: {  	_ =	shalt  }
0x5a: {  	_ =	shalt  }
0x5b: {  	_ =	shalt  }
0x5c: {  	_ =	shalt  }
0x5d: {  	_ =	shalt  }
0x5e: {  	_ =	shalt  }
0x5f: {  	_ =	shalt  }
0x60: {  	_ =	shalt  }
0x61: {  	_ =	shalt  }
0x62: {  	_ =	shalt  }
0x63: {  	_ =	shalt  }
0x64: {  	_ =	shalt  }
0x65: {  	_ =	shalt  }
0x66: {  	_ =	shalt  }
0x67: {  	_ =	shalt  }
0x68: {  	_ =	shalt  }
0x69: {  	_ =	shalt  }
0x6a: {  	_ =	shalt  }
0x6b: {  	_ =	shalt  }
0x6c: {  	_ =	shalt  }
0x6d: {  	_ =	shalt  }
0x6e: {  	_ =	shalt  }
0x6f: {  	_ =	shalt  }
0x70: {  	_ =	shalt  }
0x71: {  	_ =	shalt  }
0x72: {  	_ =	shalt  }
0x73: {  	_ =	shalt  }
0x74: {  	_ =	shalt  }
0x75: {  	_ =	shalt  }
0x76: {  	_ =	shalt  }
0x77: {  	_ =	shalt  }
0x78: {  	_ =	shalt  }
0x79: {  	_ =	shalt  }
0x7a: {  	_ =	shalt  }
0x7b: {  	_ =	shalt  }
0x7c: {  	_ =	shalt  }
0x7d: {  	_ =	shalt  }
0x7e: {  	_ =	shalt  }
0x7f: {  	_ =	shalt  }
0x80: {  	_ =	shalt  }
0x81: {  	_ =	shalt  }
0x82: {  	_ =	shalt  }
0x83: {  	_ =	shalt  }
0x84: {  	_ =	shalt  }
0x85: {  	_ =	shalt  }
0x86: {  	_ =	shalt  }
0x87: {  	_ =	shalt  }
.Lfunc_end0:
.L_simem_size_0:
called_computation.3_lowered:
.L_overlay_start_0:
0x88: {  	s2 =	sld [smem:$0x3FD9]  }
0x89: {  	s3 =	sld [smem:$0x3FFE];
	_ =	sdelay $0x1  }
0x8a: {  	s1 =	srdreg.scid  }
0x8b: {  	s0 =	sand.u32 $0x1, s1  }
0x8c: {  	s14 =	sshll.u32 s0, $0xA;
	s2 =	sadd.s32 s3, s2  }
0x8d: {  	s2 =	sadd.s32 s2, s14  }
0x8e: {  	[smem:$0x3FB7] =	sst s2  }
0x8f: {  	_ = 	snop  }
0x90: {  	s2 =	sld [smem:$0x3FD0];
	_ =	sdelay $0x2  }
0x91: {  	s15 =	simm.s32 $0xB;
	s4 =	simm.s32 $0x10  }
0x92: {  	[smem:s4], [sflag:s15] =	dma.local [hbm:s2], $0x1  }
0x93: {  	_ =	swait.eq [sflag:s15], $0x1  }
0x94: {  	[sflag:s15] =	ssyncset.done $0x0  }
0x95: {  	[sflag:s15] =	ssyncadd.s32 $0xFFFFFFFF  }
0x96: {  	s16 =	sld [smem:$0x11];
	(tm) =	ssettm $0x1  }
0x97: {  	s17 =	sld [smem:$0x3FFB];
	_ =	sdelay $0x3  }
0x98: {  	_ =	strace s17  }
0x99: {  	s3 =	sld [smem:$0x3FFC];
	_ =	sdelay $0x3  }
0x9a: {  	_ =	strace s3  }
0x9b: {  	s3 =	sld [smem:$0x3FFD];
	_ =	sdelay $0x3  }
0x9c: {  	_ =	strace s3  }
0x9d: {  	_ =	strace $0x8FFFFFFF  }
0x9e: {  	s18 =	sld [smem:$0x3FDB];
	_ =	sdelay $0x1  }
0x9f: {  	s19 =	simm.s32 $_scs_section_size  }
0xa0: {  	s5 =	simm.s32 $_size__tile_overlayer_lowered;
	s6 =	simm.s32 $_tile_overlayer_lowered  }
0xa1: {  	s22 =	simm.s32 $0x1BFF;
	s21 =	sshll.u32 s6, $0x1;
	s3 =	sadd.s32 s19, s18  }
0xa2: {  	s7 =	simm.s32 $0x0;
	s20 =	sshll.u32 s5, $0x1;
	s5 =	sadd.s32 s21, s3  }
0xa3: {  	[timem:s7], [sflag:s22] =	dma.local [hbm:s5], s20  }
0xa4: {  	_ =	swait.ge [sflag:s22], s20  }
0xa5: {  	s4 =	ssub.s32 $0x0, s20;
	[sflag:s22] =	ssyncset.done $0x0  }
0xa6: {  	[sflag:s22] =	ssyncadd.s32 s4;
	_ =	sdelay $0x1  }
0xa7: {  	s23 =	simm.s32 $0x1B8B  }
0xa8: {  	_ =	swait.ge [sflag:s23], $0x1  }
0xa9: {  	[sflag:s23] =	ssyncset.done $0x0  }
0xaa: {  	s25 =	simm.s32 $0x1B8E;
	s24 =	sld [smem:$0x3FFE];
	[sflag:s23] =	ssyncadd.s32 $0xFFFFFFFF  }
0xab: {  	s26 =	simm.s32 $execute0_lowered;
	[smem:$0x3FD2] =	sst s25  }
0xac: {  	s5 =	sshll.u32 s26, $0x1;
	_ =	strace $0x8000004F;
	[dreg:$0x1] =	wrdreg $0xFFFFFFFF  }
0xad: {  	s28 =	simm.s32 $_size_execute0_lowered;
	s3 =	sadd.s32 s3, s5;
	[dreg:$0x0] =	wrdreg $0x0  }
0xae: {  	s5 =	sshll.u32 s28, $0x1;
	[dreg:$0x2] =	wrdreg s3  }
0xaf: {  	[dreg:$0x3] =	wrdreg s5  }
0xb0: {  	[dreg:$0x4] =	wrdreg $0xC0  }
0xb1: {  	_ =	task [dreg:s7], $0x5FFFF  }
0xb2: {  	[dreg:$0x1] =	wrdreg $0xFFFFFFFF  }
0xb3: {  	[dreg:$0x0] =	wrdreg $0x60  }
0xb4: {  	[dreg:$0x2] =	wrdreg s16  }
0xb5: {  	[dreg:$0x3] =	wrdreg s24  }
0xb6: {  	[dreg:$0x4] =	wrdreg $0x9  }
0xb7: {  	_ =	task.clear_ibuf [dreg:s7], $0x5FFFF;
	_ =	strace $0x9000004F  }
0xb8: {  	s29 =	simm.s32 $0x9;
	_ =	strace $0x80000051  }
0xb9: {  	_ =	swait.ge [sflag:s29], $0x1  }
0xba: {  	[sflag:s29] =	ssyncadd.s32 $0xFFFFFFFF  }
0xbb: {  	_ =	strace $0x90000051  }
0xbc: {  	_ =	sfence  }
0xbd: {  	s30 =	sld [smem:$0x0];
	_ =	sdelay $0x2  }
0xbe: {  	s31 =	sshll.u32 s1, $0xD;
	s1 =	sshrl.u32 s1, $0x2  }
0xbf: {  	s3 =	sand.u32 $0x4000, s31;
	s1 =	sadd.s32 s1, s30  }
0xc0: {  	s0 =	sor.u32 s3, s0;
	s1 =	sshll.u32 s1, $0x11  }
0xc1: {  	s0 =	sor.u32 s1, s0  }
0xc2: {  	s0 =	sadd.s32 $0x8F2B, s0  }
0xc3: {  	[sflag:s0] =	ssyncadd.remote.s32 $0x1  }
0xc4: {  	_ =	sfence.sel $0xFFFF  }
0xc5: {  	[dreg:$0x0] =	wrdreg $0xFFFFFFFF;
	(pc) =	sbr.abs _section_cstart, $3  }
0xc6: {  	[dreg:$0x1] =	wrdreg $0xFFFFFFFF  }
0xc7: {  	_ =	task.clear_ibuf [dreg:s7], $0x2FFFF;
	_ =	strace $0x9FFFFFFF  }
0xc8: {  	(tm) =	ssettm $0x7FFFFFFF  }
0xc9: {  	_ =	shalt  }
tec
execute0_lowered:
.L_overlay_start_1:
0x0: {  	(tag) =	ssettag $0x1  }
0x1: {  	s1 =	rddreg [dreg:$0x0]  }
0x2: {  	s7 =	rddreg [dreg:$0x1]  }
0x3: {  	s0 =	rddreg [dreg:$0x2]  }
0x4: {  	s3 =	simm.s32 $0x0;
	s5 =	srdreg.scid;
	s2 =	stileid.u32  }
0x5: {  	s13 =	simm.s32 $0x3;
	s14 =	simm.s32 $0x80;
	s15 =	simm.s32 $0x100  }
0x6: {  	s16 =	simm.s32 $0x4100;
	s17 =	simm.s32 $0x1;
	s18 =	simm.s32 $0x2  }
0x7: {  	s19 =	simm.s32 $0x0;
	[smem:$0x7FF] =	sst s3;
	s4 =	sadd.s32 $0x4F7400, s7  }
0x8: {  	s6 =	sand.u32 $0x1, s5;
	s8 =	sshll.u32 s2, $0x1;
	s5 =	sadd.s32 $0xB600, s7  }
0x9: {  	p0 =	sgt.u32 s2, $0x1;
	_ =	strace $0x80000050;
	s9 =	ssub.s32 $0x2, s6  }
.Ltmp0:
0xa: {  	s8 =	sor.u32 s6, s8;
	s6 =	sadd.s32 $0x1800, s7;
	(pc) =	sbr.rel .LBB2_1-.Ltmp0, $4  }
0xb: {  	s7 =	sadd.s32 $0x51E600, s7;
	s10 =	sshrl.u32 s9, $0x1;
	s11 =	sshll.u32 s8, $0x7  }
0xc: {  	s8 =	smul.u32 $0x4E, s8;
	s12 =	ssub.s32 s9, s10;
	s30 =	sor.u32 $0x4E000, s11  }
0xd: {  	s31 =	sshrl.u32 s30, $0x3;
	s11 =	sshll.u32 s30, $0x4;
	s12 =	smax.u32 s12, $0x1  }
0xe: {  	s9 =	sadd.s32 s5, s31;
	s10 =	sadd.s32 s6, s31;
	s11 =	sadd.s32 s7, s11  }
.LBB2_9:
0xf: {  	s19 =	sadd.s32 $0x1, s19  }
0x10: {  	p1 =	sne.s32 s19, s12  }
.Ltmp1:
0x11: {  	_ = 	snop;
	(pc) =	sbr.rel @!p1 .LBB2_10-.Ltmp1, $1  }
0x12: {  	_ =	sdelay $0x3  }
.LBB2_1:
0x13: {  	s20 =	simm.s32 $0x0  }
.LBB2_2:
0x14: {  	s21 =	sadd.s32 s8, s20  }
0x15: {  	s22 =	sshll.u32 s21, $0x4  }
0x16: {  	s24 =	simm.s32 $0x0;
	s23 =	sadd.s32 s5, s22  }
0x17: {  	[tilespmem:s24], [sflag:$0x3] =	stream.linear.gather [hbm4b:s23+s24], $0x80, $0x38;
	[tilespmem:$0x8100] =	vst v63  }
0x18: {  	_ =	swait.ge [sflag:s13], $0x80  }
0x19: {  	[sflag:s13] =	ssyncset.done $0x0  }
0x1a: {  	s22 =	sadd.s32 s6, s22;
	[sflag:s13] =	ssyncadd.s32 $0xFFFFFF80  }
0x1b: {  	[tilespmem:s14], [sflag:$0x3] =	stream.linear.gather [hbm4b:s22+s24], $0x80, $0x38;
	[tilespmem:$0x8100] =	vst v63  }
0x1c: {  	_ =	swait.ge [sflag:s13], $0x80  }
0x1d: {  	[sflag:s13] =	ssyncset.done $0x0  }
0x1e: {  	[sflag:s13] =	ssyncadd.s32 $0xFFFFFF80  }
0x1f: {  	[tilespmem:s15], [sflag:$0x1] =	stream.indirect.gather [hbm4b:s1+s14], $0x80, s24, s14, $0xb8;
	[tilespmem:$0x8100] =	vst v63  }
0x20: {  	_ = 	snop  }
0x21: {  	[tilespmem:s16], [sflag:$0x2] =	stream.indirect.gather [hbm4b:s4+s14], $0x80, s14, s14, $0xb8;
	[tilespmem:$0x8100] =	vst v63  }
0x22: {  	_ =	swait.ge [sflag:s17], $0x4000  }
0x23: {  	[sflag:s17] =	ssyncset.done $0x0  }
0x24: {  	[sflag:s17] =	ssyncadd.s32 $0xFFFFC000  }
0x25: {  	_ =	swait.ge [sflag:s18], $0x4000  }
0x26: {  	[sflag:s18] =	ssyncset.done $0x0  }
0x27: {  	s22 =	simm.s32 $0x0;
	[sflag:s18] =	ssyncadd.s32 $0xFFFFC000  }
0x28: {  	v7 =	vld [tilespmem:s22+$0x4100]  }
0x29: {  	v11 =	vld [tilespmem:s22+$0x4110]  }
0x2a: {  	v5 =	vld [tilespmem:s22+$0x4120]  }
0x2b: {  	v4 =	vld [tilespmem:s22+$0x4130]  }
0x2c: {  	v3 =	vld [tilespmem:s22+$0x4140]  }
0x2d: {  	v2 =	vld [tilespmem:s22+$0x4150]  }
0x2e: {  	v1 =	vld [tilespmem:s22+$0x4160]  }
0x2f: {  	v0 =	vld [tilespmem:s22+$0x4170]  }
0x30: {  	v12 =	vld [tilespmem:s22+$0x100]  }
0x31: {  	v13 =	vld [tilespmem:s22+$0x110]  }
0x32: {  	v10 =	vld [tilespmem:s22+$0x120]  }
0x33: {  	v9 =	vld [tilespmem:s22+$0x130]  }
0x34: {  	v8 =	vld [tilespmem:s22+$0x140]  }
0x35: {  	v6 =	vld [tilespmem:s22+$0x150];
	v12 =	vadd.f32 v7, v12  }
0x36: {  	s23 =	simm.s32 $0x200;
	v11 =	vadd.f32 v11, v13;
	v7 =	vld [tilespmem:s22+$0x160]  }
.LBB2_3:
0x37: {  	s24 =	sshra.s32 s23, $0x2;
	p1 =	sne.s32 s23, $0xFE00;
	[tilespmem:s22+$0x100] =	vst v12;
	v5 =	vadd.f32 v5, v10;
	v10 =	vld [tilespmem:s22+$0x170]  }
0x38: {  	v12 =	vld [tilespmem:s24+$0x4100];
	[tilespmem:s22+$0x110] =	vst v11;
	v4 =	vadd.f32 v4, v9  }
0x39: {  	v11 =	vld [tilespmem:s24+$0x4110];
	[tilespmem:s22+$0x120] =	vst v5;
	v3 =	vadd.f32 v3, v8  }
0x3a: {  	v5 =	vld [tilespmem:s24+$0x4120];
	[tilespmem:s22+$0x130] =	vst v4;
	v2 =	vadd.f32 v2, v6  }
0x3b: {  	v4 =	vld [tilespmem:s24+$0x4130];
	[tilespmem:s22+$0x140] =	vst v3;
	v1 =	vadd.f32 v1, v7  }
0x3c: {  	v3 =	vld [tilespmem:s24+$0x4140];
	[tilespmem:s22+$0x150] =	vst v2;
	v0 =	vadd.f32 v0, v10  }
0x3d: {  	v2 =	vld [tilespmem:s24+$0x4150];
	[tilespmem:s22+$0x160] =	vst v1  }
0x3e: {  	v1 =	vld [tilespmem:s24+$0x4160];
	[tilespmem:s22+$0x170] =	vst v0;
	s22 =	smov.u32 s24  }
0x3f: {  	v0 =	vld [tilespmem:s22+$0x4170]  }
0x40: {  	v6 =	vld [tilespmem:s22+$0x100]  }
0x41: {  	v7 =	vld [tilespmem:s22+$0x110]  }
.Ltmp2:
0x42: {  	v10 =	vld [tilespmem:s22+$0x120];
	(pc) =	sbr.rel @p1 .LBB2_3-.Ltmp2, $4  }
0x43: {  	v9 =	vld [tilespmem:s22+$0x130]  }
0x44: {  	v8 =	vld [tilespmem:s22+$0x140]  }
0x45: {  	v12 =	vadd.f32 v12, v6;
	v6 =	vld [tilespmem:s22+$0x150]  }
0x46: {  	s23 =	sadd.s32 $0x200, s23;
	v11 =	vadd.f32 v11, v7;
	v7 =	vld [tilespmem:s22+$0x160]  }
0x47: {  	[tilespmem:s22+$0x100] =	vst v12;
	v5 =	vadd.f32 v5, v10;
	v63 =	vld [tilespmem:s22+$0x170]  }
0x48: {  	[tilespmem:s22+$0x110] =	vst v11;
	v4 =	vadd.f32 v4, v9  }
0x49: {  	[tilespmem:s22+$0x120] =	vst v5;
	v3 =	vadd.f32 v3, v8  }
0x4a: {  	[tilespmem:s22+$0x130] =	vst v4;
	v2 =	vadd.f32 v2, v6  }
0x4b: {  	[tilespmem:s22+$0x140] =	vst v3;
	v1 =	vadd.f32 v1, v7  }
0x4c: {  	s20 =	sadd.s32 $0x1, s20;
	[tilespmem:s22+$0x150] =	vst v2;
	v0 =	vadd.f32 v0, v63  }
0x4d: {  	s21 =	sshll.u32 s21, $0xB;
	p1 =	sne.s32 s20, $0x4E;
	[tilespmem:s22+$0x160] =	vst v1  }
.Ltmp3:
0x4e: {  	s21 =	sadd.s32 s7, s21;
	[tilespmem:s22+$0x170] =	vst v0;
	(pc) =	sbr.rel @p1 .LBB2_2-.Ltmp3, $4  }
0x4f: {  	[hbm4b:s21+s3] =	stream.linear.scatter [tilespmem:s15], [sflag:$0x3], $0x4000, $0x38;
	[tilespmem:$0x8100] =	vst v63  }
0x50: {  	_ =	swait.ge [sflag:s13], $0x4000  }
0x51: {  	[sflag:s13] =	ssyncset.done $0x0  }
0x52: {  	[sflag:s13] =	ssyncadd.s32 $0xFFFFC000  }
.Ltmp4:
0x53: {  	(pc) =	sbr.rel @p0 .LBB2_9-.Ltmp4, $1  }
0x54: {  	_ =	sdelay $0x3  }
0x55: {  	s20 =	simm.s32 $0x0  }
0x56: {  	[tilespmem:s20], [sflag:$0x3] =	stream.linear.gather [hbm4b:s9+s20], $0x80, $0x38;
	[tilespmem:$0x8100] =	vst v63  }
0x57: {  	_ =	swait.ge [sflag:s13], $0x80  }
0x58: {  	[sflag:s13] =	ssyncset.done $0x0  }
0x59: {  	[sflag:s13] =	ssyncadd.s32 $0xFFFFFF80  }
0x5a: {  	[tilespmem:s14], [sflag:$0x3] =	stream.linear.gather [hbm4b:s10+s20], $0x80, $0x38;
	[tilespmem:$0x8100] =	vst v63  }
0x5b: {  	_ =	swait.ge [sflag:s13], $0x80  }
0x5c: {  	[sflag:s13] =	ssyncset.done $0x0  }
0x5d: {  	[sflag:s13] =	ssyncadd.s32 $0xFFFFFF80  }
0x5e: {  	[tilespmem:s15], [sflag:$0x1] =	stream.indirect.gather [hbm4b:s1+s14], $0x80, s20, s14, $0xb8;
	[tilespmem:$0x8100] =	vst v63  }
0x5f: {  	_ = 	snop  }
0x60: {  	[tilespmem:s16], [sflag:$0x2] =	stream.indirect.gather [hbm4b:s4+s14], $0x80, s14, s14, $0xb8;
	[tilespmem:$0x8100] =	vst v63  }
0x61: {  	_ =	swait.ge [sflag:s17], $0x4000  }
0x62: {  	[sflag:s17] =	ssyncset.done $0x0  }
0x63: {  	[sflag:s17] =	ssyncadd.s32 $0xFFFFC000  }
0x64: {  	_ =	swait.ge [sflag:s18], $0x4000  }
0x65: {  	[sflag:s18] =	ssyncset.done $0x0  }
0x66: {  	s20 =	simm.s32 $0x0;
	[sflag:s18] =	ssyncadd.s32 $0xFFFFC000  }
0x67: {  	v7 =	vld [tilespmem:s20+$0x4100]  }
0x68: {  	v11 =	vld [tilespmem:s20+$0x4110]  }
0x69: {  	v5 =	vld [tilespmem:s20+$0x4120]  }
0x6a: {  	v4 =	vld [tilespmem:s20+$0x4130]  }
0x6b: {  	v3 =	vld [tilespmem:s20+$0x4140]  }
0x6c: {  	v2 =	vld [tilespmem:s20+$0x4150]  }
0x6d: {  	v1 =	vld [tilespmem:s20+$0x4160]  }
0x6e: {  	v0 =	vld [tilespmem:s20+$0x4170]  }
0x6f: {  	v12 =	vld [tilespmem:s20+$0x100]  }
0x70: {  	v13 =	vld [tilespmem:s20+$0x110]  }
0x71: {  	v10 =	vld [tilespmem:s20+$0x120]  }
0x72: {  	v9 =	vld [tilespmem:s20+$0x130]  }
0x73: {  	v8 =	vld [tilespmem:s20+$0x140]  }
0x74: {  	v6 =	vld [tilespmem:s20+$0x150];
	v12 =	vadd.f32 v7, v12  }
0x75: {  	s21 =	simm.s32 $0x200;
	v11 =	vadd.f32 v11, v13;
	v7 =	vld [tilespmem:s20+$0x160]  }
.LBB2_7:
0x76: {  	s22 =	sshra.s32 s21, $0x2;
	p1 =	sne.s32 s21, $0xFE00;
	[tilespmem:s20+$0x100] =	vst v12;
	v5 =	vadd.f32 v5, v10;
	v10 =	vld [tilespmem:s20+$0x170]  }
0x77: {  	v12 =	vld [tilespmem:s22+$0x4100];
	[tilespmem:s20+$0x110] =	vst v11;
	v4 =	vadd.f32 v4, v9  }
0x78: {  	v11 =	vld [tilespmem:s22+$0x4110];
	[tilespmem:s20+$0x120] =	vst v5;
	v3 =	vadd.f32 v3, v8  }
0x79: {  	v5 =	vld [tilespmem:s22+$0x4120];
	[tilespmem:s20+$0x130] =	vst v4;
	v2 =	vadd.f32 v2, v6  }
0x7a: {  	v4 =	vld [tilespmem:s22+$0x4130];
	[tilespmem:s20+$0x140] =	vst v3;
	v1 =	vadd.f32 v1, v7  }
0x7b: {  	v3 =	vld [tilespmem:s22+$0x4140];
	[tilespmem:s20+$0x150] =	vst v2;
	v0 =	vadd.f32 v0, v10  }
0x7c: {  	v2 =	vld [tilespmem:s22+$0x4150];
	[tilespmem:s20+$0x160] =	vst v1  }
0x7d: {  	v1 =	vld [tilespmem:s22+$0x4160];
	[tilespmem:s20+$0x170] =	vst v0;
	s20 =	smov.u32 s22  }
0x7e: {  	v0 =	vld [tilespmem:s20+$0x4170]  }
0x7f: {  	v6 =	vld [tilespmem:s20+$0x100]  }
0x80: {  	v7 =	vld [tilespmem:s20+$0x110]  }
.Ltmp5:
0x81: {  	v10 =	vld [tilespmem:s20+$0x120];
	(pc) =	sbr.rel @p1 .LBB2_7-.Ltmp5, $4  }
0x82: {  	v9 =	vld [tilespmem:s20+$0x130]  }
0x83: {  	v8 =	vld [tilespmem:s20+$0x140]  }
0x84: {  	v12 =	vadd.f32 v12, v6;
	v6 =	vld [tilespmem:s20+$0x150]  }
0x85: {  	s21 =	sadd.s32 $0x200, s21;
	v11 =	vadd.f32 v11, v7;
	v7 =	vld [tilespmem:s20+$0x160]  }
0x86: {  	[tilespmem:s20+$0x100] =	vst v12;
	v5 =	vadd.f32 v5, v10;
	v63 =	vld [tilespmem:s20+$0x170]  }
0x87: {  	[tilespmem:s20+$0x110] =	vst v11;
	v4 =	vadd.f32 v4, v9  }
0x88: {  	[tilespmem:s20+$0x120] =	vst v5;
	v3 =	vadd.f32 v3, v8  }
0x89: {  	[tilespmem:s20+$0x130] =	vst v4;
	v2 =	vadd.f32 v2, v6  }
0x8a: {  	[tilespmem:s20+$0x140] =	vst v3;
	v1 =	vadd.f32 v1, v7  }
0x8b: {  	[tilespmem:s20+$0x150] =	vst v2;
	v0 =	vadd.f32 v0, v63  }
0x8c: {  	[tilespmem:s20+$0x160] =	vst v1  }
.Ltmp6:
0x8d: {  	[tilespmem:s20+$0x170] =	vst v0;
	(pc) =	sbr.rel .LBB2_9-.Ltmp6, $4  }
0x8e: {  	[hbm4b:s11+s3] =	stream.linear.scatter [tilespmem:s15], [sflag:$0x3], $0x4000, $0x38;
	[tilespmem:$0x8100] =	vst v63  }
0x8f: {  	_ =	swait.ge [sflag:s13], $0x4000  }
0x90: {  	[sflag:s13] =	ssyncset.done $0x0  }
0x91: {  	[sflag:s13] =	ssyncadd.s32 $0xFFFFC000  }
.LBB2_10:
0x92: {  	_ =	sfence.sel $0x180000  }
0x93: {  	[bflag:$0x0] =	sbarrier.arrive $0xFFFF  }
0x94: {  	p0 =	sne.s32 s2, $0x0;
	_ =	strace $0x90000050  }
0x95: {  	s0 =	sadd.s32 @!p0 $0x100000, s0;
	[bflag:$0x2] =	sbarrier.arrive $0xFFFF  }
0x96: {  	[sflag:s0] =	ssyncadd.tile.s32 @!p0 $0x1;
	_ =	shalt  }
.Lfunc_end2:
_tile_overlayer_lowered:
.L_overlay_start_2:
0x97: {  	(tag) =	ssettag $0x2  }
0x98: {  	s0 =	rddreg [dreg:$0x0];
	s2 =	stileid.u32  }
0x99: {  	s1 =	rddreg [dreg:$0x1];
	p0 =	sne.s32 s2, $0x0  }
0x9a: {  	s3 =	rddreg [dreg:$0x2];
	[bflag:$0x3] =	sbarrier.arrive $0xFFFF;
	s2 =	simm.s32 @!p0 $0x1C03  }
0x9b: {  	[timem:s3], [sflag:s2] =	dma.local @!p0 [hbm:s0], s1  }
0x9c: {  	s0 =	simm.s32 @!p0 $0x3  }
0x9d: {  	_ =	swait.ge @!p0 [sflag:s0], s1  }
0x9e: {  	s1 =	ssub.s32 @!p0 $0x0, s1;
	[sflag:s0] =	ssyncset.done @!p0 $0x0  }
0x9f: {  	[sflag:s0] =	ssyncadd.s32 @!p0 s1  }
0xa0: {  	[bflag:$0x3] =	sbarrier.arrive $0xFFFF  }
0xa1: {  	_ =	shalt  }

// kernel: kernel.8.cloned.1.call-start
scs
__scs_entry_jumppad:
0x0: {  	(pc) =	sbr.rel $0x88, $3  }
0x1: {  	(tag) =	ssettag $0x0;
	lr =	simm.s32 $0x1  }
0x2: {  	[smem:$0x3F90] =	sst lr;
	_ =	strace $0xD0000000  }
0x3: {  	_ = 	snop  }
0x4: {  	_ = 	snop  }
0x5: {  	_ = 	snop  }
0x6: {  	_ = 	snop  }
0x7: {  	_ = 	snop  }
__scs_overlays_trampoline_lowered:
0x8: {  	[smem:$0x3F9F] =	sst s0  }
0x9: {  	[smem:$0x3FA0] =	sst s1  }
0xa: {  	[smem:$0x3FA1] =	sst s2  }
0xb: {  	[smem:$0x3FA2] =	sst s3  }
0xc: {  	[smem:$0x3FA3] =	sst s4  }
0xd: {  	[smem:$0x3FA4] =	sst s5  }
0xe: {  	[smem:$0x3FA5] =	sst s6  }
0xf: {  	[smem:$0x3FA6] =	sst s7  }
0x10: {  	[smem:$0x3FA7] =	sst s8  }
0x11: {  	[smem:$0x3FA8] =	sst s9;
	s0 =	simm.s32 @!p0 $0x0  }
0x12: {  	s1 =	sld [smem:$0x3F8E];
	s0 =	simm.s32 @p0 $0x1  }
0x13: {  	[smem:$0x3FA9] =	sst s0;
	s0 =	simm.s32 @!p1 $0x0  }
0x14: {  	s2 =	sld [smem:$0x3F8D];
	s0 =	simm.s32 @p1 $0x1  }
0x15: {  	[smem:$0x3FAA] =	sst s0;
	s0 =	simm.s32 @!p2 $0x0  }
0x16: {  	s3 =	sld [smem:$0x3FDB];
	s0 =	simm.s32 @p2 $0x1  }
0x17: {  	s4 =	simm.s32 $0x1BF5;
	[smem:$0x3FAC] =	sst s0  }
0x18: {  	s0 =	sld [smem:$0x3F8F];
	_ =	swait.ge [sflag:s4], $0x0  }
0x19: {  	s7 =	sld [smem:$0x3F90]  }
0x1a: {  	s8 =	sadd.s32 $0xFFFFE003, lr  }
0x1b: {  	s9 =	sadd.s32 $0xFFFFFEF7, lr;
	s5 =	simm.s32 $0xFFFFFFFF;
	p2 =	slt.u32 s8, $0xFFFFF086  }
0x1c: {  	p1 =	slt.u32 s9, $0xF7A;
	s5 =	simm.s32 @!p2 $0x0  }
0x1d: {  	s5 =	simm.s32 @p1 $0x1;
	p0 =	seq.s32 s7, s2  }
0x1e: {  	s7 =	smul.u32 @!p0 $0xF7A, s2;
	p2 =	seq.s32 @!p0 s5, $0x0  }
0x1f: {  	s9 =	smul.u32 $0xF7A, s1;
	s8 =	simm.s32 @!p0 $0x1BF5;
	p2 =	por !p2, p0  }
0x20: {  	[sflag:s8] =	ssyncset.s32 @!p0 $0xFFFFF086;
	s6 =	sadd.s32 @!p0 s3, s7;
	s7 =	simm.s32 @!p0 $0x108  }
0x21: {  	s3 =	sadd.s32 s3, s9;
	s6 =	sadd.s32 @!p0 $0x88, s6;
	s7 =	simm.s32 @p2 $0x1082  }
0x22: {  	[simem:s7], [sflag:s8] =	dma.local @!p0 [hbm:s6], $0xF7A  }
0x23: {  	s9 =	sor.u32 $0xD0000000, s2;
	s6 =	simm.s32 $0x108;
	_ =	swait.ge @!p0 [sflag:s8], $0x0  }
0x24: {  	s3 =	sadd.s32 $0x88, s3;
	s6 =	simm.s32 @!p1 $0x1082;
	[sflag:s4] =	ssyncset.s32 $0xFFFFF086  }
0x25: {  	[simem:s6], [sflag:s4] =	dma.local [hbm:s3], $0xF7A  }
0x26: {  	[smem:$0x3F90] =	sst s1;
	(tag) =	ssettag s2;
	_ =	strace s9  }
0x27: {  	s1 =	sld [smem:$0x3FA0]  }
0x28: {  	s2 =	sld [smem:$0x3FA1]  }
0x29: {  	s4 =	sld [smem:$0x3FA3]  }
0x2a: {  	p0 =	seq.s32 s5, $0x0;
	s5 =	sld [smem:$0x3FA4]  }
0x2b: {  	s6 =	sld [smem:$0x3FA5]  }
0x2c: {  	s7 =	sld [smem:$0x3FA6]  }
0x2d: {  	s3 =	simm.s32 $0x108;
	s8 =	sld [smem:$0x3FA7]  }
0x2e: {  	s3 =	simm.s32 @!p0 $0x1082;
	s9 =	sld [smem:$0x3FA8]  }
0x2f: {  	lr =	sadd.s32 s0, s3;
	s0 =	sld [smem:$0x3F9F]  }
0x30: {  	s3 =	sld [smem:$0x3FA2]  }
0x31: {  	[smem:$0x3FAB] =	sst s10  }
0x32: {  	s10 =	sld [smem:$0x3FA9];
	_ =	sdelay $0x3  }
0x33: {  	p0 =	seq.s32 s10, $0x1;
	s10 =	sld [smem:$0x3FAB];
	_ =	sdelay $0x3  }
0x34: {  	[smem:$0x3FAB] =	sst s10  }
0x35: {  	s10 =	sld [smem:$0x3FAA];
	_ =	sdelay $0x3  }
0x36: {  	p1 =	seq.s32 s10, $0x1;
	s10 =	sld [smem:$0x3FAB];
	_ =	sdelay $0x3  }
0x37: {  	[smem:$0x3FAB] =	sst s10  }
0x38: {  	s10 =	sld [smem:$0x3FAC]  }
0x39: {  	_ = 	snop;
	(pc) =	sbr.ind lr, $3  }
0x3a: {  	_ = 	snop  }
0x3b: {  	_ = 	snop  }
0x3c: {  	p2 =	seq.s32 s10, $0x1;
	s10 =	sld [smem:$0x3FAB]  }
0x3d: {  	_ =	shalt  }
0x3e: {  	_ =	shalt  }
0x3f: {  	_ =	shalt  }
0x40: {  	_ =	shalt  }
0x41: {  	_ =	shalt  }
0x42: {  	_ =	shalt  }
0x43: {  	_ =	shalt  }
0x44: {  	_ =	shalt  }
0x45: {  	_ =	shalt  }
0x46: {  	_ =	shalt  }
0x47: {  	_ =	shalt  }
0x48: {  	_ =	shalt  }
0x49: {  	_ =	shalt  }
0x4a: {  	_ =	shalt  }
0x4b: {  	_ =	shalt  }
0x4c: {  	_ =	shalt  }
0x4d: {  	_ =	shalt  }
0x4e: {  	_ =	shalt  }
0x4f: {  	_ =	shalt  }
0x50: {  	_ =	shalt  }
0x51: {  	_ =	shalt  }
0x52: {  	_ =	shalt  }
0x53: {  	_ =	shalt  }
0x54: {  	_ =	shalt  }
0x55: {  	_ =	shalt  }
0x56: {  	_ =	shalt  }
0x57: {  	_ =	shalt  }
0x58: {  	_ =	shalt  }
0x59: {  	_ =	shalt  }
0x5a: {  	_ =	shalt  }
0x5b: {  	_ =	shalt  }
0x5c: {  	_ =	shalt  }
0x5d: {  	_ =	shalt  }
0x5e: {  	_ =	shalt  }
0x5f: {  	_ =	shalt  }
0x60: {  	_ =	shalt  }
0x61: {  	_ =	shalt  }
0x62: {  	_ =	shalt  }
0x63: {  	_ =	shalt  }
0x64: {  	_ =	shalt  }
0x65: {  	_ =	shalt  }
0x66: {  	_ =	shalt  }
0x67: {  	_ =	shalt  }
0x68: {  	_ =	shalt  }
0x69: {  	_ =	shalt  }
0x6a: {  	_ =	shalt  }
0x6b: {  	_ =	shalt  }
0x6c: {  	_ =	shalt  }
0x6d: {  	_ =	shalt  }
0x6e: {  	_ =	shalt  }
0x6f: {  	_ =	shalt  }
0x70: {  	_ =	shalt  }
0x71: {  	_ =	shalt  }
0x72: {  	_ =	shalt  }
0x73: {  	_ =	shalt  }
0x74: {  	_ =	shalt  }
0x75: {  	_ =	shalt  }
0x76: {  	_ =	shalt  }
0x77: {  	_ =	shalt  }
0x78: {  	_ =	shalt  }
0x79: {  	_ =	shalt  }
0x7a: {  	_ =	shalt  }
0x7b: {  	_ =	shalt  }
0x7c: {  	_ =	shalt  }
0x7d: {  	_ =	shalt  }
0x7e: {  	_ =	shalt  }
0x7f: {  	_ =	shalt  }
0x80: {  	_ =	shalt  }
0x81: {  	_ =	shalt  }
0x82: {  	_ =	shalt  }
0x83: {  	_ =	shalt  }
0x84: {  	_ =	shalt  }
0x85: {  	_ =	shalt  }
0x86: {  	_ =	shalt  }
0x87: {  	_ =	shalt  }
.Lfunc_end0:
.L_simem_size_0:
called_computation.2_lowered:
.L_overlay_start_0:
0x88: {  	s2 =	sld [smem:$0x3FD9]  }
0x89: {  	s3 =	sld [smem:$0x3FFE];
	_ =	sdelay $0x1  }
0x8a: {  	s1 =	srdreg.scid  }
0x8b: {  	s0 =	sand.u32 $0x1, s1  }
0x8c: {  	s14 =	sshll.u32 s0, $0xA;
	s2 =	sadd.s32 s3, s2  }
0x8d: {  	s2 =	sadd.s32 s2, s14  }
0x8e: {  	[smem:$0x3FB7] =	sst s2  }
0x8f: {  	_ = 	snop  }
0x90: {  	s2 =	sld [smem:$0x3FD0];
	_ =	sdelay $0x2  }
0x91: {  	s15 =	simm.s32 $0xB;
	s4 =	simm.s32 $0x10  }
0x92: {  	[smem:s4], [sflag:s15] =	dma.local [hbm:s2], $0x1  }
0x93: {  	_ =	swait.eq [sflag:s15], $0x1  }
0x94: {  	[sflag:s15] =	ssyncset.done $0x0  }
0x95: {  	[sflag:s15] =	ssyncadd.s32 $0xFFFFFFFF  }
0x96: {  	s16 =	sld [smem:$0x10];
	(tm) =	ssettm $0x1  }
0x97: {  	s17 =	sld [smem:$0x3FFB];
	_ =	sdelay $0x3  }
0x98: {  	_ =	strace s17  }
0x99: {  	s3 =	sld [smem:$0x3FFC];
	_ =	sdelay $0x3  }
0x9a: {  	_ =	strace s3  }
0x9b: {  	s3 =	sld [smem:$0x3FFD];
	_ =	sdelay $0x3  }
0x9c: {  	_ =	strace s3  }
0x9d: {  	_ =	strace $0x8FFFFFFF  }
0x9e: {  	s18 =	sld [smem:$0x3FDB];
	_ =	sdelay $0x1  }
0x9f: {  	s19 =	simm.s32 $_scs_section_size  }
0xa0: {  	s5 =	simm.s32 $_size__tile_overlayer_lowered;
	s6 =	simm.s32 $_tile_overlayer_lowered  }
0xa1: {  	s22 =	simm.s32 $0x1BFF;
	s21 =	sshll.u32 s6, $0x1;
	s3 =	sadd.s32 s19, s18  }
0xa2: {  	s7 =	simm.s32 $0x0;
	s20 =	sshll.u32 s5, $0x1;
	s5 =	sadd.s32 s21, s3  }
0xa3: {  	[timem:s7], [sflag:s22] =	dma.local [hbm:s5], s20  }
0xa4: {  	_ =	swait.ge [sflag:s22], s20  }
0xa5: {  	s4 =	ssub.s32 $0x0, s20;
	[sflag:s22] =	ssyncset.done $0x0  }
0xa6: {  	[sflag:s22] =	ssyncadd.s32 s4;
	_ =	sdelay $0x1  }
0xa7: {  	s23 =	simm.s32 $0x1B8B  }
0xa8: {  	_ =	swait.ge [sflag:s23], $0x1  }
0xa9: {  	[sflag:s23] =	ssyncset.done $0x0  }
0xaa: {  	s25 =	simm.s32 $0x1B8E;
	s24 =	sld [smem:$0x3FFE];
	[sflag:s23] =	ssyncadd.s32 $0xFFFFFFFF  }
0xab: {  	s26 =	simm.s32 $execute0_lowered;
	[smem:$0x3FD2] =	sst s25  }
0xac: {  	s5 =	sshll.u32 s26, $0x1;
	_ =	strace $0x80000046;
	[dreg:$0x1] =	wrdreg $0xFFFFFFFF  }
0xad: {  	s28 =	simm.s32 $_size_execute0_lowered;
	s3 =	sadd.s32 s3, s5;
	[dreg:$0x0] =	wrdreg $0x0  }
0xae: {  	s5 =	sshll.u32 s28, $0x1;
	[dreg:$0x2] =	wrdreg s3  }
0xaf: {  	[dreg:$0x3] =	wrdreg s5  }
0xb0: {  	[dreg:$0x4] =	wrdreg $0xC0  }
0xb1: {  	_ =	task [dreg:s7], $0x5FFFF  }
0xb2: {  	[dreg:$0x1] =	wrdreg $0xFFFFFFFF  }
0xb3: {  	[dreg:$0x0] =	wrdreg $0x60  }
0xb4: {  	[dreg:$0x2] =	wrdreg s16  }
0xb5: {  	[dreg:$0x3] =	wrdreg s24  }
0xb6: {  	[dreg:$0x4] =	wrdreg $0xA  }
0xb7: {  	_ =	task.clear_ibuf [dreg:s7], $0x5FFFF;
	_ =	strace $0x90000046  }
0xb8: {  	s29 =	simm.s32 $0xA;
	_ =	strace $0x80000048  }
0xb9: {  	_ =	swait.ge [sflag:s29], $0x1  }
0xba: {  	[sflag:s29] =	ssyncadd.s32 $0xFFFFFFFF  }
0xbb: {  	_ =	strace $0x90000048  }
0xbc: {  	_ =	sfence  }
0xbd: {  	s30 =	sld [smem:$0x0];
	_ =	sdelay $0x2  }
0xbe: {  	s31 =	sshll.u32 s1, $0xD;
	s1 =	sshrl.u32 s1, $0x2  }
0xbf: {  	s3 =	sand.u32 $0x4000, s31;
	s1 =	sadd.s32 s1, s30  }
0xc0: {  	s0 =	sor.u32 s3, s0;
	s1 =	sshll.u32 s1, $0x11  }
0xc1: {  	s0 =	sor.u32 s1, s0  }
0xc2: {  	s0 =	sadd.s32 $0x8F2B, s0  }
0xc3: {  	[sflag:s0] =	ssyncadd.remote.s32 $0x1  }
0xc4: {  	_ =	sfence.sel $0xFFFF  }
0xc5: {  	[dreg:$0x0] =	wrdreg $0xFFFFFFFF;
	(pc) =	sbr.abs _section_cstart, $3  }
0xc6: {  	[dreg:$0x1] =	wrdreg $0xFFFFFFFF  }
0xc7: {  	_ =	task.clear_ibuf [dreg:s7], $0x2FFFF;
	_ =	strace $0x9FFFFFFF  }
0xc8: {  	(tm) =	ssettm $0x7FFFFFFF  }
0xc9: {  	_ =	shalt  }
tec
execute0_lowered:
.L_overlay_start_1:
0x0: {  	(tag) =	ssettag $0x1  }
0x1: {  	s1 =	rddreg [dreg:$0x0]  }
0x2: {  	s8 =	rddreg [dreg:$0x1]  }
0x3: {  	s0 =	rddreg [dreg:$0x2];
	s2 =	simm.s32 $0x0  }
0x4: {  	s6 =	srdreg.scid;
	s3 =	stileid.u32;
	s15 =	simm.s32 $0x80  }
0x5: {  	s16 =	simm.s32 $0x4;
	s17 =	simm.s32 $0x100;
	s18 =	simm.s32 $0x4100  }
0x6: {  	s19 =	simm.s32 $0x8100;
	s20 =	simm.s32 $0x1;
	s21 =	simm.s32 $0x2  }
0x7: {  	s22 =	simm.s32 $0x3;
	s23 =	simm.s32 $0x0;
	[smem:$0x7FF] =	sst s2  }
0x8: {  	s4 =	sadd.s32 $0x4F7400, s8;
	s5 =	sadd.s32 $0x51E600, s8;
	s7 =	sand.u32 $0x1, s6  }
0x9: {  	s9 =	sshll.u32 s3, $0x1;
	s6 =	sadd.s32 $0xB600, s8;
	p0 =	sgt.u32 s3, $0x1  }
0xa: {  	_ =	strace $0x80000047;
	s10 =	ssub.s32 $0x2, s7;
	s9 =	sor.u32 s7, s9  }
.Ltmp0:
0xb: {  	s7 =	sadd.s32 $0x1800, s8;
	s12 =	sshll.u32 s9, $0x7;
	(pc) =	sbr.rel .LBB2_1-.Ltmp0, $4  }
0xc: {  	s8 =	sadd.s32 $0xA00600, s8;
	s11 =	sshrl.u32 s10, $0x1;
	s30 =	sor.u32 $0x4E000, s12  }
0xd: {  	s9 =	smul.u32 $0x4E, s9;
	s14 =	ssub.s32 s10, s11;
	s31 =	sshrl.u32 s30, $0x3  }
0xe: {  	s13 =	sshll.u32 s30, $0x4;
	s14 =	smax.u32 s14, $0x1;
	s10 =	sadd.s32 s7, s31  }
0xf: {  	s11 =	sadd.s32 s6, s31;
	s12 =	sadd.s32 s5, s13;
	s13 =	sadd.s32 s8, s13  }
.LBB2_9:
0x10: {  	s23 =	sadd.s32 $0x1, s23  }
0x11: {  	p1 =	sne.s32 s23, s14  }
.Ltmp1:
0x12: {  	_ = 	snop;
	(pc) =	sbr.rel @!p1 .LBB2_10-.Ltmp1, $1  }
0x13: {  	_ =	sdelay $0x3  }
.LBB2_1:
0x14: {  	s24 =	simm.s32 $0x0  }
.LBB2_2:
0x15: {  	s25 =	sadd.s32 s9, s24  }
0x16: {  	s26 =	sshll.u32 s25, $0x4  }
0x17: {  	s29 =	simm.s32 $0x0;
	s28 =	sadd.s32 s7, s26  }
0x18: {  	[tilespmem:s15], [sflag:$0x4] =	stream.linear.gather [hbm4b:s28+s29], $0x80, $0x38;
	[tilespmem:$0xC100] =	vst v63  }
0x19: {  	_ =	swait.ge [sflag:s16], $0x80  }
0x1a: {  	[sflag:s16] =	ssyncset.done $0x0  }
0x1b: {  	s26 =	sadd.s32 s6, s26;
	[sflag:s16] =	ssyncadd.s32 $0xFFFFFF80  }
0x1c: {  	[tilespmem:s29], [sflag:$0x4] =	stream.linear.gather [hbm4b:s26+s29], $0x80, $0x38;
	[tilespmem:$0xC100] =	vst v63  }
0x1d: {  	_ =	swait.ge [sflag:s16], $0x80  }
0x1e: {  	[sflag:s16] =	ssyncset.done $0x0  }
0x1f: {  	[sflag:s16] =	ssyncadd.s32 $0xFFFFFF80  }
0x20: {  	[tilespmem:s17], [sflag:$0x1] =	stream.indirect.gather [hbm4b:s1+s15], $0x80, s29, s15, $0xb8;
	[tilespmem:$0xC100] =	vst v63  }
0x21: {  	s25 =	sshll.u32 s25, $0xB  }
0x22: {  	[tilespmem:s18], [sflag:$0x2] =	stream.indirect.gather [hbm4b:s4+s15], $0x80, s15, s15, $0xb8;
	[tilespmem:$0xC100] =	vst v63  }
0x23: {  	s31 =	sadd.s32 s5, s25  }
0x24: {  	[tilespmem:s19], [sflag:$0x3] =	stream.linear.gather [hbm4b:s31+s29], $0x4000, $0x38;
	[tilespmem:$0xC100] =	vst v63  }
0x25: {  	_ =	swait.ge [sflag:s20], $0x4000  }
0x26: {  	[sflag:s20] =	ssyncset.done $0x0  }
0x27: {  	[sflag:s20] =	ssyncadd.s32 $0xFFFFC000  }
0x28: {  	_ =	swait.ge [sflag:s21], $0x4000  }
0x29: {  	[sflag:s21] =	ssyncset.done $0x0  }
0x2a: {  	[sflag:s21] =	ssyncadd.s32 $0xFFFFC000  }
0x2b: {  	_ =	swait.ge [sflag:s22], $0x4000  }
0x2c: {  	[sflag:s22] =	ssyncset.done $0x0  }
0x2d: {  	s26 =	simm.s32 $0x0;
	[sflag:s22] =	ssyncadd.s32 $0xFFFFC000  }
0x2e: {  	v4 =	vld [tilespmem:s26+$0x8100]  }
0x2f: {  	v5 =	vld [tilespmem:s26+$0x8110]  }
0x30: {  	v3 =	vld [tilespmem:s26+$0x8120]  }
0x31: {  	v2 =	vld [tilespmem:s26+$0x8130]  }
0x32: {  	v1 =	vld [tilespmem:s26+$0x8140]  }
0x33: {  	v0 =	vld [tilespmem:s26+$0x8150]  }
0x34: {  	v12 =	vld [tilespmem:s26+$0x4100]  }
0x35: {  	v17 =	vld [tilespmem:s26+$0x4110]  }
0x36: {  	v11 =	vld [tilespmem:s26+$0x4120]  }
0x37: {  	v10 =	vld [tilespmem:s26+$0x4130]  }
0x38: {  	v9 =	vld [tilespmem:s26+$0x4140]  }
0x39: {  	v8 =	vld [tilespmem:s26+$0x4150]  }
0x3a: {  	v7 =	vld [tilespmem:s26+$0x4160]  }
0x3b: {  	v6 =	vld [tilespmem:s26+$0x4170]  }
0x3c: {  	v18 =	vld [tilespmem:s26+$0x100]  }
0x3d: {  	v19 =	vld [tilespmem:s26+$0x110]  }
0x3e: {  	v16 =	vld [tilespmem:s26+$0x120]  }
0x3f: {  	v15 =	vld [tilespmem:s26+$0x130]  }
0x40: {  	v14 =	vld [tilespmem:s26+$0x140]  }
0x41: {  	v13 =	vld [tilespmem:s26+$0x150];
	v18 =	vadd.f32 v12, v18  }
0x42: {  	s28 =	simm.s32 $0x200;
	v17 =	vadd.f32 v17, v19;
	v12 =	vld [tilespmem:s26+$0x160]  }
.LBB2_3:
0x43: {  	p1 =	sne.s32 s28, $0xFE00;
	v4 =	vadd.f32 v4, v18;
	v11 =	vadd.f32 v11, v16;
	v16 =	vld [tilespmem:s26+$0x170]  }
0x44: {  	v5 =	vadd.f32 v5, v17;
	v10 =	vadd.f32 v10, v15;
	v15 =	vld [tilespmem:s26+$0x8160]  }
0x45: {  	s29 =	sshra.s32 s28, $0x2;
	v17 =	vmax.f32 v4, $0.0e+00;
	v3 =	vadd.f32 v3, v11;
	v9 =	vadd.f32 v9, v14;
	v11 =	vld [tilespmem:s26+$0x8170]  }
0x46: {  	v4 =	vld [tilespmem:s29+$0x8100];
	[tilespmem:s26+$0x100] =	vst v17;
	v14 =	vmax.f32 v5, $0.0e+00;
	v2 =	vadd.f32 v2, v10;
	v8 =	vadd.f32 v8, v13  }
0x47: {  	v5 =	vld [tilespmem:s29+$0x8110];
	[tilespmem:s26+$0x110] =	vst v14;
	v10 =	vmax.f32 v3, $0.0e+00;
	v1 =	vadd.f32 v1, v9;
	v7 =	vadd.f32 v7, v12  }
0x48: {  	v3 =	vld [tilespmem:s29+$0x8120];
	[tilespmem:s26+$0x120] =	vst v10;
	v9 =	vmax.f32 v2, $0.0e+00;
	v0 =	vadd.f32 v0, v8;
	v6 =	vadd.f32 v6, v16  }
0x49: {  	v2 =	vld [tilespmem:s29+$0x8130];
	[tilespmem:s26+$0x130] =	vst v9;
	v8 =	vmax.f32 v1, $0.0e+00;
	v7 =	vadd.f32 v15, v7  }
0x4a: {  	v1 =	vld [tilespmem:s29+$0x8140];
	[tilespmem:s26+$0x140] =	vst v8;
	v8 =	vmax.f32 v0, $0.0e+00;
	v6 =	vadd.f32 v11, v6  }
0x4b: {  	v0 =	vld [tilespmem:s29+$0x8150];
	[tilespmem:s26+$0x150] =	vst v8;
	v7 =	vmax.f32 v7, $0.0e+00  }
0x4c: {  	v12 =	vld [tilespmem:s29+$0x4100];
	[tilespmem:s26+$0x160] =	vst v7;
	v6 =	vmax.f32 v6, $0.0e+00  }
0x4d: {  	v17 =	vld [tilespmem:s29+$0x4110];
	[tilespmem:s26+$0x170] =	vst v6;
	s26 =	smov.u32 s29  }
0x4e: {  	v11 =	vld [tilespmem:s26+$0x4120]  }
0x4f: {  	v10 =	vld [tilespmem:s26+$0x4130]  }
0x50: {  	v9 =	vld [tilespmem:s26+$0x4140]  }
0x51: {  	v8 =	vld [tilespmem:s26+$0x4150]  }
0x52: {  	v7 =	vld [tilespmem:s26+$0x4160]  }
0x53: {  	v6 =	vld [tilespmem:s26+$0x4170]  }
0x54: {  	v13 =	vld [tilespmem:s26+$0x100]  }
0x55: {  	v19 =	vld [tilespmem:s26+$0x110]  }
.Ltmp2:
0x56: {  	v16 =	vld [tilespmem:s26+$0x120];
	(pc) =	sbr.rel @p1 .LBB2_3-.Ltmp2, $4  }
0x57: {  	v15 =	vld [tilespmem:s26+$0x130]  }
0x58: {  	v14 =	vld [tilespmem:s26+$0x140]  }
0x59: {  	v18 =	vadd.f32 v12, v13;
	v13 =	vld [tilespmem:s26+$0x150]  }
0x5a: {  	s28 =	sadd.s32 $0x200, s28;
	v17 =	vadd.f32 v17, v19;
	v12 =	vld [tilespmem:s26+$0x160]  }
0x5b: {  	v4 =	vadd.f32 v4, v18;
	v11 =	vadd.f32 v11, v16;
	v53 =	vld [tilespmem:s26+$0x170]  }
0x5c: {  	v54 =	vld [tilespmem:s26+$0x8160];
	v5 =	vadd.f32 v5, v17;
	v10 =	vadd.f32 v10, v15  }
0x5d: {  	v55 =	vld [tilespmem:s26+$0x8170];
	v4 =	vmax.f32 v4, $0.0e+00;
	v3 =	vadd.f32 v3, v11;
	v9 =	vadd.f32 v9, v14  }
0x5e: {  	[tilespmem:s26+$0x100] =	vst v4;
	v56 =	vmax.f32 v5, $0.0e+00;
	v2 =	vadd.f32 v2, v10;
	v57 =	vadd.f32 v8, v13  }
0x5f: {  	[tilespmem:s26+$0x110] =	vst v56;
	v3 =	vmax.f32 v3, $0.0e+00;
	v1 =	vadd.f32 v1, v9;
	v58 =	vadd.f32 v7, v12  }
0x60: {  	[tilespmem:s26+$0x120] =	vst v3;
	v2 =	vmax.f32 v2, $0.0e+00;
	v0 =	vadd.f32 v0, v57;
	v59 =	vadd.f32 v6, v53  }
0x61: {  	[tilespmem:s26+$0x130] =	vst v2;
	v1 =	vmax.f32 v1, $0.0e+00;
	v60 =	vadd.f32 v54, v58  }
0x62: {  	[tilespmem:s26+$0x140] =	vst v1;
	v0 =	vmax.f32 v0, $0.0e+00;
	v61 =	vadd.f32 v55, v59  }
0x63: {  	s24 =	sadd.s32 $0x1, s24;
	[tilespmem:s26+$0x150] =	vst v0;
	v62 =	vmax.f32 v60, $0.0e+00  }
0x64: {  	p1 =	sne.s32 s24, $0x4E;
	[tilespmem:s26+$0x160] =	vst v62;
	v63 =	vmax.f32 v61, $0.0e+00  }
.Ltmp3:
0x65: {  	s25 =	sadd.s32 s8, s25;
	[tilespmem:s26+$0x170] =	vst v63;
	(pc) =	sbr.rel @p1 .LBB2_2-.Ltmp3, $4  }
0x66: {  	[hbm4b:s25+s2] =	stream.linear.scatter [tilespmem:s17], [sflag:$0x4], $0x4000, $0x38;
	[tilespmem:$0xC100] =	vst v63  }
0x67: {  	_ =	swait.ge [sflag:s16], $0x4000  }
0x68: {  	[sflag:s16] =	ssyncset.done $0x0  }
0x69: {  	[sflag:s16] =	ssyncadd.s32 $0xFFFFC000  }
.Ltmp4:
0x6a: {  	(pc) =	sbr.rel @p0 .LBB2_9-.Ltmp4, $1  }
0x6b: {  	_ =	sdelay $0x3  }
0x6c: {  	s24 =	simm.s32 $0x0  }
0x6d: {  	[tilespmem:s15], [sflag:$0x4] =	stream.linear.gather [hbm4b:s10+s24], $0x80, $0x38;
	[tilespmem:$0xC100] =	vst v63  }
0x6e: {  	_ =	swait.ge [sflag:s16], $0x80  }
0x6f: {  	[sflag:s16] =	ssyncset.done $0x0  }
0x70: {  	[sflag:s16] =	ssyncadd.s32 $0xFFFFFF80  }
0x71: {  	[tilespmem:s24], [sflag:$0x4] =	stream.linear.gather [hbm4b:s11+s24], $0x80, $0x38;
	[tilespmem:$0xC100] =	vst v63  }
0x72: {  	_ =	swait.ge [sflag:s16], $0x80  }
0x73: {  	[sflag:s16] =	ssyncset.done $0x0  }
0x74: {  	[sflag:s16] =	ssyncadd.s32 $0xFFFFFF80  }
0x75: {  	[tilespmem:s17], [sflag:$0x1] =	stream.indirect.gather [hbm4b:s1+s15], $0x80, s24, s15, $0xb8;
	[tilespmem:$0xC100] =	vst v63  }
0x76: {  	_ = 	snop  }
0x77: {  	[tilespmem:s18], [sflag:$0x2] =	stream.indirect.gather [hbm4b:s4+s15], $0x80, s15, s15, $0xb8;
	[tilespmem:$0xC100] =	vst v63  }
0x78: {  	_ = 	snop  }
0x79: {  	[tilespmem:s19], [sflag:$0x3] =	stream.linear.gather [hbm4b:s12+s24], $0x4000, $0x38;
	[tilespmem:$0xC100] =	vst v63  }
0x7a: {  	_ =	swait.ge [sflag:s20], $0x4000  }
0x7b: {  	[sflag:s20] =	ssyncset.done $0x0  }
0x7c: {  	[sflag:s20] =	ssyncadd.s32 $0xFFFFC000  }
0x7d: {  	_ =	swait.ge [sflag:s21], $0x4000  }
0x7e: {  	[sflag:s21] =	ssyncset.done $0x0  }
0x7f: {  	[sflag:s21] =	ssyncadd.s32 $0xFFFFC000  }
0x80: {  	_ =	swait.ge [sflag:s22], $0x4000  }
0x81: {  	[sflag:s22] =	ssyncset.done $0x0  }
0x82: {  	s24 =	simm.s32 $0x0;
	[sflag:s22] =	ssyncadd.s32 $0xFFFFC000  }
0x83: {  	v4 =	vld [tilespmem:s24+$0x8100]  }
0x84: {  	v5 =	vld [tilespmem:s24+$0x8110]  }
0x85: {  	v3 =	vld [tilespmem:s24+$0x8120]  }
0x86: {  	v2 =	vld [tilespmem:s24+$0x8130]  }
0x87: {  	v1 =	vld [tilespmem:s24+$0x8140]  }
0x88: {  	v0 =	vld [tilespmem:s24+$0x8150]  }
0x89: {  	v12 =	vld [tilespmem:s24+$0x4100]  }
0x8a: {  	v17 =	vld [tilespmem:s24+$0x4110]  }
0x8b: {  	v11 =	vld [tilespmem:s24+$0x4120]  }
0x8c: {  	v10 =	vld [tilespmem:s24+$0x4130]  }
0x8d: {  	v9 =	vld [tilespmem:s24+$0x4140]  }
0x8e: {  	v8 =	vld [tilespmem:s24+$0x4150]  }
0x8f: {  	v7 =	vld [tilespmem:s24+$0x4160]  }
0x90: {  	v6 =	vld [tilespmem:s24+$0x4170]  }
0x91: {  	v18 =	vld [tilespmem:s24+$0x100]  }
0x92: {  	v19 =	vld [tilespmem:s24+$0x110]  }
0x93: {  	v16 =	vld [tilespmem:s24+$0x120]  }
0x94: {  	v15 =	vld [tilespmem:s24+$0x130]  }
0x95: {  	v14 =	vld [tilespmem:s24+$0x140]  }
0x96: {  	v13 =	vld [tilespmem:s24+$0x150];
	v18 =	vadd.f32 v12, v18  }
0x97: {  	s25 =	simm.s32 $0x200;
	v17 =	vadd.f32 v17, v19;
	v12 =	vld [tilespmem:s24+$0x160]  }
.LBB2_7:
0x98: {  	p1 =	sne.s32 s25, $0xFE00;
	v4 =	vadd.f32 v4, v18;
	v11 =	vadd.f32 v11, v16;
	v16 =	vld [tilespmem:s24+$0x170]  }
0x99: {  	v5 =	vadd.f32 v5, v17;
	v10 =	vadd.f32 v10, v15;
	v15 =	vld [tilespmem:s24+$0x8160]  }
0x9a: {  	s26 =	sshra.s32 s25, $0x2;
	v17 =	vmax.f32 v4, $0.0e+00;
	v3 =	vadd.f32 v3, v11;
	v9 =	vadd.f32 v9, v14;
	v11 =	vld [tilespmem:s24+$0x8170]  }
0x9b: {  	v4 =	vld [tilespmem:s26+$0x8100];
	[tilespmem:s24+$0x100] =	vst v17;
	v14 =	vmax.f32 v5, $0.0e+00;
	v2 =	vadd.f32 v2, v10;
	v8 =	vadd.f32 v8, v13  }
0x9c: {  	v5 =	vld [tilespmem:s26+$0x8110];
	[tilespmem:s24+$0x110] =	vst v14;
	v10 =	vmax.f32 v3, $0.0e+00;
	v1 =	vadd.f32 v1, v9;
	v7 =	vadd.f32 v7, v12  }
0x9d: {  	v3 =	vld [tilespmem:s26+$0x8120];
	[tilespmem:s24+$0x120] =	vst v10;
	v9 =	vmax.f32 v2, $0.0e+00;
	v0 =	vadd.f32 v0, v8;
	v6 =	vadd.f32 v6, v16  }
0x9e: {  	v2 =	vld [tilespmem:s26+$0x8130];
	[tilespmem:s24+$0x130] =	vst v9;
	v8 =	vmax.f32 v1, $0.0e+00;
	v7 =	vadd.f32 v15, v7  }
0x9f: {  	v1 =	vld [tilespmem:s26+$0x8140];
	[tilespmem:s24+$0x140] =	vst v8;
	v8 =	vmax.f32 v0, $0.0e+00;
	v6 =	vadd.f32 v11, v6  }
0xa0: {  	v0 =	vld [tilespmem:s26+$0x8150];
	[tilespmem:s24+$0x150] =	vst v8;
	v7 =	vmax.f32 v7, $0.0e+00  }
0xa1: {  	v12 =	vld [tilespmem:s26+$0x4100];
	[tilespmem:s24+$0x160] =	vst v7;
	v6 =	vmax.f32 v6, $0.0e+00  }
0xa2: {  	v17 =	vld [tilespmem:s26+$0x4110];
	[tilespmem:s24+$0x170] =	vst v6;
	s24 =	smov.u32 s26  }
0xa3: {  	v11 =	vld [tilespmem:s24+$0x4120]  }
0xa4: {  	v10 =	vld [tilespmem:s24+$0x4130]  }
0xa5: {  	v9 =	vld [tilespmem:s24+$0x4140]  }
0xa6: {  	v8 =	vld [tilespmem:s24+$0x4150]  }
0xa7: {  	v7 =	vld [tilespmem:s24+$0x4160]  }
0xa8: {  	v6 =	vld [tilespmem:s24+$0x4170]  }
0xa9: {  	v13 =	vld [tilespmem:s24+$0x100]  }
0xaa: {  	v19 =	vld [tilespmem:s24+$0x110]  }
.Ltmp5:
0xab: {  	v16 =	vld [tilespmem:s24+$0x120];
	(pc) =	sbr.rel @p1 .LBB2_7-.Ltmp5, $4  }
0xac: {  	v15 =	vld [tilespmem:s24+$0x130]  }
0xad: {  	v14 =	vld [tilespmem:s24+$0x140]  }
0xae: {  	v18 =	vadd.f32 v12, v13;
	v13 =	vld [tilespmem:s24+$0x150]  }
0xaf: {  	s25 =	sadd.s32 $0x200, s25;
	v17 =	vadd.f32 v17, v19;
	v12 =	vld [tilespmem:s24+$0x160]  }
0xb0: {  	v4 =	vadd.f32 v4, v18;
	v11 =	vadd.f32 v11, v16;
	v53 =	vld [tilespmem:s24+$0x170]  }
0xb1: {  	v54 =	vld [tilespmem:s24+$0x8160];
	v5 =	vadd.f32 v5, v17;
	v10 =	vadd.f32 v10, v15  }
0xb2: {  	v55 =	vld [tilespmem:s24+$0x8170];
	v4 =	vmax.f32 v4, $0.0e+00;
	v3 =	vadd.f32 v3, v11;
	v9 =	vadd.f32 v9, v14  }
0xb3: {  	[tilespmem:s24+$0x100] =	vst v4;
	v56 =	vmax.f32 v5, $0.0e+00;
	v2 =	vadd.f32 v2, v10;
	v57 =	vadd.f32 v8, v13  }
0xb4: {  	[tilespmem:s24+$0x110] =	vst v56;
	v3 =	vmax.f32 v3, $0.0e+00;
	v1 =	vadd.f32 v1, v9;
	v58 =	vadd.f32 v7, v12  }
0xb5: {  	[tilespmem:s24+$0x120] =	vst v3;
	v2 =	vmax.f32 v2, $0.0e+00;
	v0 =	vadd.f32 v0, v57;
	v59 =	vadd.f32 v6, v53  }
0xb6: {  	[tilespmem:s24+$0x130] =	vst v2;
	v1 =	vmax.f32 v1, $0.0e+00;
	v60 =	vadd.f32 v54, v58  }
0xb7: {  	[tilespmem:s24+$0x140] =	vst v1;
	v0 =	vmax.f32 v0, $0.0e+00;
	v61 =	vadd.f32 v55, v59  }
0xb8: {  	[tilespmem:s24+$0x150] =	vst v0;
	v62 =	vmax.f32 v60, $0.0e+00  }
0xb9: {  	[tilespmem:s24+$0x160] =	vst v62;
	v63 =	vmax.f32 v61, $0.0e+00  }
.Ltmp6:
0xba: {  	[tilespmem:s24+$0x170] =	vst v63;
	(pc) =	sbr.rel .LBB2_9-.Ltmp6, $4  }
0xbb: {  	[hbm4b:s13+s2] =	stream.linear.scatter [tilespmem:s17], [sflag:$0x4], $0x4000, $0x38;
	[tilespmem:$0xC100] =	vst v63  }
0xbc: {  	_ =	swait.ge [sflag:s16], $0x4000  }
0xbd: {  	[sflag:s16] =	ssyncset.done $0x0  }
0xbe: {  	[sflag:s16] =	ssyncadd.s32 $0xFFFFC000  }
.LBB2_10:
0xbf: {  	_ =	sfence.sel $0x180000  }
0xc0: {  	[bflag:$0x0] =	sbarrier.arrive $0xFFFF  }
0xc1: {  	p0 =	sne.s32 s3, $0x0;
	_ =	strace $0x90000047  }
0xc2: {  	s0 =	sadd.s32 @!p0 $0x100000, s0;
	[bflag:$0x2] =	sbarrier.arrive $0xFFFF  }
0xc3: {  	[sflag:s0] =	ssyncadd.tile.s32 @!p0 $0x1;
	_ =	shalt  }
.Lfunc_end2:
_tile_overlayer_lowered:
.L_overlay_start_2:
0xc4: {  	(tag) =	ssettag $0x2  }
0xc5: {  	s0 =	rddreg [dreg:$0x0];
	s2 =	stileid.u32  }
0xc6: {  	s1 =	rddreg [dreg:$0x1];
	p0 =	sne.s32 s2, $0x0  }
0xc7: {  	s3 =	rddreg [dreg:$0x2];
	[bflag:$0x3] =	sbarrier.arrive $0xFFFF;
	s2 =	simm.s32 @!p0 $0x1C04  }
0xc8: {  	[timem:s3], [sflag:s2] =	dma.local @!p0 [hbm:s0], s1  }
0xc9: {  	s0 =	simm.s32 @!p0 $0x4  }
0xca: {  	_ =	swait.ge @!p0 [sflag:s0], s1  }
0xcb: {  	s1 =	ssub.s32 @!p0 $0x0, s1;
	[sflag:s0] =	ssyncset.done @!p0 $0x0  }
0xcc: {  	[sflag:s0] =	ssyncadd.s32 @!p0 s1  }
0xcd: {  	[bflag:$0x3] =	sbarrier.arrive $0xFFFF  }
0xce: {  	_ =	shalt  }

// kernel: scatter_offload_async_start.1
scs
__scs_entry_jumppad:
0x0: {  	(pc) =	sbr.rel $0x88, $3  }
0x1: {  	(tag) =	ssettag $0x0;
	lr =	simm.s32 $0x1  }
0x2: {  	[smem:$0x3F90] =	sst lr;
	_ =	strace $0xD0000000  }
0x3: {  	_ = 	snop  }
0x4: {  	_ = 	snop  }
0x5: {  	_ = 	snop  }
0x6: {  	_ = 	snop  }
0x7: {  	_ = 	snop  }
__scs_overlays_trampoline_lowered:
0x8: {  	[smem:$0x3F9F] =	sst s0  }
0x9: {  	[smem:$0x3FA0] =	sst s1  }
0xa: {  	[smem:$0x3FA1] =	sst s2  }
0xb: {  	[smem:$0x3FA2] =	sst s3  }
0xc: {  	[smem:$0x3FA3] =	sst s4  }
0xd: {  	[smem:$0x3FA4] =	sst s5  }
0xe: {  	[smem:$0x3FA5] =	sst s6  }
0xf: {  	[smem:$0x3FA6] =	sst s7  }
0x10: {  	[smem:$0x3FA7] =	sst s8  }
0x11: {  	[smem:$0x3FA8] =	sst s9;
	s0 =	simm.s32 @!p0 $0x0  }
0x12: {  	s1 =	sld [smem:$0x3F8E];
	s0 =	simm.s32 @p0 $0x1  }
0x13: {  	[smem:$0x3FA9] =	sst s0;
	s0 =	simm.s32 @!p1 $0x0  }
0x14: {  	s2 =	sld [smem:$0x3F8D];
	s0 =	simm.s32 @p1 $0x1  }
0x15: {  	[smem:$0x3FAA] =	sst s0;
	s0 =	simm.s32 @!p2 $0x0  }
0x16: {  	s3 =	sld [smem:$0x3FDB];
	s0 =	simm.s32 @p2 $0x1  }
0x17: {  	s4 =	simm.s32 $0x1BF5;
	[smem:$0x3FAC] =	sst s0  }
0x18: {  	s0 =	sld [smem:$0x3F8F];
	_ =	swait.ge [sflag:s4], $0x0  }
0x19: {  	s7 =	sld [smem:$0x3F90]  }
0x1a: {  	s8 =	sadd.s32 $0xFFFFE003, lr  }
0x1b: {  	s9 =	sadd.s32 $0xFFFFFEF7, lr;
	s5 =	simm.s32 $0xFFFFFFFF;
	p2 =	slt.u32 s8, $0xFFFFF086  }
0x1c: {  	p1 =	slt.u32 s9, $0xF7A;
	s5 =	simm.s32 @!p2 $0x0  }
0x1d: {  	s5 =	simm.s32 @p1 $0x1;
	p0 =	seq.s32 s7, s2  }
0x1e: {  	s7 =	smul.u32 @!p0 $0xF7A, s2;
	p2 =	seq.s32 @!p0 s5, $0x0  }
0x1f: {  	s9 =	smul.u32 $0xF7A, s1;
	s8 =	simm.s32 @!p0 $0x1BF5;
	p2 =	por !p2, p0  }
0x20: {  	[sflag:s8] =	ssyncset.s32 @!p0 $0xFFFFF086;
	s6 =	sadd.s32 @!p0 s3, s7;
	s7 =	simm.s32 @!p0 $0x108  }
0x21: {  	s3 =	sadd.s32 s3, s9;
	s6 =	sadd.s32 @!p0 $0x88, s6;
	s7 =	simm.s32 @p2 $0x1082  }
0x22: {  	[simem:s7], [sflag:s8] =	dma.local @!p0 [hbm:s6], $0xF7A  }
0x23: {  	s9 =	sor.u32 $0xD0000000, s2;
	s6 =	simm.s32 $0x108;
	_ =	swait.ge @!p0 [sflag:s8], $0x0  }
0x24: {  	s3 =	sadd.s32 $0x88, s3;
	s6 =	simm.s32 @!p1 $0x1082;
	[sflag:s4] =	ssyncset.s32 $0xFFFFF086  }
0x25: {  	[simem:s6], [sflag:s4] =	dma.local [hbm:s3], $0xF7A  }
0x26: {  	[smem:$0x3F90] =	sst s1;
	(tag) =	ssettag s2;
	_ =	strace s9  }
0x27: {  	s1 =	sld [smem:$0x3FA0]  }
0x28: {  	s2 =	sld [smem:$0x3FA1]  }
0x29: {  	s4 =	sld [smem:$0x3FA3]  }
0x2a: {  	p0 =	seq.s32 s5, $0x0;
	s5 =	sld [smem:$0x3FA4]  }
0x2b: {  	s6 =	sld [smem:$0x3FA5]  }
0x2c: {  	s7 =	sld [smem:$0x3FA6]  }
0x2d: {  	s3 =	simm.s32 $0x108;
	s8 =	sld [smem:$0x3FA7]  }
0x2e: {  	s3 =	simm.s32 @!p0 $0x1082;
	s9 =	sld [smem:$0x3FA8]  }
0x2f: {  	lr =	sadd.s32 s0, s3;
	s0 =	sld [smem:$0x3F9F]  }
0x30: {  	s3 =	sld [smem:$0x3FA2]  }
0x31: {  	[smem:$0x3FAB] =	sst s10  }
0x32: {  	s10 =	sld [smem:$0x3FA9];
	_ =	sdelay $0x3  }
0x33: {  	p0 =	seq.s32 s10, $0x1;
	s10 =	sld [smem:$0x3FAB];
	_ =	sdelay $0x3  }
0x34: {  	[smem:$0x3FAB] =	sst s10  }
0x35: {  	s10 =	sld [smem:$0x3FAA];
	_ =	sdelay $0x3  }
0x36: {  	p1 =	seq.s32 s10, $0x1;
	s10 =	sld [smem:$0x3FAB];
	_ =	sdelay $0x3  }
0x37: {  	[smem:$0x3FAB] =	sst s10  }
0x38: {  	s10 =	sld [smem:$0x3FAC]  }
0x39: {  	_ = 	snop;
	(pc) =	sbr.ind lr, $3  }
0x3a: {  	_ = 	snop  }
0x3b: {  	_ = 	snop  }
0x3c: {  	p2 =	seq.s32 s10, $0x1;
	s10 =	sld [smem:$0x3FAB]  }
0x3d: {  	_ =	shalt  }
0x3e: {  	_ =	shalt  }
0x3f: {  	_ =	shalt  }
0x40: {  	_ =	shalt  }
0x41: {  	_ =	shalt  }
0x42: {  	_ =	shalt  }
0x43: {  	_ =	shalt  }
0x44: {  	_ =	shalt  }
0x45: {  	_ =	shalt  }
0x46: {  	_ =	shalt  }
0x47: {  	_ =	shalt  }
0x48: {  	_ =	shalt  }
0x49: {  	_ =	shalt  }
0x4a: {  	_ =	shalt  }
0x4b: {  	_ =	shalt  }
0x4c: {  	_ =	shalt  }
0x4d: {  	_ =	shalt  }
0x4e: {  	_ =	shalt  }
0x4f: {  	_ =	shalt  }
0x50: {  	_ =	shalt  }
0x51: {  	_ =	shalt  }
0x52: {  	_ =	shalt  }
0x53: {  	_ =	shalt  }
0x54: {  	_ =	shalt  }
0x55: {  	_ =	shalt  }
0x56: {  	_ =	shalt  }
0x57: {  	_ =	shalt  }
0x58: {  	_ =	shalt  }
0x59: {  	_ =	shalt  }
0x5a: {  	_ =	shalt  }
0x5b: {  	_ =	shalt  }
0x5c: {  	_ =	shalt  }
0x5d: {  	_ =	shalt  }
0x5e: {  	_ =	shalt  }
0x5f: {  	_ =	shalt  }
0x60: {  	_ =	shalt  }
0x61: {  	_ =	shalt  }
0x62: {  	_ =	shalt  }
0x63: {  	_ =	shalt  }
0x64: {  	_ =	shalt  }
0x65: {  	_ =	shalt  }
0x66: {  	_ =	shalt  }
0x67: {  	_ =	shalt  }
0x68: {  	_ =	shalt  }
0x69: {  	_ =	shalt  }
0x6a: {  	_ =	shalt  }
0x6b: {  	_ =	shalt  }
0x6c: {  	_ =	shalt  }
0x6d: {  	_ =	shalt  }
0x6e: {  	_ =	shalt  }
0x6f: {  	_ =	shalt  }
0x70: {  	_ =	shalt  }
0x71: {  	_ =	shalt  }
0x72: {  	_ =	shalt  }
0x73: {  	_ =	shalt  }
0x74: {  	_ =	shalt  }
0x75: {  	_ =	shalt  }
0x76: {  	_ =	shalt  }
0x77: {  	_ =	shalt  }
0x78: {  	_ =	shalt  }
0x79: {  	_ =	shalt  }
0x7a: {  	_ =	shalt  }
0x7b: {  	_ =	shalt  }
0x7c: {  	_ =	shalt  }
0x7d: {  	_ =	shalt  }
0x7e: {  	_ =	shalt  }
0x7f: {  	_ =	shalt  }
0x80: {  	_ =	shalt  }
0x81: {  	_ =	shalt  }
0x82: {  	_ =	shalt  }
0x83: {  	_ =	shalt  }
0x84: {  	_ =	shalt  }
0x85: {  	_ =	shalt  }
0x86: {  	_ =	shalt  }
0x87: {  	_ =	shalt  }
.Lfunc_end0:
.L_simem_size_0:
called_computation.1_lowered:
.L_overlay_start_0:
0x88: {  	s2 =	sld [smem:$0x3FD9]  }
0x89: {  	s3 =	sld [smem:$0x3FFE];
	_ =	sdelay $0x1  }
0x8a: {  	s1 =	srdreg.scid  }
0x8b: {  	s0 =	sand.u32 $0x1, s1  }
0x8c: {  	s17 =	sshll.u32 s0, $0xA;
	s2 =	sadd.s32 s3, s2  }
0x8d: {  	s2 =	sadd.s32 s2, s17  }
0x8e: {  	[smem:$0x3FB7] =	sst s2  }
0x8f: {  	_ = 	snop  }
0x90: {  	(tm) =	ssettm $0x1  }
0x91: {  	s18 =	sld [smem:$0x3FFB];
	_ =	sdelay $0x3  }
0x92: {  	_ =	strace s18  }
0x93: {  	s2 =	sld [smem:$0x3FFC];
	_ =	sdelay $0x3  }
0x94: {  	_ =	strace s2  }
0x95: {  	s2 =	sld [smem:$0x3FFD];
	_ =	sdelay $0x3  }
0x96: {  	_ =	strace s2  }
0x97: {  	_ =	strace $0x8FFFFFFF  }
0x98: {  	s19 =	sld [smem:$0x3FDB];
	_ =	sdelay $0x1  }
0x99: {  	s20 =	simm.s32 $_scs_section_size  }
0x9a: {  	s4 =	simm.s32 $_size__tile_overlayer_lowered;
	s5 =	simm.s32 $_tile_overlayer_lowered  }
0x9b: {  	s6 =	simm.s32 $0x1BFF;
	s21 =	sshll.u32 s5, $0x1;
	s3 =	sadd.s32 s20, s19  }
0x9c: {  	s22 =	simm.s32 $0x0;
	s4 =	sshll.u32 s4, $0x1;
	s5 =	sadd.s32 s21, s3  }
0x9d: {  	[timem:s22], [sflag:s6] =	dma.local [hbm:s5], s4  }
0x9e: {  	_ =	swait.ge [sflag:s6], s4  }
0x9f: {  	s4 =	ssub.s32 $0x0, s4;
	[sflag:s6] =	ssyncset.done $0x0  }
0xa0: {  	[sflag:s6] =	ssyncadd.s32 s4;
	_ =	sdelay $0x1  }
0xa1: {  	s23 =	simm.s32 $0x1B8B  }
0xa2: {  	_ =	swait.ge [sflag:s23], $0x1  }
0xa3: {  	[sflag:s23] =	ssyncset.done $0x0  }
0xa4: {  	[sflag:s23] =	ssyncadd.s32 $0xFFFFFFFF  }
0xa5: {  	s4 =	sld [smem:$0x0]  }
0xa6: {  	s5 =	sand.u32 $0xFFFFFFFE, s1  }
0xa7: {  	p0 =	sne.s32 s1, s5  }
0xa8: {  	s5 =	sshll.u32 @p0 s5, $0xE  }
0xa9: {  	s5 =	sadd.s32 @p0 $0x11B8D, s5;
	s6 =	sshll.u32 @p0 s4, $0x11  }
0xaa: {  	s5 =	sor.u32 @p0 s6, s5  }
0xab: {  	[sflag:s5] =	ssyncadd.remote.s32 @p0 $0x1;
	_ =	sdelay $0x1  }
0xac: {  	s5 =	simm.s32 @p0 $0x1B8D  }
0xad: {  	_ =	swait.eq @p0 [sflag:s5], $0x1  }
0xae: {  	[sflag:s5] =	ssyncadd.s32 @p0 $0xFFFFFFFF  }
0xaf: {  	s6 =	sshll.u32 @!p0 s1, $0xE  }
0xb0: {  	s6 =	sor.u32 @!p0 $0x4000, s6;
	s5 =	simm.s32 @!p0 $0x1B8D  }
0xb1: {  	s7 =	sshll.u32 @!p0 s4, $0x11;
	s6 =	sadd.s32 @!p0 $0x11B8D, s6;
	_ =	swait.eq @!p0 [sflag:s5], $0x1  }
0xb2: {  	[sflag:s5] =	ssyncadd.s32 @!p0 $0xFFFFFFFF;
	s5 =	sor.u32 @!p0 s7, s6  }
0xb3: {  	s25 =	simm.s32 $0x1B8E;
	s24 =	sld [smem:$0x3FFE];
	[sflag:s5] =	ssyncadd.remote.s32 @!p0 $0x1  }
0xb4: {  	s26 =	simm.s32 $execute0_lowered;
	[smem:$0x3FD2] =	sst s25  }
0xb5: {  	s6 =	sshll.u32 s26, $0x1;
	_ =	strace $0x80000049;
	[dreg:$0x1] =	wrdreg $0xFFFFFFFF  }
0xb6: {  	s28 =	simm.s32 $_size_execute0_lowered;
	s3 =	sadd.s32 s3, s6;
	[dreg:$0x0] =	wrdreg $0x0  }
0xb7: {  	s6 =	sshll.u32 s28, $0x1;
	[dreg:$0x2] =	wrdreg s3  }
0xb8: {  	[dreg:$0x3] =	wrdreg s6  }
0xb9: {  	[dreg:$0x4] =	wrdreg $0xC0  }
0xba: {  	_ =	task [dreg:s22], $0x5FFFF  }
0xbb: {  	[dreg:$0x1] =	wrdreg $0xFFFFFFFF  }
0xbc: {  	[dreg:$0x0] =	wrdreg $0x60  }
0xbd: {  	[dreg:$0x2] =	wrdreg s24  }
0xbe: {  	[dreg:$0x3] =	wrdreg s1  }
0xbf: {  	[dreg:$0x4] =	wrdreg s4  }
0xc0: {  	[dreg:$0x5] =	wrdreg $0x9  }
0xc1: {  	_ =	task.clear_ibuf [dreg:s22], $0x6FFFF;
	_ =	strace $0x90000049  }
0xc2: {  	s29 =	simm.s32 $0x9;
	_ =	strace $0x8000004B  }
0xc3: {  	_ =	swait.ge [sflag:s29], $0x1  }
0xc4: {  	[sflag:s29] =	ssyncadd.s32 $0xFFFFFFFF  }
0xc5: {  	_ =	strace $0x9000004B  }
0xc6: {  	_ =	sfence  }
0xc7: {  	s30 =	sld [smem:$0x0];
	_ =	sdelay $0x2  }
0xc8: {  	s31 =	sshll.u32 s1, $0xD;
	s1 =	sshrl.u32 s1, $0x2  }
0xc9: {  	s4 =	sand.u32 $0x4000, s31;
	s1 =	sadd.s32 s1, s30  }
0xca: {  	s0 =	sor.u32 s4, s0;
	s1 =	sshll.u32 s1, $0x11  }
0xcb: {  	s0 =	sor.u32 s1, s0  }
0xcc: {  	s0 =	sadd.s32 $0x8F2B, s0  }
0xcd: {  	[sflag:s0] =	ssyncadd.remote.s32 $0x1  }
0xce: {  	_ =	sfence.sel $0xFFFF  }
0xcf: {  	[dreg:$0x0] =	wrdreg $0xFFFFFFFF;
	(pc) =	sbr.abs _section_cstart, $3  }
0xd0: {  	[dreg:$0x1] =	wrdreg $0xFFFFFFFF  }
0xd1: {  	_ =	task.clear_ibuf [dreg:s22], $0x2FFFF;
	_ =	strace $0x9FFFFFFF  }
0xd2: {  	(tm) =	ssettm $0x7FFFFFFF  }
0xd3: {  	_ =	shalt  }
tec
execute0_lowered:
.L_overlay_start_1:
0x0: {  	(tag) =	ssettag $0x1  }
0x1: {  	s11 =	rddreg [dreg:$0x0]  }
0x2: {  	s2 =	rddreg [dreg:$0x1];
	_ =	strace $0x8000004A;
	s12 =	simm.s32 $0x1  }
0x3: {  	v0 =	vimm.s32 $0x0;
	[sflag:s12] =	ssyncpa.u1 $0x0  }
0x4: {  	[tilespmem:$0x28] =	vst v0  }
0x5: {  	[tilespmem:$0x38] =	vst v0  }
0x6: {  	[tilespmem:$0x48] =	vst v0  }
0x7: {  	[tilespmem:$0x58] =	vst v0  }
0x8: {  	[tilespmem:$0x68] =	vst v0  }
0x9: {  	[tilespmem:$0x78] =	vst v0  }
0xa: {  	[tilespmem:$0x88] =	vst v0  }
0xb: {  	[tilespmem:$0x98] =	vst v0  }
0xc: {  	[tilespmem:$0xA8] =	vst v0  }
0xd: {  	[tilespmem:$0xB8] =	vst v0  }
0xe: {  	[tilespmem:$0xC8] =	vst v0  }
0xf: {  	[tilespmem:$0xD8] =	vst v0  }
0x10: {  	[tilespmem:$0xE8] =	vst v0  }
0x11: {  	[tilespmem:$0xF8] =	vst v0  }
0x12: {  	[tilespmem:$0x108] =	vst v0  }
0x13: {  	[tilespmem:$0x118] =	vst v0  }
0x14: {  	[tilespmem:$0x128] =	vst v0  }
0x15: {  	[tilespmem:$0x138] =	vst v0  }
0x16: {  	[tilespmem:$0x148] =	vst v0  }
0x17: {  	[tilespmem:$0x158] =	vst v0  }
0x18: {  	[tilespmem:$0x168] =	vst v0  }
0x19: {  	[tilespmem:$0x178] =	vst v0  }
0x1a: {  	[tilespmem:$0x188] =	vst v0  }
0x1b: {  	[tilespmem:$0x198] =	vst v0  }
0x1c: {  	[tilespmem:$0x1A8] =	vst v0  }
0x1d: {  	[tilespmem:$0x1B8] =	vst v0  }
0x1e: {  	[tilespmem:$0x1C8] =	vst v0  }
0x1f: {  	[tilespmem:$0x1D8] =	vst v0  }
0x20: {  	[tilespmem:$0x1E8] =	vst v0  }
0x21: {  	[tilespmem:$0x1F8] =	vst v0  }
0x22: {  	[tilespmem:$0x208] =	vst v0  }
0x23: {  	[tilespmem:$0x218] =	vst v0  }
0x24: {  	[tilespmem:$0x228] =	vst v0  }
0x25: {  	[tilespmem:$0x238] =	vst v0  }
0x26: {  	[tilespmem:$0x248] =	vst v0  }
0x27: {  	[tilespmem:$0x258] =	vst v0  }
0x28: {  	[tilespmem:$0x268] =	vst v0  }
0x29: {  	[tilespmem:$0x278] =	vst v0  }
0x2a: {  	[tilespmem:$0x288] =	vst v0  }
0x2b: {  	[tilespmem:$0x298] =	vst v0  }
0x2c: {  	[tilespmem:$0x2A8] =	vst v0  }
0x2d: {  	[tilespmem:$0x2B8] =	vst v0  }
0x2e: {  	[tilespmem:$0x2C8] =	vst v0  }
0x2f: {  	[tilespmem:$0x2D8] =	vst v0  }
0x30: {  	[tilespmem:$0x2E8] =	vst v0  }
0x31: {  	[tilespmem:$0x2F8] =	vst v0  }
0x32: {  	[tilespmem:$0x308] =	vst v0  }
0x33: {  	[tilespmem:$0x318] =	vst v0  }
0x34: {  	[tilespmem:$0x328] =	vst v0  }
0x35: {  	[tilespmem:$0x338] =	vst v0  }
0x36: {  	[tilespmem:$0x348] =	vst v0  }
0x37: {  	[tilespmem:$0x358] =	vst v0  }
0x38: {  	[tilespmem:$0x368] =	vst v0  }
0x39: {  	[tilespmem:$0x378] =	vst v0  }
0x3a: {  	[tilespmem:$0x388] =	vst v0  }
0x3b: {  	[tilespmem:$0x398] =	vst v0  }
0x3c: {  	[tilespmem:$0x3A8] =	vst v0  }
0x3d: {  	[tilespmem:$0x3B8] =	vst v0  }
0x3e: {  	[tilespmem:$0x3C8] =	vst v0  }
0x3f: {  	[tilespmem:$0x3D8] =	vst v0  }
0x40: {  	[tilespmem:$0x3E8] =	vst v0  }
0x41: {  	[tilespmem:$0x3F8] =	vst v0  }
0x42: {  	[tilespmem:$0x408] =	vst v0  }
0x43: {  	[tilespmem:$0x418] =	vst v0  }
0x44: {  	[tilespmem:$0x428] =	vst v0  }
0x45: {  	[tilespmem:$0x438] =	vst v0  }
0x46: {  	[tilespmem:$0x448] =	vst v0  }
0x47: {  	[tilespmem:$0x458] =	vst v0  }
0x48: {  	[tilespmem:$0x468] =	vst v0  }
0x49: {  	[tilespmem:$0x478] =	vst v0  }
0x4a: {  	[tilespmem:$0x488] =	vst v0  }
0x4b: {  	[tilespmem:$0x498] =	vst v0  }
0x4c: {  	[tilespmem:$0x4A8] =	vst v0  }
0x4d: {  	[tilespmem:$0x4B8] =	vst v0  }
0x4e: {  	[tilespmem:$0x4C8] =	vst v0  }
0x4f: {  	[tilespmem:$0x4D8] =	vst v0  }
0x50: {  	[tilespmem:$0x4E8] =	vst v0  }
0x51: {  	[tilespmem:$0x4F8] =	vst v0  }
0x52: {  	[tilespmem:$0x508] =	vst v0  }
0x53: {  	[tilespmem:$0x518] =	vst v0  }
0x54: {  	[tilespmem:$0x528] =	vst v0  }
0x55: {  	[tilespmem:$0x538] =	vst v0  }
0x56: {  	[tilespmem:$0x548] =	vst v0  }
0x57: {  	[tilespmem:$0x558] =	vst v0  }
0x58: {  	[tilespmem:$0x568] =	vst v0  }
0x59: {  	[tilespmem:$0x578] =	vst v0  }
0x5a: {  	[tilespmem:$0x588] =	vst v0  }
0x5b: {  	[tilespmem:$0x598] =	vst v0  }
0x5c: {  	[tilespmem:$0x5A8] =	vst v0  }
0x5d: {  	[tilespmem:$0x5B8] =	vst v0  }
0x5e: {  	[tilespmem:$0x5C8] =	vst v0  }
0x5f: {  	[tilespmem:$0x5D8] =	vst v0  }
0x60: {  	[tilespmem:$0x5E8] =	vst v0  }
0x61: {  	[tilespmem:$0x5F8] =	vst v0  }
0x62: {  	[tilespmem:$0x608] =	vst v0  }
0x63: {  	[tilespmem:$0x618] =	vst v0  }
0x64: {  	[tilespmem:$0x628] =	vst v0  }
0x65: {  	[tilespmem:$0x638] =	vst v0  }
0x66: {  	[tilespmem:$0x648] =	vst v0  }
0x67: {  	[tilespmem:$0x658] =	vst v0  }
0x68: {  	[tilespmem:$0x668] =	vst v0  }
0x69: {  	[tilespmem:$0x678] =	vst v0  }
0x6a: {  	[tilespmem:$0x688] =	vst v0  }
0x6b: {  	[tilespmem:$0x698] =	vst v0  }
0x6c: {  	[tilespmem:$0x6A8] =	vst v0  }
0x6d: {  	[tilespmem:$0x6B8] =	vst v0  }
0x6e: {  	[tilespmem:$0x6C8] =	vst v0  }
0x6f: {  	[tilespmem:$0x6D8] =	vst v0  }
0x70: {  	[tilespmem:$0x6E8] =	vst v0  }
0x71: {  	[tilespmem:$0x6F8] =	vst v0  }
0x72: {  	[tilespmem:$0x708] =	vst v0  }
0x73: {  	[tilespmem:$0x718] =	vst v0  }
0x74: {  	[tilespmem:$0x728] =	vst v0  }
0x75: {  	[tilespmem:$0x738] =	vst v0  }
0x76: {  	[tilespmem:$0x748] =	vst v0  }
0x77: {  	[tilespmem:$0x758] =	vst v0  }
0x78: {  	[tilespmem:$0x768] =	vst v0  }
0x79: {  	[tilespmem:$0x778] =	vst v0  }
0x7a: {  	[tilespmem:$0x788] =	vst v0  }
0x7b: {  	[tilespmem:$0x798] =	vst v0  }
0x7c: {  	[tilespmem:$0x7A8] =	vst v0  }
0x7d: {  	[tilespmem:$0x7B8] =	vst v0  }
0x7e: {  	[tilespmem:$0x7C8] =	vst v0  }
0x7f: {  	[tilespmem:$0x7D8] =	vst v0  }
0x80: {  	[tilespmem:$0x7E8] =	vst v0  }
0x81: {  	[tilespmem:$0x7F8] =	vst v0  }
0x82: {  	[tilespmem:$0x808] =	vst v0  }
0x83: {  	[tilespmem:$0x818] =	vst v0  }
0x84: {  	[tilespmem:$0x828] =	vst v0  }
0x85: {  	[tilespmem:$0x838] =	vst v0  }
0x86: {  	[tilespmem:$0x848] =	vst v0  }
0x87: {  	[tilespmem:$0x858] =	vst v0  }
0x88: {  	[tilespmem:$0x868] =	vst v0  }
0x89: {  	[tilespmem:$0x878] =	vst v0  }
0x8a: {  	[tilespmem:$0x888] =	vst v0  }
0x8b: {  	[tilespmem:$0x898] =	vst v0  }
0x8c: {  	[tilespmem:$0x8A8] =	vst v0  }
0x8d: {  	[tilespmem:$0x8B8] =	vst v0  }
0x8e: {  	[tilespmem:$0x8C8] =	vst v0  }
0x8f: {  	[tilespmem:$0x8D8] =	vst v0  }
0x90: {  	[tilespmem:$0x8E8] =	vst v0  }
0x91: {  	[tilespmem:$0x8F8] =	vst v0  }
0x92: {  	[tilespmem:$0x908] =	vst v0  }
0x93: {  	[tilespmem:$0x918] =	vst v0  }
0x94: {  	[tilespmem:$0x928] =	vst v0  }
0x95: {  	[tilespmem:$0x938] =	vst v0  }
0x96: {  	[tilespmem:$0x948] =	vst v0  }
0x97: {  	[tilespmem:$0x958] =	vst v0  }
0x98: {  	[tilespmem:$0x968] =	vst v0  }
0x99: {  	[tilespmem:$0x978] =	vst v0  }
0x9a: {  	[tilespmem:$0x988] =	vst v0  }
0x9b: {  	[tilespmem:$0x998] =	vst v0  }
0x9c: {  	[tilespmem:$0x9A8] =	vst v0  }
0x9d: {  	[tilespmem:$0x9B8] =	vst v0  }
0x9e: {  	[tilespmem:$0x9C8] =	vst v0  }
0x9f: {  	[tilespmem:$0x9D8] =	vst v0  }
0xa0: {  	[tilespmem:$0x9E8] =	vst v0  }
0xa1: {  	[tilespmem:$0x9F8] =	vst v0  }
0xa2: {  	[tilespmem:$0xA08] =	vst v0  }
0xa3: {  	[tilespmem:$0xA18] =	vst v0  }
0xa4: {  	[tilespmem:$0xA28] =	vst v0  }
0xa5: {  	[tilespmem:$0xA38] =	vst v0  }
0xa6: {  	[tilespmem:$0xA48] =	vst v0  }
0xa7: {  	[tilespmem:$0xA58] =	vst v0  }
0xa8: {  	[tilespmem:$0xA68] =	vst v0  }
0xa9: {  	[tilespmem:$0xA78] =	vst v0  }
0xaa: {  	[tilespmem:$0xA88] =	vst v0  }
0xab: {  	[tilespmem:$0xA98] =	vst v0  }
0xac: {  	[tilespmem:$0xAA8] =	vst v0  }
0xad: {  	[tilespmem:$0xAB8] =	vst v0  }
0xae: {  	[tilespmem:$0xAC8] =	vst v0  }
0xaf: {  	[tilespmem:$0xAD8] =	vst v0  }
0xb0: {  	[tilespmem:$0xAE8] =	vst v0  }
0xb1: {  	[tilespmem:$0xAF8] =	vst v0  }
0xb2: {  	[tilespmem:$0xB08] =	vst v0  }
0xb3: {  	[tilespmem:$0xB18] =	vst v0  }
0xb4: {  	[tilespmem:$0xB28] =	vst v0  }
0xb5: {  	[tilespmem:$0xB38] =	vst v0  }
0xb6: {  	[tilespmem:$0xB48] =	vst v0  }
0xb7: {  	[tilespmem:$0xB58] =	vst v0  }
0xb8: {  	[tilespmem:$0xB68] =	vst v0  }
0xb9: {  	[tilespmem:$0xB78] =	vst v0  }
0xba: {  	[tilespmem:$0xB88] =	vst v0  }
0xbb: {  	[tilespmem:$0xB98] =	vst v0  }
0xbc: {  	[tilespmem:$0xBA8] =	vst v0  }
0xbd: {  	[tilespmem:$0xBB8] =	vst v0  }
0xbe: {  	[tilespmem:$0xBC8] =	vst v0  }
0xbf: {  	[tilespmem:$0xBD8] =	vst v0  }
0xc0: {  	[tilespmem:$0xBE8] =	vst v0  }
0xc1: {  	[tilespmem:$0xBF8] =	vst v0  }
0xc2: {  	[tilespmem:$0xC08] =	vst v0  }
0xc3: {  	[tilespmem:$0xC18] =	vst v0  }
0xc4: {  	[tilespmem:$0xC28] =	vst v0  }
0xc5: {  	[tilespmem:$0xC38] =	vst v0  }
0xc6: {  	[tilespmem:$0xC48] =	vst v0  }
0xc7: {  	[tilespmem:$0xC58] =	vst v0  }
0xc8: {  	[tilespmem:$0xC68] =	vst v0  }
0xc9: {  	[tilespmem:$0xC78] =	vst v0  }
0xca: {  	[tilespmem:$0xC88] =	vst v0  }
0xcb: {  	[tilespmem:$0xC98] =	vst v0  }
0xcc: {  	[tilespmem:$0xCA8] =	vst v0  }
0xcd: {  	[tilespmem:$0xCB8] =	vst v0  }
0xce: {  	[tilespmem:$0xCC8] =	vst v0  }
0xcf: {  	[tilespmem:$0xCD8] =	vst v0  }
0xd0: {  	[tilespmem:$0xCE8] =	vst v0  }
0xd1: {  	[tilespmem:$0xCF8] =	vst v0  }
0xd2: {  	[tilespmem:$0xD08] =	vst v0  }
0xd3: {  	[tilespmem:$0xD18] =	vst v0  }
0xd4: {  	[tilespmem:$0xD28] =	vst v0  }
0xd5: {  	[tilespmem:$0xD38] =	vst v0  }
0xd6: {  	[tilespmem:$0xD48] =	vst v0  }
0xd7: {  	[tilespmem:$0xD58] =	vst v0  }
0xd8: {  	[tilespmem:$0xD68] =	vst v0  }
0xd9: {  	[tilespmem:$0xD78] =	vst v0  }
0xda: {  	[tilespmem:$0xD88] =	vst v0  }
0xdb: {  	[tilespmem:$0xD98] =	vst v0  }
0xdc: {  	[tilespmem:$0xDA8] =	vst v0  }
0xdd: {  	[tilespmem:$0xDB8] =	vst v0  }
0xde: {  	[tilespmem:$0xDC8] =	vst v0  }
0xdf: {  	[tilespmem:$0xDD8] =	vst v0  }
0xe0: {  	[tilespmem:$0xDE8] =	vst v0  }
0xe1: {  	[tilespmem:$0xDF8] =	vst v0  }
0xe2: {  	[tilespmem:$0xE08] =	vst v0  }
0xe3: {  	[tilespmem:$0xE18] =	vst v0  }
0xe4: {  	[tilespmem:$0xE28] =	vst v0  }
0xe5: {  	[tilespmem:$0xE38] =	vst v0  }
0xe6: {  	[tilespmem:$0xE48] =	vst v0  }
0xe7: {  	[tilespmem:$0xE58] =	vst v0  }
0xe8: {  	[tilespmem:$0xE68] =	vst v0  }
0xe9: {  	[tilespmem:$0xE78] =	vst v0  }
0xea: {  	[tilespmem:$0xE88] =	vst v0  }
0xeb: {  	[tilespmem:$0xE98] =	vst v0  }
0xec: {  	[tilespmem:$0xEA8] =	vst v0  }
0xed: {  	[tilespmem:$0xEB8] =	vst v0  }
0xee: {  	[tilespmem:$0xEC8] =	vst v0  }
0xef: {  	[tilespmem:$0xED8] =	vst v0  }
0xf0: {  	[tilespmem:$0xEE8] =	vst v0  }
0xf1: {  	[tilespmem:$0xEF8] =	vst v0  }
0xf2: {  	[tilespmem:$0xF08] =	vst v0  }
0xf3: {  	[tilespmem:$0xF18] =	vst v0  }
0xf4: {  	[tilespmem:$0xF28] =	vst v0  }
0xf5: {  	[tilespmem:$0xF38] =	vst v0  }
0xf6: {  	[tilespmem:$0xF48] =	vst v0  }
0xf7: {  	[tilespmem:$0xF58] =	vst v0  }
0xf8: {  	[tilespmem:$0xF68] =	vst v0  }
0xf9: {  	[tilespmem:$0xF78] =	vst v0  }
0xfa: {  	[tilespmem:$0xF88] =	vst v0  }
0xfb: {  	[tilespmem:$0xF98] =	vst v0  }
0xfc: {  	[tilespmem:$0xFA8] =	vst v0  }
0xfd: {  	[tilespmem:$0xFB8] =	vst v0  }
0xfe: {  	[tilespmem:$0xFC8] =	vst v0  }
0xff: {  	[tilespmem:$0xFD8] =	vst v0  }
0x100: {  	[tilespmem:$0xFE8] =	vst v0  }
0x101: {  	[tilespmem:$0xFF8] =	vst v0  }
0x102: {  	[tilespmem:$0x1028] =	vst v0  }
0x103: {  	[tilespmem:$0x10E8] =	vst v0  }
0x104: {  	[tilespmem:$0x1068] =	vst v0  }
0x105: {  	[tilespmem:$0x1B28] =	vst v0  }
0x106: {  	[tilespmem:$0x1B18] =	vst v0  }
0x107: {  	[tilespmem:$0x1B08] =	vst v0  }
0x108: {  	[tilespmem:$0x1AF8] =	vst v0  }
0x109: {  	[tilespmem:$0x1AE8] =	vst v0  }
0x10a: {  	[tilespmem:$0x1AD8] =	vst v0  }
0x10b: {  	[tilespmem:$0x1AC8] =	vst v0  }
0x10c: {  	[tilespmem:$0x1AB8] =	vst v0  }
0x10d: {  	[tilespmem:$0x1AA8] =	vst v0  }
0x10e: {  	[tilespmem:$0x1A98] =	vst v0  }
0x10f: {  	[tilespmem:$0x1A88] =	vst v0  }
0x110: {  	[tilespmem:$0x1A78] =	vst v0  }
0x111: {  	[tilespmem:$0x1A68] =	vst v0  }
0x112: {  	[tilespmem:$0x1A58] =	vst v0  }
0x113: {  	[tilespmem:$0x1A48] =	vst v0  }
0x114: {  	[tilespmem:$0x1A38] =	vst v0  }
0x115: {  	[tilespmem:$0x1A28] =	vst v0  }
0x116: {  	[tilespmem:$0x1A18] =	vst v0  }
0x117: {  	[tilespmem:$0x1A08] =	vst v0  }
0x118: {  	[tilespmem:$0x19F8] =	vst v0  }
0x119: {  	[tilespmem:$0x19E8] =	vst v0  }
0x11a: {  	[tilespmem:$0x19D8] =	vst v0  }
0x11b: {  	[tilespmem:$0x19C8] =	vst v0  }
0x11c: {  	[tilespmem:$0x19B8] =	vst v0  }
0x11d: {  	[tilespmem:$0x19A8] =	vst v0  }
0x11e: {  	[tilespmem:$0x1998] =	vst v0  }
0x11f: {  	[tilespmem:$0x1988] =	vst v0  }
0x120: {  	[tilespmem:$0x1978] =	vst v0  }
0x121: {  	[tilespmem:$0x1968] =	vst v0  }
0x122: {  	[tilespmem:$0x1958] =	vst v0  }
0x123: {  	[tilespmem:$0x1948] =	vst v0  }
0x124: {  	[tilespmem:$0x1938] =	vst v0  }
0x125: {  	[tilespmem:$0x1928] =	vst v0  }
0x126: {  	[tilespmem:$0x1918] =	vst v0  }
0x127: {  	[tilespmem:$0x1908] =	vst v0  }
0x128: {  	[tilespmem:$0x18F8] =	vst v0  }
0x129: {  	[tilespmem:$0x18E8] =	vst v0  }
0x12a: {  	[tilespmem:$0x18D8] =	vst v0  }
0x12b: {  	[tilespmem:$0x18C8] =	vst v0  }
0x12c: {  	[tilespmem:$0x18B8] =	vst v0  }
0x12d: {  	[tilespmem:$0x18A8] =	vst v0  }
0x12e: {  	[tilespmem:$0x1898] =	vst v0  }
0x12f: {  	[tilespmem:$0x1888] =	vst v0  }
0x130: {  	[tilespmem:$0x1878] =	vst v0  }
0x131: {  	[tilespmem:$0x1868] =	vst v0  }
0x132: {  	[tilespmem:$0x1858] =	vst v0  }
0x133: {  	[tilespmem:$0x1848] =	vst v0  }
0x134: {  	[tilespmem:$0x1838] =	vst v0  }
0x135: {  	[tilespmem:$0x1828] =	vst v0  }
0x136: {  	[tilespmem:$0x1818] =	vst v0  }
0x137: {  	[tilespmem:$0x1808] =	vst v0  }
0x138: {  	[tilespmem:$0x17F8] =	vst v0  }
0x139: {  	[tilespmem:$0x17E8] =	vst v0  }
0x13a: {  	[tilespmem:$0x17D8] =	vst v0  }
0x13b: {  	[tilespmem:$0x17C8] =	vst v0  }
0x13c: {  	[tilespmem:$0x17B8] =	vst v0  }
0x13d: {  	[tilespmem:$0x17A8] =	vst v0  }
0x13e: {  	[tilespmem:$0x1798] =	vst v0  }
0x13f: {  	[tilespmem:$0x1788] =	vst v0  }
0x140: {  	[tilespmem:$0x1778] =	vst v0  }
0x141: {  	[tilespmem:$0x1768] =	vst v0  }
0x142: {  	[tilespmem:$0x1758] =	vst v0  }
0x143: {  	[tilespmem:$0x1748] =	vst v0  }
0x144: {  	[tilespmem:$0x1738] =	vst v0  }
0x145: {  	[tilespmem:$0x1728] =	vst v0  }
0x146: {  	[tilespmem:$0x1718] =	vst v0  }
0x147: {  	[tilespmem:$0x1708] =	vst v0  }
0x148: {  	[tilespmem:$0x16F8] =	vst v0  }
0x149: {  	[tilespmem:$0x16E8] =	vst v0  }
0x14a: {  	[tilespmem:$0x16D8] =	vst v0  }
0x14b: {  	[tilespmem:$0x16C8] =	vst v0  }
0x14c: {  	[tilespmem:$0x16B8] =	vst v0  }
0x14d: {  	[tilespmem:$0x16A8] =	vst v0  }
0x14e: {  	[tilespmem:$0x1698] =	vst v0  }
0x14f: {  	[tilespmem:$0x1688] =	vst v0  }
0x150: {  	[tilespmem:$0x1678] =	vst v0  }
0x151: {  	[tilespmem:$0x1668] =	vst v0  }
0x152: {  	[tilespmem:$0x1658] =	vst v0  }
0x153: {  	[tilespmem:$0x1648] =	vst v0  }
0x154: {  	[tilespmem:$0x1638] =	vst v0  }
0x155: {  	[tilespmem:$0x1628] =	vst v0  }
0x156: {  	[tilespmem:$0x1618] =	vst v0  }
0x157: {  	[tilespmem:$0x1608] =	vst v0  }
0x158: {  	[tilespmem:$0x15F8] =	vst v0  }
0x159: {  	[tilespmem:$0x15E8] =	vst v0  }
0x15a: {  	[tilespmem:$0x15D8] =	vst v0  }
0x15b: {  	[tilespmem:$0x15C8] =	vst v0  }
0x15c: {  	[tilespmem:$0x15B8] =	vst v0  }
0x15d: {  	[tilespmem:$0x15A8] =	vst v0  }
0x15e: {  	[tilespmem:$0x1598] =	vst v0  }
0x15f: {  	[tilespmem:$0x1588] =	vst v0  }
0x160: {  	[tilespmem:$0x1578] =	vst v0  }
0x161: {  	[tilespmem:$0x1568] =	vst v0  }
0x162: {  	[tilespmem:$0x1558] =	vst v0  }
0x163: {  	[tilespmem:$0x1548] =	vst v0  }
0x164: {  	[tilespmem:$0x1538] =	vst v0  }
0x165: {  	[tilespmem:$0x1528] =	vst v0  }
0x166: {  	[tilespmem:$0x1518] =	vst v0  }
0x167: {  	[tilespmem:$0x1508] =	vst v0  }
0x168: {  	[tilespmem:$0x14F8] =	vst v0  }
0x169: {  	[tilespmem:$0x14E8] =	vst v0  }
0x16a: {  	[tilespmem:$0x14D8] =	vst v0  }
0x16b: {  	[tilespmem:$0x14C8] =	vst v0  }
0x16c: {  	[tilespmem:$0x14B8] =	vst v0  }
0x16d: {  	[tilespmem:$0x14A8] =	vst v0  }
0x16e: {  	[tilespmem:$0x1498] =	vst v0  }
0x16f: {  	[tilespmem:$0x1488] =	vst v0  }
0x170: {  	[tilespmem:$0x1478] =	vst v0  }
0x171: {  	[tilespmem:$0x1468] =	vst v0  }
0x172: {  	[tilespmem:$0x1458] =	vst v0  }
0x173: {  	[tilespmem:$0x1448] =	vst v0  }
0x174: {  	[tilespmem:$0x1438] =	vst v0  }
0x175: {  	[tilespmem:$0x1428] =	vst v0  }
0x176: {  	[tilespmem:$0x1418] =	vst v0  }
0x177: {  	[tilespmem:$0x1408] =	vst v0  }
0x178: {  	[tilespmem:$0x13F8] =	vst v0  }
0x179: {  	[tilespmem:$0x13E8] =	vst v0  }
0x17a: {  	[tilespmem:$0x13D8] =	vst v0  }
0x17b: {  	[tilespmem:$0x13C8] =	vst v0  }
0x17c: {  	[tilespmem:$0x13B8] =	vst v0  }
0x17d: {  	[tilespmem:$0x13A8] =	vst v0  }
0x17e: {  	[tilespmem:$0x1398] =	vst v0  }
0x17f: {  	[tilespmem:$0x1388] =	vst v0  }
0x180: {  	[tilespmem:$0x1378] =	vst v0  }
0x181: {  	[tilespmem:$0x1368] =	vst v0  }
0x182: {  	[tilespmem:$0x1358] =	vst v0  }
0x183: {  	[tilespmem:$0x1348] =	vst v0  }
0x184: {  	[tilespmem:$0x1338] =	vst v0  }
0x185: {  	[tilespmem:$0x1328] =	vst v0  }
0x186: {  	[tilespmem:$0x1318] =	vst v0  }
0x187: {  	[tilespmem:$0x1308] =	vst v0  }
0x188: {  	[tilespmem:$0x12F8] =	vst v0  }
0x189: {  	[tilespmem:$0x12E8] =	vst v0  }
0x18a: {  	[tilespmem:$0x12D8] =	vst v0  }
0x18b: {  	[tilespmem:$0x12C8] =	vst v0  }
0x18c: {  	[tilespmem:$0x12B8] =	vst v0  }
0x18d: {  	[tilespmem:$0x12A8] =	vst v0  }
0x18e: {  	[tilespmem:$0x1298] =	vst v0  }
0x18f: {  	[tilespmem:$0x1288] =	vst v0  }
0x190: {  	[tilespmem:$0x1278] =	vst v0  }
0x191: {  	[tilespmem:$0x1268] =	vst v0  }
0x192: {  	[tilespmem:$0x1258] =	vst v0  }
0x193: {  	[tilespmem:$0x1248] =	vst v0  }
0x194: {  	[tilespmem:$0x1238] =	vst v0  }
0x195: {  	[tilespmem:$0x1228] =	vst v0  }
0x196: {  	[tilespmem:$0x1218] =	vst v0  }
0x197: {  	[tilespmem:$0x1208] =	vst v0  }
0x198: {  	[tilespmem:$0x11F8] =	vst v0  }
0x199: {  	[tilespmem:$0x11E8] =	vst v0  }
0x19a: {  	[tilespmem:$0x11D8] =	vst v0  }
0x19b: {  	[tilespmem:$0x11C8] =	vst v0  }
0x19c: {  	[tilespmem:$0x11B8] =	vst v0  }
0x19d: {  	[tilespmem:$0x11A8] =	vst v0  }
0x19e: {  	[tilespmem:$0x1198] =	vst v0  }
0x19f: {  	[tilespmem:$0x1188] =	vst v0  }
0x1a0: {  	[tilespmem:$0x1178] =	vst v0  }
0x1a1: {  	[tilespmem:$0x1168] =	vst v0  }
0x1a2: {  	[tilespmem:$0x1158] =	vst v0  }
0x1a3: {  	[tilespmem:$0x1148] =	vst v0  }
0x1a4: {  	[tilespmem:$0x1138] =	vst v0  }
0x1a5: {  	[tilespmem:$0x1128] =	vst v0  }
0x1a6: {  	[tilespmem:$0x1118] =	vst v0  }
0x1a7: {  	s4 =	stileid.u32;
	[tilespmem:$0x1108] =	vst v0  }
0x1a8: {  	s0 =	smul.u32 $0x17, s4;
	[tilespmem:$0x10F8] =	vst v0  }
0x1a9: {  	s1 =	smin.u32 s4, $0x3;
	[tilespmem:$0x10C8] =	vst v0  }
0x1aa: {  	[tilespmem:$0x10D8] =	vst v0;
	s0 =	sadd.s32 s1, s0  }
0x1ab: {  	p0 =	slt.u32 s4, $0x3;
	[tilespmem:$0x10B8] =	vst v0;
	s1 =	simm.s32 $0x2880;
	s6 =	smul.u32 $0x1B0, s0  }
0x1ac: {  	s1 =	simm.s32 @!p0 $0x26D0;
	[tilespmem:$0x1038] =	vst v0  }
0x1ad: {  	[tilespmem:$0x10A8] =	vst v0;
	s0 =	sadd.s32 s1, s6  }
0x1ae: {  	s3 =	simm.s32 $0x2;
	s8 =	simm.s32 $0x9;
	[tilespmem:$0x1098] =	vst v0;
	s7 =	smin.u32 s0, $0x27100  }
0x1af: {  	s10 =	simm.s32 $0xA;
	s30 =	simm.s32 $0xB;
	[tilespmem:$0x1088] =	vst v0;
	s0 =	ssub.s32 s7, s6  }
0x1b0: {  	s16 =	simm.s32 $0x0;
	p4 =	por $0x0, $0x0;
	[tilespmem:$0x1078] =	vst v0;
	p0 =	sgt.s32 s0, $0x0  }
0x1b1: {  	s17 =	simm.s32 $0xC;
	s21 =	simm.s32 $0x0;
	[tilespmem:$0x1058] =	vst v0;
	s0 =	simm.s32 @!p0 $0x0  }
0x1b2: {  	s18 =	simm.s32 $0x0;
	s2 =	sand.u32 $0x1, s2;
	[tilespmem:$0x1048] =	vst v0;
	s29 =	smulhi.u32 $0x4BDA12F7, s0  }
0x1b3: {  	s20 =	simm.s32 $0x0;
	s31 =	sshll.u32 s4, $0x5;
	[tilespmem:$0x1018] =	vst v0;
	[dreg:$0x5] =	wrdreg s2  }
0x1b4: {  	s2 =	smul.u32 $0x4E20, s2;
	[tilespmem:$0x1008] =	vst v0;
	[sflag:s3] =	ssyncpa.u1 $0x0;
	s1 =	sshrl.u32 s29, $0x7  }
0x1b5: {  	v0 =	vimm.s32 $0xFFFFFFFF;
	s3 =	sadd.s32 $0x13D8200, s11;
	[dreg:$0x4] =	wrdreg s31;
	s5 =	smul.u32 $0x1B0, s1  }
.Ltmp0:
0x1b6: {  	[tilespmem:$0x3648] =	vst v0;
	[sflag:s8] =	ssyncpa.u1 $0x0;
	s2 =	sadd.s32 s2, s11;
	(pc) =	sbr.rel .LBB2_1-.Ltmp0, $4  }
0x1b7: {  	[sflag:s10] =	ssyncpa.u1 $0x0;
	s11 =	sadd.s32 $0xEF6200, s11;
	p0 =	sne.s32 s0, s5  }
0x1b8: {  	[sflag:s30] =	ssyncpa.u1 $0x0;
	s14 =	sadd.s32 $0xEEC400, s2;
	s12 =	simm.s32 @!p0 $0x0  }
0x1b9: {  	s15 =	sadd.s32 $0xEE2600, s2;
	s19 =	smov.u32 s6;
	s12 =	sadd.s32 s12, s1  }
0x1ba: {  	v0 =	vlaneseq.u32;
	[dreg:$0x6] =	wrdreg s6;
	p0 =	por $0x1, $0x1;
	s4 =	sadd.s32 $0x1, s12  }
.LBB2_18:
0x1bb: {  	s0 =	simm.s32 $0x2  }
0x1bc: {  	_ =	swait.ge [sflag:s0], $0x0  }
0x1bd: {  	[sflag:s0] =	ssyncset.done $0x0;
	s0 =	simm.s32 $0x0  }
.LBB2_19:
0x1be: {  	_ =	swait.ge [sflag:s17], s0  }
0x1bf: {  	s31 =	ssub.s32 $0x0, s0;
	v1 =	vmov s23;
	vm0 =	veq.s32 v0, $0x0;
	[sflag:s17] =	ssyncset.done $0x0  }
0x1c0: {  	vm15 =	veq.s32 v0, $0x2;
	v1 =	vsel vm0, s28, v1;
	[sflag:s17] =	ssyncadd.s32 s31  }
0x1c1: {  	v1 =	vsel vm15, s21, v1;
	[sflag:s17] =	ssyncpa.u1 $0x1  }
0x1c2: {  	[tilespmem:$0x3648] =	vst v1  }
.LBB2_20:
0x1c3: {  	s0 =	sadd.s32 $0x1B0, s19  }
0x1c4: {  	s1 =	smov.u32 s6;
	p1 =	slt.s32 s0, s7  }
0x1c5: {  	s1 =	smov.u32 @p1 s0;
	p1 =	sne.s32 s20, s4  }
.Ltmp1:
0x1c6: {  	_ = 	snop;
	(pc) =	sbr.rel @!p1 .LBB2_21-.Ltmp1, $4  }
0x1c7: {  	_ = 	snop  }
0x1c8: {  	s21 =	smov.u32 s18  }
0x1c9: {  	s31 =	sadd.s32 $0x1, s20;
	s18 =	smov.u32 s19;
	p0 =	por !p0, !p0  }
0x1ca: {  	p4 =	por !p4, !p4;
	s20 =	smov.u32 s31;
	s19 =	smov.u32 s1  }
.LBB2_1:
0x1cb: {  	p2 =	sge.u32 s20, s12  }
0x1cc: {  	s0 =	smulhi.u32 @!p2 $0xAAAAAAAB, s20  }
0x1cd: {  	s1 =	smov.u32 s19;
	p3 =	sgt.s32 @!p2 s19, $0x26F50  }
0x1ce: {  	s2 =	sshra.s32 @!p2 s19, $0x1F;
	p3 =	por !p3, p2;
	s0 =	sshrl.u32 @!p2 s0, $0x1  }
0x1cf: {  	s2 =	sand.u32 @!p2 s2, s19;
	s1 =	simm.s32 @p3 $0x26F50;
	s0 =	smul.u32 @!p2 $0x3, s0  }
0x1d0: {  	s1 =	ssub.s32 @!p2 s1, s2  }
0x1d1: {  	s23 =	sadd.s32 $0xFFFFFFFF, s20;
	s1 =	sadd.s32 @!p2 $0xFFFD90B0, s1;
	s0 =	ssub.s32 @!p2 s20, s0  }
0x1d2: {  	s2 =	sshll.u32 @!p2 s1, $0x2;
	p3 =	sgt.s32 @!p2 s1, $0x1AF;
	s0 =	smul.u32 @!p2 $0x6C0, s0  }
0x1d3: {  	s5 =	sand.u32 @!p2 $0x7, s19;
	s1 =	ssub.s32 @!p2 $0x6C0, s2;
	p3 =	por !p3, p2  }
0x1d4: {  	s2 =	sshrl.u32 @!p2 s19, $0x3;
	s1 =	sshrl.u32 @!p2 s1, $0x2;
	s0 =	sshrl.u32 @!p2 s0, $0x2  }
0x1d5: {  	s2 =	sadd.s32 @!p2 s2, s14;
	s1 =	simm.s32 @!p3 $0x0;
	s0 =	sadd.s32 @!p2 $0x3888, s0  }
0x1d6: {  	[tilespmem:s0], [sflag:$0xA] =	stream.linear.gather @!p2 [hbm4b:s2+s5], s1, $0x38;
	[tilespmem:$0x1F0F8] =	vst v63  }
0x1d7: {  	p2 =	sge.u32 s23, s12  }
0x1d8: {  	p3 =	sgt.s32 @!p2 s18, $0x26F50  }
0x1d9: {  	s0 =	smov.u32 s18;
	s1 =	sshra.s32 @!p2 s18, $0x1F;
	p3 =	por !p3, p2  }
0x1da: {  	s1 =	sand.u32 @!p2 s1, s18;
	s0 =	simm.s32 @p3 $0x26F50  }
0x1db: {  	s0 =	ssub.s32 @!p2 s0, s1  }
0x1dc: {  	s0 =	sadd.s32 @!p2 $0xFFFD90B0, s0  }
0x1dd: {  	s1 =	sshll.u32 @!p2 s0, $0x2  }
0x1de: {  	p3 =	sgt.s32 @!p2 s0, $0x1AF;
	s0 =	ssub.s32 @!p2 $0x6C0, s1  }
0x1df: {  	s22 =	ssub.s32 @!p2 $0x27100, s18;
	p3 =	por !p3, p2;
	s0 =	sshrl.u32 @!p2 s0, $0x2  }
0x1e0: {  	s1 =	sand.u32 @!p2 $0x1, s23;
	s0 =	simm.s32 @!p3 $0x0;
	p3 =	slt.s32 @!p2 s22, $0x1  }
0x1e1: {  	s2 =	simm.s32 @!p2 $0xA;
	s1 =	smul.u32 @!p2 $0x6C0, s1;
	p3 =	por p2, p3  }
.Ltmp2:
0x1e2: {  	_ =	swait.ge @!p2 [sflag:s2], s0;
	(pc) =	sbr.rel @p3 .LBB2_7-.Ltmp2, $4  }
0x1e3: {  	s5 =	ssub.s32 @!p2 $0x0, s0;
	[sflag:s2] =	ssyncset.done @!p2 $0x0  }
0x1e4: {  	s1 =	sshrl.u32 @!p2 s1, $0x2;
	[sflag:s2] =	ssyncadd.s32 @!p2 s5;
	s2 =	sshrl.u32 @!p2 s18, $0x3  }
0x1e5: {  	s1 =	sadd.s32 @!p2 $0x3D98, s1;
	s5 =	sand.u32 @!p2 $0x7, s18;
	s2 =	sadd.s32 @!p2 s2, s15  }
0x1e6: {  	[tilespmem:s1], [sflag:$0xB] =	stream.linear.gather @!p2 [hbm4b:s2+s5], s0, $0x38;
	[tilespmem:$0x1F0F8] =	vst v63  }
0x1e7: {  	s0 =	smulhi.u32 $0xAAAAAAAB, s23;
	_ =	sdelay $0x1  }
0x1e8: {  	s0 =	sshrl.u32 s0, $0x1  }
0x1e9: {  	s0 =	smul.u32 $0x3, s0;
	_ =	sdelay $0x1  }
0x1ea: {  	s0 =	ssub.s32 s23, s0  }
0x1eb: {  	s1 =	simm.s32 $0x1;
	s0 =	smul.u32 $0x6C0, s0  }
.Ltmp3:
0x1ec: {  	s1 =	simm.s32 @!p0 $0x0;
	(pc) =	sbr.rel .LBB2_4-.Ltmp3, $4  }
0x1ed: {  	s1 =	smul.u32 $0x36000, s1  }
0x1ee: {  	p3 =	slt.s32 @!p2 s22, $0x1B0;
	s0 =	sshrl.u32 s0, $0x2  }
0x1ef: {  	p2 =	por !p3, p2;
	s1 =	sshrl.u32 s1, $0x2;
	s0 =	sadd.s32 $0x3888, s0  }
0x1f0: {  	s24 =	simm.s32 $0x0;
	s22 =	simm.s32 @p2 $0x1B0;
	s23 =	sadd.s32 $0x40F8, s1;
	v1 =	vmov s0  }
.LBB2_3:
0x1f1: {  	p2 =	sge.s32 s24, s22  }
.Ltmp4:
0x1f2: {  	_ = 	snop;
	(pc) =	sbr.rel @p2 .LBB2_7-.Ltmp4, $2  }
0x1f3: {  	_ =	sdelay $0x2  }
0x1f4: {  	s23 =	sadd.s32 $0x800, s23  }
.LBB2_4:
0x1f5: {  	p2 =	sle.s32 s22, s24  }
.Ltmp5:
0x1f6: {  	_ = 	snop;
	(pc) =	sbr.rel @p2 .LBB2_3-.Ltmp5, $2  }
0x1f7: {  	_ =	sdelay $0x2  }
0x1f8: {  	s0 =	smov.u32 s24;
	s24 =	sadd.s32 $0x10, s24  }
0x1f9: {  	s1 =	ssub.s32 s22, s0  }
0x1fa: {  	p2 =	slt.s32 s1, $0x10  }
0x1fb: {  	s1 =	simm.s32 @!p2 $0x10  }
0x1fc: {  	v2 =	vmov s1  }
0x1fd: {  	vm0 =	vgt.s32 v2, v0;
	_ =	sdelay $0x5  }
0x1fe: {  	v2 =	vld.idx.msk [tilespmem:v1+s0+$0x0 ss:$0x1], vm0;
	_ =	sdelay $0x2  }
0x1ff: {  	p2 =	slt.s32 s24, s22;
	s1 =	smov.u32 s22  }
0x200: {  	s2 =	smov.u32 s23;
	s25 =	simm.s32 $0x0;
	s1 =	smov.u32 @p2 s24  }
.LBB2_6:
0x201: {  	(v2sf) =	vpush v2, s25;
	_ =	sdelay $0xc  }
0x202: {  	s25 =	sadd.s32 $0x1, s25  }
0x203: {  	s31 =	sadd.s32 s25, s0  }
0x204: {  	p2 =	slt.s32 s31, s1;
	s5 =	spop (v2sf)  }
.Ltmp6:
0x205: {  	s5 =	sshll.u32 s5, $0x4;
	(pc) =	sbr.rel @p2 .LBB2_6-.Ltmp6, $4  }
0x206: {  	s5 =	sand.u32 $0x1FFFFFF0, s5  }
0x207: {  	s5 =	sadd.s32 s11, s5  }
0x208: {  	[tilespmem:s2], [sflag:$0x9] =	stream.linear.gather [hbm4b:s5+s16], $0x10, $0x38;
	[tilespmem:$0x1F0F8] =	vst v63  }
0x209: {  	s2 =	sadd.s32 $0x80, s2  }
.Ltmp7:
0x20a: {  	_ = 	snop;
	(pc) =	sbr.rel .LBB2_3-.Ltmp7, $1  }
0x20b: {  	_ =	sdelay $0x3  }
.LBB2_7:
0x20c: {  	p2 =	slt.u32 s20, $0x2  }
.Ltmp8:
0x20d: {  	_ = 	snop;
	(pc) =	sbr.rel @p2 .LBB2_20-.Ltmp8, $1  }
0x20e: {  	_ =	sdelay $0x3  }
0x20f: {  	p2 =	sgt.s32 s21, $0x26F50  }
0x210: {  	s0 =	smov.u32 s21;
	s1 =	sshra.s32 s21, $0x1F;
	s2 =	ssub.s32 $0x27100, s21  }
0x211: {  	s0 =	simm.s32 @!p2 $0x26F50;
	s1 =	sand.u32 s1, s21;
	p2 =	slt.s32 s2, $0x1B0  }
0x212: {  	s0 =	ssub.s32 s0, s1;
	s2 =	simm.s32 @!p2 $0x1B0  }
0x213: {  	s0 =	sadd.s32 $0xFFFD90B0, s0;
	s24 =	sshll.u32 s2, $0x4  }
0x214: {  	s28 =	simm.s32 $0x9;
	s25 =	sshll.u32 s0, $0x2;
	s1 =	sand.u32 $0x3FFFFFF0, s24  }
0x215: {  	p2 =	sgt.s32 s0, $0x1AF;
	s26 =	ssub.s32 $0x6C0, s25;
	_ =	swait.ge [sflag:s28], s1  }
0x216: {  	s1 =	ssub.s32 $0x0, s1;
	[sflag:s28] =	ssyncset.done $0x0;
	s0 =	sshrl.u32 s26, $0x2  }
0x217: {  	s30 =	simm.s32 $0xB;
	[sflag:s28] =	ssyncadd.s32 s1;
	s0 =	simm.s32 @p2 $0x0  }
0x218: {  	_ =	swait.ge [sflag:s30], s0  }
0x219: {  	s0 =	ssub.s32 $0x0, s0;
	[sflag:s30] =	ssyncset.done $0x0  }
0x21a: {  	[sflag:s30] =	ssyncadd.s32 s0  }
0x21b: {  	v1 =	vld [tilespmem:$0x3648];
	_ =	sdelay $0x4  }
0x21c: {  	(v2sf) =	vpush v1, $0x0  }
0x21d: {  	(v2sf) =	vpush v1, $0x1  }
0x21e: {  	(v2sf) =	vpush v1, $0x2;
	_ =	sdelay $0x3  }
0x21f: {  	s0 =	sadd.s32 $0x1B0, s21  }
0x220: {  	s1 =	ssub.s32 $0x4E200, s21;
	p2 =	slt.s32 s7, s0  }
0x221: {  	s0 =	smov.u32 @p2 s7;
	p2 =	sgt.s32 s1, $0x0  }
0x222: {  	s25 =	ssub.s32 s0, s21;
	s1 =	simm.s32 @!p2 $0x0  }
0x223: {  	p2 =	slt.s32 s1, s25  }
0x224: {  	s25 =	smov.u32 @p2 s1  }
0x225: {  	s24 =	simm.s32 $0x1;
	p2 =	slt.s32 s25, $0x1  }
.Ltmp9:
0x226: {  	s24 =	simm.s32 @!p4 $0x0;
	(pc) =	sbr.rel @p2 .LBB2_12-.Ltmp9, $4  }
0x227: {  	s31 =	smul.u32 $0x6C0, s24  }
0x228: {  	s26 =	spop (v2sf)  }
0x229: {  	s0 =	sshrl.u32 s31, $0x2;
	s29 =	spop (v2sf)  }
0x22a: {  	s22 =	sadd.s32 $0x3D98, s0;
	s21 =	spop (v2sf)  }
0x22b: {  	s0 =	smin.u32 s25, $0x10  }
0x22c: {  	v1 =	vmov s0  }
0x22d: {  	p3 =	sgt.s32 s25, $0x10;
	vm1 =	vgt.u32 v1, v0  }
.Ltmp10:
0x22e: {  	_ = 	snop;
	(pc) =	sbr.rel @!p3 .LBB2_11-.Ltmp10, $2  }
0x22f: {  	_ =	sdelay $0x2  }
0x230: {  	s23 =	simm.s32 $0x10;
	s28 =	sadd.s32 $0xFFFFFFF0, s25;
	s0 =	smov.u32 s22;
	vm0 =	vmmov vm1  }
.LBB2_10:
0x231: {  	s1 =	smin.u32 s28, $0x10;
	s23 =	sadd.s32 $0x10, s23;
	v1 =	vld.msk [tilespmem:s0+$0x0 ss:$0x1], vm1  }
0x232: {  	v2 =	vmov s1;
	p3 =	slt.s32 s23, s25  }
0x233: {  	vm1 =	vgt.u32 v2, v0  }
.Ltmp11:
0x234: {  	(pc) =	sbr.rel @p3 .LBB2_10-.Ltmp11, $3  }
0x235: {  	_ =	sdelay $0x1  }
0x236: {  	v1 =	vshll.u32 v1, $0x4  }
0x237: {  	s28 =	sadd.s32 $0xFFFFFFF0, s28;
	[tilespmem:s0+$0x0] =	vst.msk vm0, v1;
	s0 =	sadd.s32 $0x10, s0;
	vm0 =	vmmov vm1  }
.LBB2_11:
0x238: {  	_ =	sdelay $0x4  }
0x239: {  	v1 =	vld.msk [tilespmem:s0+$0x0 ss:$0x1], vm1;
	_ =	sdelay $0x4  }
0x23a: {  	v1 =	vshll.u32 v1, $0x4  }
0x23b: {  	[tilespmem:s0+$0x0] =	vst.msk vm0, v1  }
.LBB2_12:
0x23c: {  	s0 =	sand.u32 $0x1, s20  }
0x23d: {  	s0 =	smul.u32 $0x1B0, s0  }
0x23e: {  	p3 =	sne.s32 s29, $0xFFFFFFFF  }
0x23f: {  	v1 =	vld.msk @!p3 [tilespmem:s0+$0x3D98], $0x1;
	_ =	sdelay $0x4  }
0x240: {  	(v2sf) =	vpush @!p3 v1, $0x0;
	_ =	sdelay $0xc  }
.Ltmp12:
0x241: {  	_ = 	snop;
	(pc) =	sbr.rel @p2 .LBB2_18-.Ltmp12, $4  }
0x242: {  	_ = 	snop  }
0x243: {  	s28 =	spop @!p3 (v2sf)  }
0x244: {  	s21 =	simm.s32 @!p3 $0x0;
	s23 =	smov.u32 s28  }
0x245: {  	[sflag:s17] =	ssyncpa.u1 $0x0;
	s28 =	smov.u32 @p3 s26;
	s23 =	smov.u32 @p3 s29  }
0x246: {  	v1 =	vld.msk [tilespmem:s22+$0x0], $0x1;
	_ =	sdelay $0x4  }
0x247: {  	(v2sf) =	vpush v1, $0x0;
	_ =	sdelay $0xe  }
0x248: {  	s0 =	simm.s32 @!p4 $0x0;
	s26 =	smul.u32 $0x36000, s24;
	s31 =	spop (v2sf)  }
0x249: {  	s29 =	ssub.s32 $0x0, s25;
	s0 =	simm.s32 @p4 $0x1;
	p2 =	seq.s32 s28, s31  }
0x24a: {  	s1 =	smov.u32 s28;
	[smem:$0x7FD] =	sst s0;
	p3 =	sgt.s32 @!p2 s28, $0x0  }
0x24b: {  	s0 =	sshrl.u32 s26, $0x2;
	s26 =	sadd.s32 $0x1, s29;
	p3 =	por !p3, p2  }
0x24c: {  	s1 =	simm.s32 @p3 $0x0;
	p3 =	seq.s32 s26, $0x0  }
.Ltmp13:
0x24d: {  	_ = 	snop;
	(pc) =	sbr.rel @p3 .LBB2_15-.Ltmp13, $4  }
0x24e: {  	s6 =	smov.u32 s4;
	s25 =	simm.s32 $0x0  }
0x24f: {  	s24 =	sadd.s32 $0x40F8, s0;
	s0 =	simm.s32 @!p2 $0x1;
	s2 =	smin.u32 @!p2 s1, $0x27FFE  }
0x250: {  	s30 =	sadd.s32 $0x1, s22;
	s0 =	smov.u32 @p2 s25;
	s5 =	sand.u32 @!p2 $0x3FFF8, s2  }
0x251: {  	s1 =	simm.s32 @!p2 $0x1B38;
	s2 =	sand.u32 @!p2 $0x7, s2;
	s5 =	sadd.s32 @!p2 s3, s5  }
.LBB2_14:
0x252: {  	s4 =	smov.u32 s0  }
0x253: {  	[tilespmem:s1], [sflag:$0x2] =	stream.linear.gather @!p2 [hbm4b:s5+s2], $0x10, $0x38;
	[tilespmem:$0x1F0F8] =	vst v63  }
0x254: {  	s26 =	sadd.s32 $0x1, s26;
	s2 =	smov.u32 s31;
	v1 =	vld.msk [tilespmem:s30+$0x0], $0x1  }
0x255: {  	p3 =	seq.s32 s26, $0x0;
	_ =	sdelay $0x3  }
0x256: {  	(v2sf) =	vpush v1, $0x0;
	_ =	sdelay $0xe  }
0x257: {  	s31 =	spop (v2sf)  }
0x258: {  	p2 =	seq.s32 s2, s31  }
0x259: {  	p4 =	sgt.s32 @!p2 s2, $0x0;
	s1 =	sshll.u32 @!p2 s0, $0x6;
	s0 =	sadd.s32 @!p2 $0x1, s0  }
.Ltmp14:
0x25a: {  	p4 =	por !p4, p2;
	s1 =	sshra.s32 @!p2 s1, $0x2;
	(pc) =	sbr.rel @!p3 .LBB2_14-.Ltmp14, $4  }
0x25b: {  	s0 =	smov.u32 @p2 s4;
	s2 =	simm.s32 @p4 $0x0;
	s1 =	sadd.s32 @!p2 $0x1B38, s1  }
0x25c: {  	s2 =	smin.u32 @!p2 s2, $0x27FFE  }
0x25d: {  	s4 =	sand.u32 @!p2 $0x3FFF8, s2;
	s2 =	sand.u32 @!p2 $0x7, s2  }
0x25e: {  	s30 =	sadd.s32 $0x1, s30;
	s5 =	sadd.s32 @!p2 s3, s4  }
.LBB2_15:
0x25f: {  	[tilespmem:s1], [sflag:$0x2] =	stream.linear.gather @!p2 [hbm4b:s5+s2], $0x10, $0x38;
	[tilespmem:$0x1F0F8] =	vst v63  }
0x260: {  	s0 =	sshll.u32 s0, $0x4  }
0x261: {  	s31 =	simm.s32 $0x2;
	s0 =	sand.u32 $0x3FFFFFF0, s0  }
0x262: {  	_ =	swait.ge [sflag:s31], s0  }
0x263: {  	s0 =	ssub.s32 $0x0, s0;
	[sflag:s31] =	ssyncset.done $0x0  }
0x264: {  	[sflag:s31] =	ssyncadd.s32 s0  }
0x265: {  	v1 =	vld.msk [tilespmem:s22+$0x0], $0x1;
	_ =	sdelay $0x4  }
0x266: {  	(v2sf) =	vpush v1, $0x0;
	_ =	sdelay $0xe  }
0x267: {  	s26 =	spop (v2sf)  }
0x268: {  	p2 =	sne.s32 s28, s26  }
0x269: {  	p4 =	sne.s32 @p2 s28, s23  }
0x26a: {  	p3 =	por !p4, !p2  }
0x26b: {  	s0 =	simm.s32 @!p3 $0x0  }
0x26c: {  	v1 =	vld @!p3 [tilespmem:s0+$0x1B38]  }
0x26d: {  	p5 =	sgt.u32 @!p3 s28, $0x27FFE  }
0x26e: {  	s1 =	sshll.u32 @!p3 s21, $0x6;
	p6 =	por @p2 p5, !p4  }
0x26f: {  	s1 =	sshra.s32 @!p3 s1, $0x2;
	p1 =	por p6, !p2;
	p6 =	por p4, !p2  }
0x270: {  	s2 =	sadd.s32 @!p3 $0x28, s1;
	s4 =	sand.u32 @!p1 $0x3FFF8, s28;
	s5 =	sshll.u32 @!p6 s21, $0x6  }
0x271: {  	s28 =	sand.u32 @!p1 $0x7, s28;
	[tilespmem:s1+$0x28] =	vst.add.f32.msk @!p3 $0xffff, v1;
	s1 =	sadd.s32 @!p1 s3, s4;
	s4 =	sshra.s32 @!p6 s5, $0x2  }
0x272: {  	[hbm4b:s1+s28] =	stream.linear.scatter @!p1 [tilespmem:s2], [sflag:$0xC], $0x10, $0x38;
	[tilespmem:$0x1F0F8] =	vst v63  }
0x273: {  	s0 =	rddreg [dreg:$0x4];
	s1 =	sadd.s32 @!p6 $0x28, s4;
	s2 =	simm.s32 @!p6 $0x1  }
0x274: {  	[spmem:s0] =	stream.linear.scatter @!p6 [tilespmem:s1], [sflag:$0x1], $0x10, $0x38;
	[tilespmem:$0x1F0F8] =	vst v63  }
0x275: {  	s0 =	sadd.s32 @p2 $0x1, s21;
	_ =	swait.ge @!p6 [sflag:s2], $0x10  }
0x276: {  	s1 =	sshrl.u32 @p2 s0, $0x4;
	[sflag:s2] =	ssyncset.done @!p6 $0x0  }
0x277: {  	s1 =	smulhi.u32 @p2 $0x97B425F, s1;
	[sflag:s2] =	ssyncadd.s32 @!p6 $0xFFFFFFF0  }
0x278: {  	s28 =	sadd.s32 $0x1, s29;
	v1 =	vld @p2 [tilespmem:s24+$0x0]  }
0x279: {  	p1 =	por @p2 !p5, !p4;
	p4 =	seq.s32 s28, $0x0;
	s1 =	smul.u32 @p2 $0x1B0, s1  }
.Ltmp15:
0x27a: {  	p1 =	por !p1, !p2;
	s2 =	simm.s32 @!p3 $0x0;
	(pc) =	sbr.rel @p4 .LBB2_17-.Ltmp15, $4  }
0x27b: {  	s4 =	sshll.u32 @!p2 s21, $0x6;
	s2 =	simm.s32 @!p1 $0x40;
	s0 =	ssub.s32 @p2 s0, s1  }
0x27c: {  	s29 =	simm.s32 $0x0;
	s2 =	sadd.s32 @!p3 $0x0, s2;
	s5 =	sshll.u32 @p2 s0, $0x4  }
0x27d: {  	s30 =	sshra.s32 @!p2 s4, $0x2;
	s1 =	simm.s32 @p2 $0x1;
	s2 =	smov.u32 @p3 s25;
	[tilespmem:s5+$0x28] =	vst @p2 v1  }
0x27e: {  	s21 =	smov.u32 @p2 s0;
	s29 =	smov.u32 @p2 s2;
	s25 =	smov.u32 @p2 s1;
	v1 =	vld @!p2 [tilespmem:s24+$0x0]  }
.LBB2_16:
0x27f: {  	_ =	sdelay $0x3  }
0x280: {  	s22 =	sadd.s32 $0x1, s22;
	[tilespmem:s30+$0x28] =	vst.add.f32.msk @!p2 $0xffff, v1  }
0x281: {  	v1 =	vld.msk [tilespmem:s22+$0x0], $0x1;
	_ =	sdelay $0x4  }
0x282: {  	(v2sf) =	vpush v1, $0x0;
	_ =	sdelay $0xe  }
0x283: {  	s0 =	smov.u32 s26;
	s26 =	spop (v2sf)  }
0x284: {  	p2 =	sne.s32 s0, s26  }
0x285: {  	p5 =	sne.s32 @p2 s0, s23  }
0x286: {  	s4 =	sshll.u32 @!p2 s21, $0x6;
	p4 =	por !p5, !p2  }
0x287: {  	s30 =	sshra.s32 @!p2 s4, $0x2;
	s4 =	sshll.u32 @!p4 s25, $0x6  }
0x288: {  	s4 =	sshra.s32 @!p4 s4, $0x2  }
0x289: {  	p1 =	sgt.u32 @!p4 s0, $0x27FFE;
	v1 =	vld @!p4 [tilespmem:s4+$0x1B38]  }
0x28a: {  	s31 =	sshll.u32 @!p4 s21, $0x6;
	p6 =	por @p2 p1, !p5;
	p1 =	por @p2 !p1, !p5  }
0x28b: {  	s8 =	simm.s32 @!p4 $0x0;
	s31 =	sshra.s32 @!p4 s31, $0x2;
	p1 =	por !p1, !p2  }
0x28c: {  	p5 =	por p5, !p2;
	s8 =	simm.s32 @!p1 $0x40;
	p1 =	por p6, !p2  }
0x28d: {  	s4 =	sadd.s32 @!p4 $0x28, s31;
	s13 =	sshll.u32 @!p5 s21, $0x6;
	s10 =	sand.u32 @!p1 $0x3FFF8, s0  }
0x28e: {  	s13 =	sshra.s32 @!p5 s13, $0x2;
	s0 =	sand.u32 @!p1 $0x7, s0;
	s10 =	sadd.s32 @!p1 s3, s10;
	[tilespmem:s31+$0x28] =	vst.add.f32.msk @!p4 $0xffff, v1  }
0x28f: {  	[hbm4b:s10+s0] =	stream.linear.scatter @!p1 [tilespmem:s4], [sflag:$0xC], $0x10, $0x38;
	[tilespmem:$0x1F0F8] =	vst v63  }
0x290: {  	s1 =	rddreg [dreg:$0x4];
	s0 =	sadd.s32 @!p5 $0x28, s13;
	s4 =	simm.s32 @!p5 $0x1  }
0x291: {  	[spmem:s1] =	stream.linear.scatter @!p5 [tilespmem:s0], [sflag:$0x1], $0x10, $0x38;
	[tilespmem:$0x1F0F8] =	vst v63  }
0x292: {  	s2 =	sadd.s32 @p2 $0x1, s21;
	_ =	swait.ge @!p5 [sflag:s4], $0x10  }
0x293: {  	s5 =	sshrl.u32 @p2 s2, $0x4;
	[sflag:s4] =	ssyncset.done @!p5 $0x0  }
0x294: {  	s24 =	sadd.s32 $0x80, s24;
	s5 =	smulhi.u32 @p2 $0x97B425F, s5;
	[sflag:s4] =	ssyncadd.s32 @!p5 $0xFFFFFFF0  }
0x295: {  	s28 =	sadd.s32 $0x1, s28;
	v1 =	vld @p2 [tilespmem:s24+$0x0]  }
0x296: {  	p3 =	seq.s32 s28, $0x0;
	s5 =	smul.u32 @p2 $0x1B0, s5  }
.Ltmp16:
0x297: {  	_ = 	snop;
	(pc) =	sbr.rel @!p3 .LBB2_16-.Ltmp16, $4  }
0x298: {  	s2 =	ssub.s32 @p2 s2, s5  }
0x299: {  	s8 =	sadd.s32 @!p4 s8, s29;
	s5 =	sshll.u32 @p2 s2, $0x4  }
0x29a: {  	s9 =	sadd.s32 @p2 $0x1, s25;
	s8 =	smov.u32 @p4 s29;
	[tilespmem:s5+$0x28] =	vst @p2 v1  }
0x29b: {  	s25 =	smov.u32 @p2 s9;
	s21 =	smov.u32 @p2 s2;
	s29 =	smov.u32 @p2 s8;
	v1 =	vld @!p2 [tilespmem:s24+$0x0]  }
.LBB2_17:
.Ltmp17:
0x29c: {  	_ = 	snop;
	(pc) =	sbr.rel .LBB2_19-.Ltmp17, $3  }
0x29d: {  	s1 =	sld [smem:$0x7FD];
	_ =	sdelay $0x1  }
0x29e: {  	s0 =	sshrl.u32 s29, $0x2;
	s28 =	smov.u32 s26  }
0x29f: {  	s4 =	smov.u32 s6;
	s6 =	rddreg [dreg:$0x6];
	p4 =	seq.s32 s1, $0x1;
	[tilespmem:s30+$0x28] =	vst.add.f32.msk @!p2 $0xffff, v1  }
.LBB2_21:
0x2a0: {  	_ =	sfence.sel $0x180000  }
0x2a1: {  	s0 =	simm.s32 $0x9;
	[bflag:$0x0] =	sbarrier.arrive $0xFFFF  }
0x2a2: {  	s24 =	simm.s32 $0xA;
	[sflag:s0] =	ssyncpa.u1 $0x1  }
0x2a3: {  	s25 =	simm.s32 $0xB;
	[sflag:s24] =	ssyncpa.u1 $0x1  }
0x2a4: {  	s26 =	simm.s32 $0x2;
	[sflag:s25] =	ssyncpa.u1 $0x1  }
0x2a5: {  	[sflag:s26] =	ssyncpa.u1 $0x1  }
0x2a6: {  	v0 =	vld [tilespmem:$0x3648];
	_ =	sdelay $0x4  }
0x2a7: {  	(v2sf) =	vpush v0, $0x0  }
0x2a8: {  	(v2sf) =	vpush v0, $0x1;
	_ =	sdelay $0x1  }
0x2a9: {  	(v2sf) =	vpush v0, $0x2;
	_ =	sdelay $0xb  }
0x2aa: {  	s0 =	spop (v2sf)  }
0x2ab: {  	s1 =	spop (v2sf)  }
0x2ac: {  	s2 =	smov.u32 s0;
	p0 =	sne.s32 s0, s1  }
0x2ad: {  	s4 =	spop (v2sf);
	s2 =	simm.s32 @!p0 $0xFFFFFFFF  }
0x2ae: {  	v2 =	vimm.s32 $0x1;
	v3 =	vlaneseq.u32;
	p0 =	seq.s32 s4, $0xFFFFFFFF;
	v1 =	vmov s2  }
0x2af: {  	s16 =	stileid.u32;
	v0 =	vperm.xlane v0, v2;
	p1 =	sne.s32 @!p0 s0, s1;
	v1 =	vperm.xlane v1, v3  }
0x2b0: {  	vm0 =	vcmask $0x3F04;
	s6 =	simm.s32 $0x3648;
	s0 =	simm.s32 @!p0 $0x1;
	p1 =	por !p1, p0  }
0x2b1: {  	s2 =	sshll.u32 s16, $0x1;
	s1 =	sshll.u32 @!p0 s4, $0x6;
	s0 =	simm.s32 @p1 $0x0;
	v0 =	vsel vm0, v1, v0  }
0x2b2: {  	s5 =	sor.u32 $0x200, s2;
	s1 =	sshra.s32 @!p0 s1, $0x2;
	s0 =	sor.u32 @!p0 s0, s2;
	[tilespmem:$0x3648] =	vst v0  }
0x2b3: {  	[spmem:s5] =	stream.linear.scatter [tilespmem:s6], [sflag:$0x1], $0x2, $0x38;
	[tilespmem:$0x1F0F8] =	vst v63  }
0x2b4: {  	s1 =	sadd.s32 @!p0 $0x28, s1;
	s0 =	sshll.u32 @!p0 s0, $0x4  }
0x2b5: {  	[spmem:s0] =	stream.linear.scatter @!p0 [tilespmem:s1], [sflag:$0x1], $0x10, $0x38;
	[tilespmem:$0x1F0F8] =	vst v63  }
0x2b6: {  	s0 =	simm.s32 @!p0 $0x12  }
0x2b7: {  	s28 =	simm.s32 $0x1;
	s0 =	simm.s32 @p0 $0x2  }
0x2b8: {  	_ =	swait.ge [sflag:s28], s0  }
0x2b9: {  	s0 =	ssub.s32 $0x0, s0;
	[sflag:s28] =	ssyncset.done $0x0  }
0x2ba: {  	p0 =	sne.s32 s16, $0x0;
	[sflag:s28] =	ssyncadd.s32 s0  }
.Ltmp18:
0x2bb: {  	_ =	sfence.stream.spmem;
	(pc) =	sbr.rel @p0 .LBB2_38-.Ltmp18, $4  }
0x2bc: {  	s29 =	simm.s32 $0x3;
	[bflag:$0x0] =	sbarrier.arrive $0xFFFF  }
0x2bd: {  	s30 =	simm.s32 $0x4;
	[sflag:s29] =	ssyncpa.u1 $0x1  }
0x2be: {  	s31 =	simm.s32 $0x3C;
	[sflag:s30] =	ssyncpa.u1 $0x1  }
0x2bf: {  	s17 =	rddreg [dreg:$0x5];
	[sflag:s31] =	ssyncpa.u1 $0x1  }
0x2c0: {  	_ =	sfence.stream.spmem;
	s0 =	simm.s32 $0x5  }
0x2c1: {  	s1 =	simm.s32 $0x200;
	s2 =	simm.s32 $0x3658;
	[sflag:s0] =	ssyncpa.u1 $0x0  }
0x2c2: {  	[tilespmem:s2], [sflag:$0x5] =	stream.linear.gather [spmem:s1], $0x20, $0x38;
	[tilespmem:$0x1F0F8] =	vst v63  }
0x2c3: {  	s26 =	simm.s32 $0x0;
	s28 =	simm.s32 $0x3678  }
0x2c4: {  	[tilespmem:s28], [sflag:$0x5] =	stream.linear.gather [spmem:s26], $0x200, $0x38;
	[tilespmem:$0x1F0F8] =	vst v63  }
0x2c5: {  	_ =	swait.ge [sflag:s0], $0x220  }
0x2c6: {  	[sflag:s0] =	ssyncset.done $0x0  }
0x2c7: {  	s29 =	simm.s32 $0x0;
	[sflag:s0] =	ssyncadd.s32 $0xFFFFFDE0  }
0x2c8: {  	v0 =	vld.msk [tilespmem:s29+$0x3658], $0x1;
	_ =	sdelay $0x1  }
0x2c9: {  	s30 =	simm.s32 $0x1  }
0x2ca: {  	v1 =	vld.msk [tilespmem:s30+$0x3658], $0x1;
	_ =	sdelay $0x1  }
0x2cb: {  	(v2sf) =	vpush v0, $0x0;
	_ =	sdelay $0x2  }
0x2cc: {  	(v2sf) =	vpush v1, $0x0;
	_ =	sdelay $0x2  }
0x2cd: {  	s31 =	simm.s32 $0x2  }
0x2ce: {  	v0 =	vld.msk [tilespmem:s31+$0x3658], $0x1;
	_ =	sdelay $0x2  }
0x2cf: {  	s6 =	simm.s32 $0xFFFFFFFF;
	s1 =	simm.s32 $0xFFFFFFFF;
	s0 =	simm.s32 $0xC  }
.LBB2_23:
0x2d0: {  	s2 =	smov.u32 s6;
	s4 =	smov.u32 s1  }
0x2d1: {  	s1 =	sshra.s32 s0, $0x2;
	p1 =	sne.s32 s0, $0x7C;
	s0 =	sadd.s32 $0x4, s0;
	(v2sf) =	vpush v0, $0x0  }
0x2d2: {  	v0 =	vld.msk [tilespmem:s1+$0x3658], $0x1  }
.Ltmp19:
0x2d3: {  	(pc) =	sbr.rel @p1 .LBB2_23-.Ltmp19, $4  }
0x2d4: {  	s6 =	spop (v2sf)  }
0x2d5: {  	p2 =	sne.s32 s4, $0xFFFFFFFF;
	s1 =	smov.u32 s6  }
0x2d6: {  	p3 =	seq.s32 s6, $0xFFFFFFFF;
	s1 =	smov.u32 @p2 s4  }
0x2d7: {  	s6 =	smov.u32 @p3 s2;
	s1 =	smov.u32 @p3 s4  }
0x2d8: {  	(v2sf) =	vpush v0, $0x0;
	_ =	sdelay $0x8  }
0x2d9: {  	s0 =	spop (v2sf)  }
0x2da: {  	p1 =	sne.s32 s1, $0xFFFFFFFF;
	s2 =	smov.u32 s0  }
0x2db: {  	s9 =	simm.s32 $0x6;
	p2 =	seq.s32 s0, $0xFFFFFFFF;
	s2 =	smov.u32 @p1 s1  }
0x2dc: {  	s10 =	simm.s32 $0x3638;
	s2 =	smov.u32 @p2 s1;
	s1 =	spop (v2sf)  }
0x2dd: {  	s0 =	smov.u32 @p2 s6;
	p1 =	sne.s32 s2, $0xFFFFFFFF;
	s4 =	smov.u32 s1  }
.Ltmp20:
0x2de: {  	p2 =	seq.s32 s1, $0xFFFFFFFF;
	s4 =	smov.u32 @p1 s2;
	(pc) =	sbr.rel .LBB2_25-.Ltmp20, $4  }
0x2df: {  	s11 =	simm.s32 $0x0;
	s4 =	smov.u32 @p2 s2;
	s7 =	spop (v2sf)  }
0x2e0: {  	[sflag:s9] =	ssyncpa.u1 $0x0;
	p1 =	sne.s32 s4, $0xFFFFFFFF;
	s8 =	smov.u32 s7  }
0x2e1: {  	s1 =	smov.u32 @p2 s0;
	p2 =	seq.s32 s7, $0xFFFFFFFF;
	s8 =	smov.u32 @p1 s4  }
0x2e2: {  	s6 =	simm.s32 $0x0;
	s7 =	smov.u32 @p2 s1;
	s8 =	smov.u32 @p2 s4  }
.LBB2_30:
0x2e3: {  	p1 =	sgt.u32 s12, $0x27FFE  }
0x2e4: {  	p2 =	seq.s32 @!p1 s12, s8  }
0x2e5: {  	p1 =	por p1, p2  }
0x2e6: {  	p2 =	sne.s32 @!p1 s12, s7  }
0x2e7: {  	p1 =	por p1, !p2  }
0x2e8: {  	s0 =	sshll.u32 @p1 s11, $0x6  }
0x2e9: {  	s0 =	sand.u32 @!p1 $0x3FFF8, s12  }
0x2ea: {  	s1 =	sand.u32 @!p1 $0x7, s12;
	s0 =	sadd.s32 @!p1 s3, s0  }
0x2eb: {  	[tilespmem:s10], [sflag:$0x6] =	stream.linear.gather @!p1 [hbm4b:s0+s1], $0x10, $0x38;
	[tilespmem:$0x1F0F8] =	vst v63  }
0x2ec: {  	_ =	swait.ge @!p1 [sflag:s9], $0x10  }
0x2ed: {  	[sflag:s9] =	ssyncset.done @!p1 $0x0  }
0x2ee: {  	[sflag:s9] =	ssyncadd.s32 @!p1 $0xFFFFFFF0  }
0x2ef: {  	v1 =	vld @!p1 [tilespmem:$0x3638];
	_ =	sdelay $0x2  }
0x2f0: {  	s0 =	sshll.u32 @!p1 s11, $0x6  }
0x2f1: {  	s1 =	sshrl.u32 @!p1 s0, $0x2  }
0x2f2: {  	[tilespmem:s1+$0x3678] =	vst.add.f32.msk @!p1 $0xffff, v1  }
0x2f3: {  	s0 =	sshrl.u32 s0, $0x2;
	[tilespmem:s6+$0x3658] =	vst.msk $0x1, v0  }
0x2f4: {  	v0 =	vld [tilespmem:s0+$0x3678];
	_ =	sdelay $0x2  }
0x2f5: {  	s31 =	sshll.u32 s6, $0x6  }
0x2f6: {  	s0 =	sshra.s32 s31, $0x2  }
0x2f7: {  	s6 =	sadd.s32 $0x1, s6;
	[tilespmem:s0+$0x3678] =	vst v0  }
.LBB2_32:
0x2f8: {  	s11 =	sadd.s32 $0x1, s11  }
0x2f9: {  	p1 =	sne.s32 s11, $0x20  }
.Ltmp21:
0x2fa: {  	_ = 	snop;
	(pc) =	sbr.rel @!p1 .LBB2_33-.Ltmp21, $1  }
0x2fb: {  	_ =	sdelay $0x3  }
.LBB2_25:
0x2fc: {  	v0 =	vld.msk [tilespmem:s11+$0x3658], $0x1;
	_ =	sdelay $0x4  }
0x2fd: {  	(v2sf) =	vpush v0, $0x0;
	_ =	sdelay $0xe  }
0x2fe: {  	s12 =	spop (v2sf)  }
0x2ff: {  	p1 =	seq.s32 s12, $0xFFFFFFFF  }
.Ltmp22:
0x300: {  	_ = 	snop;
	(pc) =	sbr.rel @p1 .LBB2_32-.Ltmp22, $1  }
0x301: {  	_ =	sdelay $0x3  }
0x302: {  	p1 =	slt.s32 s6, $0x1  }
.Ltmp23:
0x303: {  	_ = 	snop;
	(pc) =	sbr.rel @p1 .LBB2_30-.Ltmp23, $1  }
0x304: {  	_ =	sdelay $0x3  }
0x305: {  	s13 =	simm.s32 $0x3658;
	p1 =	por $0x0, $0x0  }
0x306: {  	v1 =	vld.msk @!p1 [tilespmem:s13+$0x0], $0x1;
	_ =	sdelay $0x4  }
0x307: {  	(v2sf) =	vpush @!p1 v1, $0x0;
	_ =	sdelay $0xd  }
0x308: {  	p3 =	sne.s32 s6, $0x1  }
.Ltmp24:
0x309: {  	s0 =	spop @!p1 (v2sf);
	(pc) =	sbr.rel @!p3 .LBB2_29-.Ltmp24, $4  }
0x30a: {  	p2 =	seq.s32 @!p1 s12, s0  }
0x30b: {  	s14 =	simm.s32 $0x0;
	p2 =	por !p2, p1  }
0x30c: {  	s0 =	simm.s32 $0xFFFFFFFF;
	s14 =	simm.s32 @p2 $0xFFFFFFFF  }
0x30d: {  	s15 =	simm.s32 $0x1;
	s14 =	smov.u32 @p1 s0  }
.LBB2_28:
0x30e: {  	s0 =	smov.u32 s14;
	p1 =	sne.s32 s14, $0xFFFFFFFF  }
0x30f: {  	s13 =	sadd.s32 $0x1, s13;
	s14 =	smov.u32 s15;
	s15 =	sadd.s32 $0x1, s15  }
0x310: {  	p2 =	sne.s32 s6, s15;
	v1 =	vld.msk @!p1 [tilespmem:s13+$0x0], $0x1;
	_ =	sdelay $0x4  }
0x311: {  	(v2sf) =	vpush @!p1 v1, $0x0;
	_ =	sdelay $0xe  }
.Ltmp25:
0x312: {  	s1 =	spop @!p1 (v2sf);
	(pc) =	sbr.rel @p2 .LBB2_28-.Ltmp25, $4  }
0x313: {  	p3 =	seq.s32 @!p1 s12, s1  }
0x314: {  	p3 =	por !p3, p1  }
0x315: {  	s14 =	simm.s32 @p3 $0xFFFFFFFF  }
0x316: {  	s14 =	smov.u32 @p1 s0  }
.LBB2_29:
0x317: {  	p1 =	sne.s32 s14, $0xFFFFFFFF  }
.Ltmp26:
0x318: {  	_ = 	snop;
	(pc) =	sbr.rel @!p1 .LBB2_30-.Ltmp26, $1  }
0x319: {  	_ =	sdelay $0x3  }
0x31a: {  	s0 =	sshll.u32 s11, $0x4  }
0x31b: {  	s0 =	sand.u32 $0x3FFFFFF0, s0  }
0x31c: {  	v0 =	vld [tilespmem:s0+$0x3678]  }
.Ltmp27:
0x31d: {  	_ = 	snop;
	(pc) =	sbr.rel .LBB2_32-.Ltmp27, $4  }
0x31e: {  	_ = 	snop  }
0x31f: {  	s31 =	sshll.u32 s14, $0x6  }
0x320: {  	s0 =	sshra.s32 s31, $0x2  }
0x321: {  	[tilespmem:s0+$0x3678] =	vst.add.f32.msk $0xffff, v0  }
.LBB2_33:
0x322: {  	s0 =	simm.s32 $0x6;
	p1 =	seq.s32 s6, $0x0  }
0x323: {  	[sflag:s0] =	ssyncpa.u1 $0x1;
	v0 =	vimm.s32 @p1 $0xFFFFFFFF  }
0x324: {  	s9 =	sadd.s32 $0xFFFFFFFF, s6;
	[tilespmem:$0x3878] =	vst @p1 v0  }
0x325: {  	v0 =	vld.msk @!p1 [tilespmem:s9+$0x3658], $0x1;
	_ =	sdelay $0x1  }
0x326: {  	v1 =	vld.msk @!p1 [tilespmem:$0x3658], $0x1;
	_ =	sdelay $0x2  }
0x327: {  	p2 =	seq.s32 @!p1 s9, $0x0;
	v0 =	vbroadcast @!p1 v0, $0x0  }
0x328: {  	vm0 =	vmmov @!p1 $0x1;
	p2 =	por !p2, p1  }
0x329: {  	v1 =	vnsel @!p1 vm0, $0xFFFFFFFF, v1;
	vm0 =	vcmask @!p1 $0x308;
	v0 =	vpsel !p2, $0xFFFFFFFF, v0  }
0x32a: {  	p2 =	sne.s32 @!p1 s8, s7;
	v0 =	vsel @!p1 vm0, v1, v0  }
0x32b: {  	s0 =	simm.s32 @!p1 $0x3678;
	s1 =	simm.s32 @!p1 $0x0;
	p3 =	por !p2, p1;
	[tilespmem:$0x3878] =	vst @!p1 v0  }
0x32c: {  	[spmem:s1] =	stream.linear.scatter @!p1 [tilespmem:s0], [sflag:$0x1], $0x10, $0x38;
	[tilespmem:$0x1F0F8] =	vst v63  }
0x32d: {  	s0 =	sshll.u32 @!p3 s9, $0x6  }
0x32e: {  	s0 =	sshra.s32 @!p3 s0, $0x2  }
0x32f: {  	s1 =	simm.s32 @!p3 $0x10;
	s0 =	sadd.s32 @!p3 $0x3678, s0  }
0x330: {  	[spmem:s1] =	stream.linear.scatter @!p3 [tilespmem:s0], [sflag:$0x1], $0x10, $0x38;
	[tilespmem:$0x1F0F8] =	vst v63  }
0x331: {  	s0 =	simm.s32 @!p3 $0x1  }
0x332: {  	_ =	swait.ge @!p3 [sflag:s0], $0x20  }
0x333: {  	p1 =	por p2, p1;
	[sflag:s0] =	ssyncset.done @!p3 $0x0  }
0x334: {  	[sflag:s0] =	ssyncadd.s32 @!p3 $0xFFFFFFE0;
	s0 =	simm.s32 @!p1 $0x1  }
0x335: {  	_ =	swait.ge @!p1 [sflag:s0], $0x10  }
0x336: {  	s29 =	simm.s32 $0x3878;
	[sflag:s0] =	ssyncset.done @!p1 $0x0  }
0x337: {  	s30 =	simm.s32 $0x200;
	s31 =	simm.s32 $0x1;
	[sflag:s0] =	ssyncadd.s32 @!p1 $0xFFFFFFF0  }
0x338: {  	[spmem:s30] =	stream.linear.scatter [tilespmem:s29], [sflag:$0x1], $0x10, $0x38;
	[tilespmem:$0x1F0F8] =	vst v63  }
0x339: {  	_ =	swait.ge [sflag:s31], $0x10  }
0x33a: {  	[sflag:s31] =	ssyncset.done $0x0  }
0x33b: {  	p1 =	seq.s32 s17, $0x0;
	s8 =	rddreg [dreg:$0x1];
	[sflag:s31] =	ssyncadd.s32 $0xFFFFFFF0  }
0x33c: {  	s1 =	sshll.u32 @p1 s8, $0xE;
	s7 =	rddreg [dreg:$0x2]  }
0x33d: {  	s0 =	sadd.s32 @p1 $0x15C3C, s1;
	s1 =	sshll.u32 @p1 s7, $0x11  }
0x33e: {  	_ =	sfence.stream.spmem;
	s0 =	sor.u32 @p1 s1, s0  }
0x33f: {  	[sflag:s0] =	ssyncadd.remote.s32 @p1 $0x1;
	s0 =	simm.s32 @p1 $0x4  }
0x340: {  	s2 =	simm.s32 @!p1 $0x3C;
	s1 =	sand.u32 $0xFFFFFFFE, s8;
	_ =	swait.ge @p1 [sflag:s0], $0x6  }
0x341: {  	s4 =	simm.s32 @!p1 $0x0;
	s1 =	sadd.s32 @!p1 $0x4, s1;
	[sflag:s0] =	ssyncset.done @p1 $0x0  }
0x342: {  	s5 =	simm.s32 @!p1 $0x20;
	[sflag:s0] =	ssyncadd.s32 @p1 $0xFFFFFFFA;
	s0 =	sshll.u32 @!p1 s1, $0x1A  }
0x343: {  	s1 =	sshll.u32 @!p1 s1, $0xD;
	s0 =	sor.u32 @!p1 s0, s7;
	_ =	swait.eq @!p1 [sflag:s2], $0x1  }
0x344: {  	s1 =	sor.u32 @!p1 $0x1C04, s1;
	s2 =	simm.s32 @!p1 $0x1C03;
	s0 =	sor.u32 @!p1 $0x80004000, s0  }
0x345: {  	[spmem:s5], [sflag:s1] =	dma.general @!p1 [spmem:s4], [sflag:s2], length:$0x4, [dreg:$0x0], stride_count:$0x0, ici_dest:s0, dma_misc:DstOpCode:WRITE  }
0x346: {  	p2 =	slt.s32 s9, $0x2;
	s4 =	simm.s32 @!p1 $0x40;
	s5 =	simm.s32 @!p1 $0x42  }
0x347: {  	[spmem:s5], [sflag:s1] =	dma.general @!p1 [spmem:s4], [sflag:s2], length:$0x2, [dreg:$0x0], stride_count:$0x0, ici_dest:s0, dma_misc:DstOpCode:WRITE  }
.Ltmp28:
0x348: {  	s0 =	simm.s32 @!p1 $0x3;
	(pc) =	sbr.rel @p2 .LBB2_37-.Ltmp28, $4  }
0x349: {  	s1 =	sshll.u32 @!p1 s8, $0xE;
	_ =	swait.ge @!p1 [sflag:s0], $0x6  }
0x34a: {  	s2 =	sshll.u32 @!p1 s7, $0x11;
	s1 =	sadd.s32 @!p1 $0x11C3C, s1;
	[sflag:s0] =	ssyncset.done @!p1 $0x0  }
0x34b: {  	[sflag:s0] =	ssyncadd.s32 @!p1 $0xFFFFFFFA;
	s0 =	sor.u32 @!p1 s2, s1  }
0x34c: {  	[sflag:s0] =	ssyncadd.remote.s32 @!p1 $0xFFFFFFFF;
	s0 =	simm.s32 $0x0  }
0x34d: {  	s0 =	simm.s32 $0x3659  }
0x34e: {  	v0 =	vld.msk [tilespmem:s0+$0x0], $0x1;
	_ =	sdelay $0x4  }
0x34f: {  	(v2sf) =	vpush v0, $0x0;
	_ =	sdelay $0xd  }
0x350: {  	s2 =	sadd.s32 $0xFFFFFFFE, s6  }
0x351: {  	s2 =	sadd.s32 $0xFFFFFFFF, s2;
	s0 =	spop (v2sf)  }
0x352: {  	p2 =	sne.s32 s2, $0x0;
	p1 =	sgt.u32 s0, $0x27FFE  }
.Ltmp29:
0x353: {  	s4 =	sand.u32 @!p1 $0x3FFF8, s0;
	(pc) =	sbr.rel @!p2 .LBB2_36-.Ltmp29, $4  }
0x354: {  	s1 =	simm.s32 $0x3688;
	s0 =	sand.u32 @!p1 $0x7, s0;
	s4 =	sadd.s32 @!p1 s3, s4  }
0x355: {  	[hbm4b:s4+s0] =	stream.linear.scatter @!p1 [tilespmem:s1], [sflag:$0x5], $0x10, $0x38;
	[tilespmem:$0x1F0F8] =	vst v63  }
0x356: {  	s0 =	simm.s32 $0x0  }
0x357: {  	s6 =	simm.s32 $0x0;
	s7 =	simm.s32 $0x365A;
	s0 =	simm.s32 @!p1 $0x40  }
.LBB2_35:
0x358: {  	v0 =	vld.msk [tilespmem:s7+$0x0], $0x1;
	s2 =	sadd.s32 $0xFFFFFFFF, s2;
	s6 =	sadd.s32 s6, s0  }
0x359: {  	p1 =	sne.s32 s2, $0x0;
	_ =	sdelay $0x3  }
0x35a: {  	(v2sf) =	vpush v0, $0x0;
	_ =	sdelay $0xe  }
.Ltmp30:
0x35b: {  	s4 =	spop (v2sf);
	(pc) =	sbr.rel @p1 .LBB2_35-.Ltmp30, $4  }
0x35c: {  	s0 =	simm.s32 $0x0;
	p2 =	sgt.u32 s4, $0x27FFE  }
0x35d: {  	s1 =	sadd.s32 $0x10, s1;
	s0 =	simm.s32 @!p2 $0x40;
	s5 =	sand.u32 @!p2 $0x3FFF8, s4  }
0x35e: {  	s7 =	sadd.s32 $0x1, s7;
	s4 =	sand.u32 @!p2 $0x7, s4;
	s5 =	sadd.s32 @!p2 s3, s5  }
0x35f: {  	[hbm4b:s5+s4] =	stream.linear.scatter @!p2 [tilespmem:s1], [sflag:$0x5], $0x10, $0x38;
	[tilespmem:$0x1F0F8] =	vst v63  }
.LBB2_36:
0x360: {  	s0 =	sadd.s32 s6, s0  }
0x361: {  	s0 =	sshrl.u32 s0, $0x2  }
.LBB2_37:
0x362: {  	s1 =	simm.s32 $0x5  }
0x363: {  	_ =	swait.ge [sflag:s1], s0  }
0x364: {  	s31 =	ssub.s32 $0x0, s0;
	[sflag:s1] =	ssyncset.done $0x0  }
0x365: {  	[sflag:s1] =	ssyncadd.s32 s31  }
0x366: {  	[sflag:s1] =	ssyncpa.u1 $0x1  }
.LBB2_38:
0x367: {  	s0 =	sor.u32 s17, s16  }
0x368: {  	p1 =	sne.s32 s0, $0x0  }
.Ltmp31:
0x369: {  	_ = 	snop;
	(pc) =	sbr.rel @p1 .LBB2_53-.Ltmp31, $3  }
0x36a: {  	_ =	sdelay $0x1  }
0x36b: {  	[bflag:$0x0] =	sbarrier.arrive $0xFFFF  }
0x36c: {  	_ =	sfence  }
0x36d: {  	s0 =	simm.s32 $0x7  }
0x36e: {  	s1 =	simm.s32 $0x200;
	s2 =	simm.s32 $0x3658;
	[sflag:s0] =	ssyncpa.u1 $0x0  }
0x36f: {  	[tilespmem:s2], [sflag:$0x7] =	stream.linear.gather [spmem:s1], $0x20, $0x38;
	[tilespmem:$0x1F0F8] =	vst v63  }
0x370: {  	s30 =	simm.s32 $0x3678;
	s1 =	simm.s32 $0x0  }
0x371: {  	[tilespmem:s30], [sflag:$0x7] =	stream.linear.gather [spmem:s1], $0x200, $0x38;
	[tilespmem:$0x1F0F8] =	vst v63  }
.Ltmp32:
0x372: {  	_ = 	snop;
	(pc) =	sbr.rel .LBB2_40-.Ltmp32, $4  }
0x373: {  	_ =	swait.ge [sflag:s0], $0x220  }
0x374: {  	[sflag:s0] =	ssyncset.done $0x0  }
0x375: {  	s31 =	simm.s32 $0x8;
	[sflag:s0] =	ssyncadd.s32 $0xFFFFFDE0  }
0x376: {  	s2 =	simm.s32 $0x0;
	[sflag:s31] =	ssyncpa.u1 $0x0  }
.LBB2_45:
0x377: {  	p1 =	slt.u32 s4, $0x27FFF  }
0x378: {  	s0 =	sand.u32 @p1 $0x3FFF8, s4  }
0x379: {  	s4 =	sand.u32 @p1 $0x7, s4;
	s5 =	simm.s32 @p1 $0x3638;
	s0 =	sadd.s32 @p1 s3, s0  }
0x37a: {  	[tilespmem:s5], [sflag:$0x8] =	stream.linear.gather @p1 [hbm4b:s0+s4], $0x10, $0x38;
	[tilespmem:$0x1F0F8] =	vst v63  }
0x37b: {  	s0 =	simm.s32 @p1 $0x8  }
0x37c: {  	_ =	swait.ge @p1 [sflag:s0], $0x10  }
0x37d: {  	[sflag:s0] =	ssyncset.done @p1 $0x0  }
0x37e: {  	[sflag:s0] =	ssyncadd.s32 @p1 $0xFFFFFFF0  }
0x37f: {  	v1 =	vld @p1 [tilespmem:$0x3638];
	_ =	sdelay $0x2  }
0x380: {  	s0 =	sshll.u32 @p1 s2, $0x6  }
0x381: {  	s5 =	sshll.u32 @!p1 s2, $0x6;
	s4 =	sshrl.u32 @p1 s0, $0x2  }
0x382: {  	s5 =	smov.u32 @p1 s0;
	[tilespmem:s4+$0x3678] =	vst.add.f32.msk @p1 $0xffff, v1  }
0x383: {  	s0 =	sshrl.u32 s5, $0x2;
	[tilespmem:s1+$0x3658] =	vst.msk $0x1, v0  }
0x384: {  	v0 =	vld [tilespmem:s0+$0x3678];
	_ =	sdelay $0x2  }
0x385: {  	s31 =	sshll.u32 s1, $0x6  }
0x386: {  	s0 =	sshra.s32 s31, $0x2  }
0x387: {  	s1 =	sadd.s32 $0x1, s1;
	[tilespmem:s0+$0x3678] =	vst v0  }
.LBB2_47:
0x388: {  	s2 =	sadd.s32 $0x1, s2  }
0x389: {  	p1 =	sne.s32 s2, $0x20  }
.Ltmp33:
0x38a: {  	_ = 	snop;
	(pc) =	sbr.rel @!p1 .LBB2_48-.Ltmp33, $1  }
0x38b: {  	_ =	sdelay $0x3  }
.LBB2_40:
0x38c: {  	v0 =	vld.msk [tilespmem:s2+$0x3658], $0x1;
	_ =	sdelay $0x4  }
0x38d: {  	(v2sf) =	vpush v0, $0x0;
	_ =	sdelay $0xe  }
0x38e: {  	s4 =	spop (v2sf)  }
0x38f: {  	p1 =	seq.s32 s4, $0xFFFFFFFF  }
.Ltmp34:
0x390: {  	_ = 	snop;
	(pc) =	sbr.rel @p1 .LBB2_47-.Ltmp34, $1  }
0x391: {  	_ =	sdelay $0x3  }
0x392: {  	p1 =	slt.s32 s1, $0x1  }
.Ltmp35:
0x393: {  	_ = 	snop;
	(pc) =	sbr.rel @p1 .LBB2_45-.Ltmp35, $1  }
0x394: {  	_ =	sdelay $0x3  }
0x395: {  	s5 =	simm.s32 $0x3658;
	p1 =	por $0x0, $0x0  }
0x396: {  	v1 =	vld.msk @!p1 [tilespmem:s5+$0x0], $0x1;
	_ =	sdelay $0x4  }
0x397: {  	(v2sf) =	vpush @!p1 v1, $0x0;
	_ =	sdelay $0xd  }
0x398: {  	p3 =	sne.s32 s1, $0x1  }
.Ltmp36:
0x399: {  	s0 =	spop @!p1 (v2sf);
	(pc) =	sbr.rel @!p3 .LBB2_44-.Ltmp36, $4  }
0x39a: {  	p2 =	seq.s32 @!p1 s4, s0  }
0x39b: {  	s6 =	simm.s32 $0x0;
	p2 =	por !p2, p1  }
0x39c: {  	s0 =	simm.s32 $0xFFFFFFFF;
	s6 =	simm.s32 @p2 $0xFFFFFFFF  }
0x39d: {  	s7 =	simm.s32 $0x1;
	s6 =	smov.u32 @p1 s0  }
.LBB2_43:
0x39e: {  	s0 =	smov.u32 s6;
	p1 =	sne.s32 s6, $0xFFFFFFFF  }
0x39f: {  	s5 =	sadd.s32 $0x1, s5;
	s6 =	smov.u32 s7;
	s7 =	sadd.s32 $0x1, s7  }
0x3a0: {  	p2 =	sne.s32 s1, s7;
	v1 =	vld.msk @!p1 [tilespmem:s5+$0x0], $0x1;
	_ =	sdelay $0x4  }
0x3a1: {  	(v2sf) =	vpush @!p1 v1, $0x0;
	_ =	sdelay $0xe  }
.Ltmp37:
0x3a2: {  	s8 =	spop @!p1 (v2sf);
	(pc) =	sbr.rel @p2 .LBB2_43-.Ltmp37, $4  }
0x3a3: {  	p3 =	seq.s32 @!p1 s4, s8  }
0x3a4: {  	p3 =	por !p3, p1  }
0x3a5: {  	s6 =	simm.s32 @p3 $0xFFFFFFFF  }
0x3a6: {  	s6 =	smov.u32 @p1 s0  }
.LBB2_44:
0x3a7: {  	p1 =	sne.s32 s6, $0xFFFFFFFF  }
.Ltmp38:
0x3a8: {  	_ = 	snop;
	(pc) =	sbr.rel @!p1 .LBB2_45-.Ltmp38, $1  }
0x3a9: {  	_ =	sdelay $0x3  }
0x3aa: {  	s0 =	sshll.u32 s2, $0x4  }
0x3ab: {  	s0 =	sand.u32 $0x3FFFFFF0, s0  }
0x3ac: {  	v0 =	vld [tilespmem:s0+$0x3678]  }
.Ltmp39:
0x3ad: {  	_ = 	snop;
	(pc) =	sbr.rel .LBB2_47-.Ltmp39, $4  }
0x3ae: {  	_ = 	snop  }
0x3af: {  	s31 =	sshll.u32 s6, $0x6  }
0x3b0: {  	s0 =	sshra.s32 s31, $0x2  }
0x3b1: {  	[tilespmem:s0+$0x3678] =	vst.add.f32.msk $0xffff, v0  }
.LBB2_48:
0x3b2: {  	p1 =	slt.s32 s1, $0x1  }
.Ltmp40:
0x3b3: {  	_ = 	snop;
	(pc) =	sbr.rel @p1 .LBB2_52-.Ltmp40, $3  }
0x3b4: {  	_ =	sdelay $0x1  }
0x3b5: {  	s0 =	simm.s32 $0x8  }
0x3b6: {  	s2 =	simm.s32 $0x0;
	[sflag:s0] =	ssyncpa.u1 $0x1  }
0x3b7: {  	s0 =	simm.s32 $0x3658  }
0x3b8: {  	v0 =	vld.msk [tilespmem:s0+$0x0], $0x1;
	_ =	sdelay $0x4  }
0x3b9: {  	(v2sf) =	vpush v0, $0x0;
	_ =	sdelay $0xe  }
0x3ba: {  	s1 =	sadd.s32 $0xFFFFFFFF, s1;
	s0 =	spop (v2sf)  }
0x3bb: {  	p2 =	sne.s32 s1, $0x0;
	p1 =	sgt.u32 s0, $0x27FFE  }
.Ltmp41:
0x3bc: {  	s5 =	sand.u32 @!p1 $0x3FFF8, s0;
	(pc) =	sbr.rel @!p2 .LBB2_51-.Ltmp41, $4  }
0x3bd: {  	s4 =	simm.s32 $0x3678;
	s0 =	sand.u32 @!p1 $0x7, s0;
	s5 =	sadd.s32 @!p1 s3, s5  }
0x3be: {  	[hbm4b:s5+s0] =	stream.linear.scatter @!p1 [tilespmem:s4], [sflag:$0x7], $0x10, $0x38;
	[tilespmem:$0x1F0F8] =	vst v63  }
0x3bf: {  	s0 =	simm.s32 $0x0  }
0x3c0: {  	s5 =	simm.s32 $0x3659;
	s0 =	simm.s32 @!p1 $0x40  }
.LBB2_50:
0x3c1: {  	v0 =	vld.msk [tilespmem:s5+$0x0], $0x1;
	s1 =	sadd.s32 $0xFFFFFFFF, s1;
	s2 =	sadd.s32 s2, s0  }
0x3c2: {  	p1 =	sne.s32 s1, $0x0;
	_ =	sdelay $0x3  }
0x3c3: {  	(v2sf) =	vpush v0, $0x0;
	_ =	sdelay $0xe  }
.Ltmp42:
0x3c4: {  	s6 =	spop (v2sf);
	(pc) =	sbr.rel @p1 .LBB2_50-.Ltmp42, $4  }
0x3c5: {  	s0 =	simm.s32 $0x0;
	p2 =	sgt.u32 s6, $0x27FFE  }
0x3c6: {  	s4 =	sadd.s32 $0x10, s4;
	s0 =	simm.s32 @!p2 $0x40;
	s7 =	sand.u32 @!p2 $0x3FFF8, s6  }
0x3c7: {  	s5 =	sadd.s32 $0x1, s5;
	s6 =	sand.u32 @!p2 $0x7, s6;
	s7 =	sadd.s32 @!p2 s3, s7  }
0x3c8: {  	[hbm4b:s7+s6] =	stream.linear.scatter @!p2 [tilespmem:s4], [sflag:$0x7], $0x10, $0x38;
	[tilespmem:$0x1F0F8] =	vst v63  }
.LBB2_51:
0x3c9: {  	s0 =	sadd.s32 s2, s0  }
0x3ca: {  	s2 =	sshrl.u32 s0, $0x2  }
.LBB2_52:
0x3cb: {  	s0 =	simm.s32 $0x7  }
0x3cc: {  	_ =	swait.ge [sflag:s0], s2  }
0x3cd: {  	s1 =	ssub.s32 $0x0, s2;
	[sflag:s0] =	ssyncset.done $0x0  }
0x3ce: {  	[sflag:s0] =	ssyncadd.s32 s1  }
0x3cf: {  	[sflag:s0] =	ssyncpa.u1 $0x1  }
.LBB2_53:
0x3d0: {  	_ =	sfence;
	s0 =	simm.s32 $0x1  }
0x3d1: {  	[sflag:s0] =	ssyncpa.u1 $0x1  }
0x3d2: {  	_ =	strace $0x9000004A  }
0x3d3: {  	[bflag:$0x2] =	sbarrier.arrive $0xFFFF  }
0x3d4: {  	s0 =	rddreg [dreg:$0x3]  }
0x3d5: {  	s0 =	sadd.s32 @!p0 $0x100000, s0  }
0x3d6: {  	[sflag:s0] =	ssyncadd.tile.s32 @!p0 $0x1;
	_ =	shalt  }
.Lfunc_end2:
_tile_overlayer_lowered:
.L_overlay_start_2:
0x3d7: {  	(tag) =	ssettag $0x2  }
0x3d8: {  	s0 =	rddreg [dreg:$0x0];
	s2 =	stileid.u32  }
0x3d9: {  	s1 =	rddreg [dreg:$0x1];
	p0 =	sne.s32 s2, $0x0  }
0x3da: {  	s3 =	rddreg [dreg:$0x2];
	[bflag:$0x3] =	sbarrier.arrive $0xFFFF;
	s2 =	simm.s32 @!p0 $0x1C01  }
0x3db: {  	[timem:s3], [sflag:s2] =	dma.local @!p0 [hbm:s0], s1  }
0x3dc: {  	s0 =	simm.s32 @!p0 $0x1  }
0x3dd: {  	_ =	swait.ge @!p0 [sflag:s0], s1  }
0x3de: {  	s1 =	ssub.s32 @!p0 $0x0, s1;
	[sflag:s0] =	ssyncset.done @!p0 $0x0  }
0x3df: {  	[sflag:s0] =	ssyncadd.s32 @!p0 s1  }
0x3e0: {  	[bflag:$0x3] =	sbarrier.arrive $0xFFFF  }
0x3e1: {  	_ =	shalt  }

// kernel: scatter_offload_async_start
scs
__scs_entry_jumppad:
0x0: {  	(pc) =	sbr.rel $0x88, $3  }
0x1: {  	(tag) =	ssettag $0x0;
	lr =	simm.s32 $0x1  }
0x2: {  	[smem:$0x3F90] =	sst lr;
	_ =	strace $0xD0000000  }
0x3: {  	_ = 	snop  }
0x4: {  	_ = 	snop  }
0x5: {  	_ = 	snop  }
0x6: {  	_ = 	snop  }
0x7: {  	_ = 	snop  }
__scs_overlays_trampoline_lowered:
0x8: {  	[smem:$0x3F9F] =	sst s0  }
0x9: {  	[smem:$0x3FA0] =	sst s1  }
0xa: {  	[smem:$0x3FA1] =	sst s2  }
0xb: {  	[smem:$0x3FA2] =	sst s3  }
0xc: {  	[smem:$0x3FA3] =	sst s4  }
0xd: {  	[smem:$0x3FA4] =	sst s5  }
0xe: {  	[smem:$0x3FA5] =	sst s6  }
0xf: {  	[smem:$0x3FA6] =	sst s7  }
0x10: {  	[smem:$0x3FA7] =	sst s8  }
0x11: {  	[smem:$0x3FA8] =	sst s9;
	s0 =	simm.s32 @!p0 $0x0  }
0x12: {  	s1 =	sld [smem:$0x3F8E];
	s0 =	simm.s32 @p0 $0x1  }
0x13: {  	[smem:$0x3FA9] =	sst s0;
	s0 =	simm.s32 @!p1 $0x0  }
0x14: {  	s2 =	sld [smem:$0x3F8D];
	s0 =	simm.s32 @p1 $0x1  }
0x15: {  	[smem:$0x3FAA] =	sst s0;
	s0 =	simm.s32 @!p2 $0x0  }
0x16: {  	s3 =	sld [smem:$0x3FDB];
	s0 =	simm.s32 @p2 $0x1  }
0x17: {  	s4 =	simm.s32 $0x1BF5;
	[smem:$0x3FAC] =	sst s0  }
0x18: {  	s0 =	sld [smem:$0x3F8F];
	_ =	swait.ge [sflag:s4], $0x0  }
0x19: {  	s7 =	sld [smem:$0x3F90]  }
0x1a: {  	s8 =	sadd.s32 $0xFFFFE003, lr  }
0x1b: {  	s9 =	sadd.s32 $0xFFFFFEF7, lr;
	s5 =	simm.s32 $0xFFFFFFFF;
	p2 =	slt.u32 s8, $0xFFFFF086  }
0x1c: {  	p1 =	slt.u32 s9, $0xF7A;
	s5 =	simm.s32 @!p2 $0x0  }
0x1d: {  	s5 =	simm.s32 @p1 $0x1;
	p0 =	seq.s32 s7, s2  }
0x1e: {  	s7 =	smul.u32 @!p0 $0xF7A, s2;
	p2 =	seq.s32 @!p0 s5, $0x0  }
0x1f: {  	s9 =	smul.u32 $0xF7A, s1;
	s8 =	simm.s32 @!p0 $0x1BF5;
	p2 =	por !p2, p0  }
0x20: {  	[sflag:s8] =	ssyncset.s32 @!p0 $0xFFFFF086;
	s6 =	sadd.s32 @!p0 s3, s7;
	s7 =	simm.s32 @!p0 $0x108  }
0x21: {  	s3 =	sadd.s32 s3, s9;
	s6 =	sadd.s32 @!p0 $0x88, s6;
	s7 =	simm.s32 @p2 $0x1082  }
0x22: {  	[simem:s7], [sflag:s8] =	dma.local @!p0 [hbm:s6], $0xF7A  }
0x23: {  	s9 =	sor.u32 $0xD0000000, s2;
	s6 =	simm.s32 $0x108;
	_ =	swait.ge @!p0 [sflag:s8], $0x0  }
0x24: {  	s3 =	sadd.s32 $0x88, s3;
	s6 =	simm.s32 @!p1 $0x1082;
	[sflag:s4] =	ssyncset.s32 $0xFFFFF086  }
0x25: {  	[simem:s6], [sflag:s4] =	dma.local [hbm:s3], $0xF7A  }
0x26: {  	[smem:$0x3F90] =	sst s1;
	(tag) =	ssettag s2;
	_ =	strace s9  }
0x27: {  	s1 =	sld [smem:$0x3FA0]  }
0x28: {  	s2 =	sld [smem:$0x3FA1]  }
0x29: {  	s4 =	sld [smem:$0x3FA3]  }
0x2a: {  	p0 =	seq.s32 s5, $0x0;
	s5 =	sld [smem:$0x3FA4]  }
0x2b: {  	s6 =	sld [smem:$0x3FA5]  }
0x2c: {  	s7 =	sld [smem:$0x3FA6]  }
0x2d: {  	s3 =	simm.s32 $0x108;
	s8 =	sld [smem:$0x3FA7]  }
0x2e: {  	s3 =	simm.s32 @!p0 $0x1082;
	s9 =	sld [smem:$0x3FA8]  }
0x2f: {  	lr =	sadd.s32 s0, s3;
	s0 =	sld [smem:$0x3F9F]  }
0x30: {  	s3 =	sld [smem:$0x3FA2]  }
0x31: {  	[smem:$0x3FAB] =	sst s10  }
0x32: {  	s10 =	sld [smem:$0x3FA9];
	_ =	sdelay $0x3  }
0x33: {  	p0 =	seq.s32 s10, $0x1;
	s10 =	sld [smem:$0x3FAB];
	_ =	sdelay $0x3  }
0x34: {  	[smem:$0x3FAB] =	sst s10  }
0x35: {  	s10 =	sld [smem:$0x3FAA];
	_ =	sdelay $0x3  }
0x36: {  	p1 =	seq.s32 s10, $0x1;
	s10 =	sld [smem:$0x3FAB];
	_ =	sdelay $0x3  }
0x37: {  	[smem:$0x3FAB] =	sst s10  }
0x38: {  	s10 =	sld [smem:$0x3FAC]  }
0x39: {  	_ = 	snop;
	(pc) =	sbr.ind lr, $3  }
0x3a: {  	_ = 	snop  }
0x3b: {  	_ = 	snop  }
0x3c: {  	p2 =	seq.s32 s10, $0x1;
	s10 =	sld [smem:$0x3FAB]  }
0x3d: {  	_ =	shalt  }
0x3e: {  	_ =	shalt  }
0x3f: {  	_ =	shalt  }
0x40: {  	_ =	shalt  }
0x41: {  	_ =	shalt  }
0x42: {  	_ =	shalt  }
0x43: {  	_ =	shalt  }
0x44: {  	_ =	shalt  }
0x45: {  	_ =	shalt  }
0x46: {  	_ =	shalt  }
0x47: {  	_ =	shalt  }
0x48: {  	_ =	shalt  }
0x49: {  	_ =	shalt  }
0x4a: {  	_ =	shalt  }
0x4b: {  	_ =	shalt  }
0x4c: {  	_ =	shalt  }
0x4d: {  	_ =	shalt  }
0x4e: {  	_ =	shalt  }
0x4f: {  	_ =	shalt  }
0x50: {  	_ =	shalt  }
0x51: {  	_ =	shalt  }
0x52: {  	_ =	shalt  }
0x53: {  	_ =	shalt  }
0x54: {  	_ =	shalt  }
0x55: {  	_ =	shalt  }
0x56: {  	_ =	shalt  }
0x57: {  	_ =	shalt  }
0x58: {  	_ =	shalt  }
0x59: {  	_ =	shalt  }
0x5a: {  	_ =	shalt  }
0x5b: {  	_ =	shalt  }
0x5c: {  	_ =	shalt  }
0x5d: {  	_ =	shalt  }
0x5e: {  	_ =	shalt  }
0x5f: {  	_ =	shalt  }
0x60: {  	_ =	shalt  }
0x61: {  	_ =	shalt  }
0x62: {  	_ =	shalt  }
0x63: {  	_ =	shalt  }
0x64: {  	_ =	shalt  }
0x65: {  	_ =	shalt  }
0x66: {  	_ =	shalt  }
0x67: {  	_ =	shalt  }
0x68: {  	_ =	shalt  }
0x69: {  	_ =	shalt  }
0x6a: {  	_ =	shalt  }
0x6b: {  	_ =	shalt  }
0x6c: {  	_ =	shalt  }
0x6d: {  	_ =	shalt  }
0x6e: {  	_ =	shalt  }
0x6f: {  	_ =	shalt  }
0x70: {  	_ =	shalt  }
0x71: {  	_ =	shalt  }
0x72: {  	_ =	shalt  }
0x73: {  	_ =	shalt  }
0x74: {  	_ =	shalt  }
0x75: {  	_ =	shalt  }
0x76: {  	_ =	shalt  }
0x77: {  	_ =	shalt  }
0x78: {  	_ =	shalt  }
0x79: {  	_ =	shalt  }
0x7a: {  	_ =	shalt  }
0x7b: {  	_ =	shalt  }
0x7c: {  	_ =	shalt  }
0x7d: {  	_ =	shalt  }
0x7e: {  	_ =	shalt  }
0x7f: {  	_ =	shalt  }
0x80: {  	_ =	shalt  }
0x81: {  	_ =	shalt  }
0x82: {  	_ =	shalt  }
0x83: {  	_ =	shalt  }
0x84: {  	_ =	shalt  }
0x85: {  	_ =	shalt  }
0x86: {  	_ =	shalt  }
0x87: {  	_ =	shalt  }
.Lfunc_end0:
.L_simem_size_0:
called_computation_lowered:
.L_overlay_start_0:
0x88: {  	s2 =	sld [smem:$0x3FD9]  }
0x89: {  	s3 =	sld [smem:$0x3FFE];
	_ =	sdelay $0x1  }
0x8a: {  	s1 =	srdreg.scid  }
0x8b: {  	s0 =	sand.u32 $0x1, s1  }
0x8c: {  	s17 =	sshll.u32 s0, $0xA;
	s2 =	sadd.s32 s3, s2  }
0x8d: {  	s2 =	sadd.s32 s2, s17  }
0x8e: {  	[smem:$0x3FB7] =	sst s2  }
0x8f: {  	_ = 	snop  }
0x90: {  	(tm) =	ssettm $0x1  }
0x91: {  	s18 =	sld [smem:$0x3FFB];
	_ =	sdelay $0x3  }
0x92: {  	_ =	strace s18  }
0x93: {  	s2 =	sld [smem:$0x3FFC];
	_ =	sdelay $0x3  }
0x94: {  	_ =	strace s2  }
0x95: {  	s2 =	sld [smem:$0x3FFD];
	_ =	sdelay $0x3  }
0x96: {  	_ =	strace s2  }
0x97: {  	_ =	strace $0x8FFFFFFF  }
0x98: {  	s19 =	sld [smem:$0x3FDB];
	_ =	sdelay $0x1  }
0x99: {  	s20 =	simm.s32 $_scs_section_size  }
0x9a: {  	s4 =	simm.s32 $_size__tile_overlayer_lowered;
	s5 =	simm.s32 $_tile_overlayer_lowered  }
0x9b: {  	s6 =	simm.s32 $0x1BFF;
	s21 =	sshll.u32 s5, $0x1;
	s3 =	sadd.s32 s20, s19  }
0x9c: {  	s22 =	simm.s32 $0x0;
	s4 =	sshll.u32 s4, $0x1;
	s5 =	sadd.s32 s21, s3  }
0x9d: {  	[timem:s22], [sflag:s6] =	dma.local [hbm:s5], s4  }
0x9e: {  	_ =	swait.ge [sflag:s6], s4  }
0x9f: {  	s4 =	ssub.s32 $0x0, s4;
	[sflag:s6] =	ssyncset.done $0x0  }
0xa0: {  	[sflag:s6] =	ssyncadd.s32 s4;
	_ =	sdelay $0x1  }
0xa1: {  	s23 =	simm.s32 $0x1B8B  }
0xa2: {  	_ =	swait.ge [sflag:s23], $0x1  }
0xa3: {  	[sflag:s23] =	ssyncset.done $0x0  }
0xa4: {  	[sflag:s23] =	ssyncadd.s32 $0xFFFFFFFF  }
0xa5: {  	s4 =	sld [smem:$0x0]  }
0xa6: {  	s5 =	sand.u32 $0xFFFFFFFE, s1  }
0xa7: {  	p0 =	sne.s32 s1, s5  }
0xa8: {  	s5 =	sshll.u32 @p0 s5, $0xE  }
0xa9: {  	s5 =	sadd.s32 @p0 $0x11B8D, s5;
	s6 =	sshll.u32 @p0 s4, $0x11  }
0xaa: {  	s5 =	sor.u32 @p0 s6, s5  }
0xab: {  	[sflag:s5] =	ssyncadd.remote.s32 @p0 $0x1;
	_ =	sdelay $0x1  }
0xac: {  	s5 =	simm.s32 @p0 $0x1B8D  }
0xad: {  	_ =	swait.eq @p0 [sflag:s5], $0x1  }
0xae: {  	[sflag:s5] =	ssyncadd.s32 @p0 $0xFFFFFFFF  }
0xaf: {  	s6 =	sshll.u32 @!p0 s1, $0xE  }
0xb0: {  	s6 =	sor.u32 @!p0 $0x4000, s6;
	s5 =	simm.s32 @!p0 $0x1B8D  }
0xb1: {  	s7 =	sshll.u32 @!p0 s4, $0x11;
	s6 =	sadd.s32 @!p0 $0x11B8D, s6;
	_ =	swait.eq @!p0 [sflag:s5], $0x1  }
0xb2: {  	[sflag:s5] =	ssyncadd.s32 @!p0 $0xFFFFFFFF;
	s5 =	sor.u32 @!p0 s7, s6  }
0xb3: {  	s25 =	simm.s32 $0x1B8E;
	s24 =	sld [smem:$0x3FFE];
	[sflag:s5] =	ssyncadd.remote.s32 @!p0 $0x1  }
0xb4: {  	s26 =	simm.s32 $execute0_lowered;
	[smem:$0x3FD2] =	sst s25  }
0xb5: {  	s6 =	sshll.u32 s26, $0x1;
	_ =	strace $0x8000004C;
	[dreg:$0x1] =	wrdreg $0xFFFFFFFF  }
0xb6: {  	s28 =	simm.s32 $_size_execute0_lowered;
	s3 =	sadd.s32 s3, s6;
	[dreg:$0x0] =	wrdreg $0x0  }
0xb7: {  	s6 =	sshll.u32 s28, $0x1;
	[dreg:$0x2] =	wrdreg s3  }
0xb8: {  	[dreg:$0x3] =	wrdreg s6  }
0xb9: {  	[dreg:$0x4] =	wrdreg $0xC0  }
0xba: {  	_ =	task [dreg:s22], $0x5FFFF  }
0xbb: {  	[dreg:$0x1] =	wrdreg $0xFFFFFFFF  }
0xbc: {  	[dreg:$0x0] =	wrdreg $0x60  }
0xbd: {  	[dreg:$0x2] =	wrdreg s24  }
0xbe: {  	[dreg:$0x3] =	wrdreg s1  }
0xbf: {  	[dreg:$0x4] =	wrdreg s4  }
0xc0: {  	[dreg:$0x5] =	wrdreg $0xA  }
0xc1: {  	_ =	task.clear_ibuf [dreg:s22], $0x6FFFF;
	_ =	strace $0x9000004C  }
0xc2: {  	s29 =	simm.s32 $0xA;
	_ =	strace $0x8000004E  }
0xc3: {  	_ =	swait.ge [sflag:s29], $0x1  }
0xc4: {  	[sflag:s29] =	ssyncadd.s32 $0xFFFFFFFF  }
0xc5: {  	_ =	strace $0x9000004E  }
0xc6: {  	_ =	sfence  }
0xc7: {  	s30 =	sld [smem:$0x0];
	_ =	sdelay $0x2  }
0xc8: {  	s31 =	sshll.u32 s1, $0xD;
	s1 =	sshrl.u32 s1, $0x2  }
0xc9: {  	s4 =	sand.u32 $0x4000, s31;
	s1 =	sadd.s32 s1, s30  }
0xca: {  	s0 =	sor.u32 s4, s0;
	s1 =	sshll.u32 s1, $0x11  }
0xcb: {  	s0 =	sor.u32 s1, s0  }
0xcc: {  	s0 =	sadd.s32 $0x8F2B, s0  }
0xcd: {  	[sflag:s0] =	ssyncadd.remote.s32 $0x1  }
0xce: {  	_ =	sfence.sel $0xFFFF  }
0xcf: {  	[dreg:$0x0] =	wrdreg $0xFFFFFFFF;
	(pc) =	sbr.abs _section_cstart, $3  }
0xd0: {  	[dreg:$0x1] =	wrdreg $0xFFFFFFFF  }
0xd1: {  	_ =	task.clear_ibuf [dreg:s22], $0x2FFFF;
	_ =	strace $0x9FFFFFFF  }
0xd2: {  	(tm) =	ssettm $0x7FFFFFFF  }
0xd3: {  	_ =	shalt  }
tec
execute0_lowered:
.L_overlay_start_1:
0x0: {  	(tag) =	ssettag $0x1  }
0x1: {  	s2 =	rddreg [dreg:$0x0]  }
0x2: {  	s3 =	rddreg [dreg:$0x1];
	_ =	strace $0x8000004D;
	s0 =	simm.s32 $0x1  }
0x3: {  	v0 =	vimm.s32 $0x0;
	[sflag:s0] =	ssyncpa.u1 $0x0;
	s0 =	simm.s32 $0x108  }
0x4: {  	[tilespmem:s0+$0x70] =	vst v0  }
0x5: {  	[tilespmem:s0+$0x60] =	vst v0  }
0x6: {  	[tilespmem:s0+$0x50] =	vst v0  }
0x7: {  	[tilespmem:s0+$0x40] =	vst v0  }
0x8: {  	s1 =	sadd.s32 $0x4F7400, s2;
	[tilespmem:s0+$0x30] =	vst v0  }
0x9: {  	s15 =	sadd.s32 $0xEE2600, s2;
	s6 =	sadd.s32 $0xA00600, s2;
	[tilespmem:s0+$0x20] =	vst v0  }
0xa: {  	s14 =	sadd.s32 $0xEEC400, s2;
	s5 =	sand.u32 $0x1, s3;
	s3 =	simm.s32 $0x40;
	[tilespmem:s0+$0x10] =	vst v0  }
.LBB2_1:
0xb: {  	s3 =	sadd.s32 $0x40, s3;
	[tilespmem:s0+$0x0] =	vst v0;
	s0 =	sadd.s32 $0x80, s0  }
0xc: {  	p0 =	slt.u32 s3, $0x3C40;
	[tilespmem:s0+$0x70] =	vst v0  }
0xd: {  	[tilespmem:s0+$0x60] =	vst v0  }
.Ltmp0:
0xe: {  	[tilespmem:s0+$0x50] =	vst v0;
	(pc) =	sbr.rel @p0 .LBB2_1-.Ltmp0, $4  }
0xf: {  	[tilespmem:s0+$0x40] =	vst v0  }
0x10: {  	[tilespmem:s0+$0x30] =	vst v0  }
0x11: {  	[tilespmem:s0+$0x20] =	vst v0  }
0x12: {  	[tilespmem:s0+$0x10] =	vst v0  }
0x13: {  	s9 =	stileid.u32  }
0x14: {  	s2 =	smul.u32 $0x29, s9  }
0x15: {  	s3 =	smin.u32 s9, $0xB  }
0x16: {  	s2 =	sadd.s32 s3, s2  }
0x17: {  	p0 =	slt.u32 s9, $0xB;
	s7 =	smul.u32 $0xF0, s2;
	s2 =	simm.s32 $0x2760  }
0x18: {  	s2 =	simm.s32 @!p0 $0x2670  }
0x19: {  	s2 =	sadd.s32 s2, s7  }
0x1a: {  	s8 =	smin.u32 s2, $0x27100  }
0x1b: {  	s2 =	ssub.s32 s8, s7  }
0x1c: {  	p0 =	sgt.s32 s2, $0x0  }
0x1d: {  	s29 =	simm.s32 $0x2;
	s10 =	simm.s32 $0x9;
	s2 =	simm.s32 @!p0 $0x0  }
0x1e: {  	s4 =	simm.s32 $0xA;
	s11 =	simm.s32 $0xB;
	s28 =	smulhi.u32 $0x88888889, s2  }
0x1f: {  	[dreg:$0x4] =	wrdreg s5;
	s31 =	smul.u32 $0x4E20, s5;
	s12 =	simm.s32 $0x1  }
0x20: {  	s22 =	simm.s32 $0x0;
	s18 =	simm.s32 $0xC;
	s30 =	sshrl.u32 s28, $0x7  }
0x21: {  	s20 =	simm.s32 $0x0;
	s21 =	simm.s32 $0x0;
	s3 =	smul.u32 $0xF0, s30  }
.Ltmp1:
0x22: {  	[tilespmem:s0+$0x0] =	vst v0;
	v0 =	vimm.s32 $0xFFFFFFFF;
	[sflag:s29] =	ssyncpa.u1 $0x0;
	s16 =	sshll.u32 s9, $0x8;
	(pc) =	sbr.rel .LBB2_3-.Ltmp1, $4  }
0x23: {  	[tilespmem:$0xF208] =	vst v0;
	[sflag:s10] =	ssyncpa.u1 $0x0;
	p0 =	sne.s32 s2, s3;
	s2 =	simm.s32 $0x1  }
0x24: {  	s14 =	sadd.s32 s31, s14;
	[sflag:s4] =	ssyncpa.u1 $0x0;
	s2 =	simm.s32 @!p0 $0x0  }
0x25: {  	s15 =	sadd.s32 s31, s15;
	[sflag:s11] =	ssyncpa.u1 $0x0;
	s13 =	sadd.s32 s2, s30  }
0x26: {  	v0 =	vlaneseq.u32;
	s19 =	smov.u32 s7;
	p0 =	por $0x0, $0x0;
	s17 =	sadd.s32 $0x1, s13  }
.LBB2_18:
0x27: {  	s0 =	sshrl.u32 s31, $0x2  }
.LBB2_20:
0x28: {  	_ =	swait.ge [sflag:s18], s0  }
0x29: {  	s31 =	ssub.s32 $0x0, s0;
	v1 =	vmov s24;
	vm0 =	veq.s32 v0, $0x0;
	[sflag:s18] =	ssyncset.done $0x0  }
0x2a: {  	vm15 =	veq.s32 v0, $0x2;
	v1 =	vsel vm0, s30, v1;
	[sflag:s18] =	ssyncadd.s32 s31  }
0x2b: {  	v1 =	vsel vm15, s22, v1;
	[sflag:s18] =	ssyncpa.u1 $0x1  }
0x2c: {  	[tilespmem:$0xF208] =	vst v1  }
.LBB2_21:
0x2d: {  	s0 =	sadd.s32 $0xF0, s19  }
0x2e: {  	s2 =	smov.u32 s7;
	p1 =	slt.s32 s0, s8  }
0x2f: {  	s2 =	smov.u32 @p1 s0;
	p1 =	sne.s32 s21, s17  }
.Ltmp2:
0x30: {  	_ = 	snop;
	(pc) =	sbr.rel @!p1 .LBB2_22-.Ltmp2, $3  }
0x31: {  	_ =	sdelay $0x1  }
0x32: {  	s22 =	smov.u32 s20;
	s31 =	sadd.s32 $0x1, s21;
	s20 =	smov.u32 s19  }
0x33: {  	p0 =	por !p0, !p0;
	s21 =	smov.u32 s31;
	s19 =	smov.u32 s2  }
.LBB2_3:
0x34: {  	p1 =	sge.u32 s21, s13  }
0x35: {  	s0 =	smulhi.u32 @!p1 $0xAAAAAAAB, s21  }
0x36: {  	s2 =	smov.u32 s19;
	p2 =	sgt.s32 @!p1 s19, $0x27010  }
0x37: {  	s3 =	sshra.s32 @!p1 s19, $0x1F;
	p2 =	por !p2, p1;
	s0 =	sshrl.u32 @!p1 s0, $0x1  }
0x38: {  	s3 =	sand.u32 @!p1 s3, s19;
	s2 =	simm.s32 @p2 $0x27010;
	s0 =	smul.u32 @!p1 $0x3, s0  }
0x39: {  	s2 =	ssub.s32 @!p1 s2, s3  }
0x3a: {  	s2 =	sadd.s32 @!p1 $0xFFFD8FF0, s2;
	s0 =	ssub.s32 @!p1 s21, s0  }
0x3b: {  	s3 =	sshll.u32 @!p1 s2, $0x2;
	p2 =	sgt.s32 @!p1 s2, $0xEF;
	s0 =	smul.u32 @!p1 $0x3C0, s0  }
0x3c: {  	s4 =	sand.u32 @!p1 $0x7, s19;
	s2 =	ssub.s32 @!p1 $0x3C0, s3;
	p2 =	por !p2, p1  }
0x3d: {  	s3 =	sshrl.u32 @!p1 s19, $0x3;
	s2 =	sshrl.u32 @!p1 s2, $0x2;
	s0 =	sshrl.u32 @!p1 s0, $0x2  }
0x3e: {  	s3 =	sadd.s32 @!p1 s3, s14;
	s2 =	simm.s32 @!p2 $0x0;
	s0 =	sadd.s32 @!p1 $0x10248, s0  }
0x3f: {  	[tilespmem:s0], [sflag:$0xA] =	stream.linear.gather @!p1 [hbm4b:s3+s4], s2, $0x38;
	[tilespmem:$0x1F6F8] =	vst v63  }
0x40: {  	s0 =	sadd.s32 $0xFFFFFFFF, s21  }
0x41: {  	p1 =	sge.u32 s0, s13  }
0x42: {  	p2 =	sgt.s32 @!p1 s20, $0x27010  }
0x43: {  	s2 =	smov.u32 s20;
	s3 =	sshra.s32 @!p1 s20, $0x1F;
	p2 =	por !p2, p1  }
0x44: {  	s3 =	sand.u32 @!p1 s3, s20;
	s2 =	simm.s32 @p2 $0x27010  }
0x45: {  	s2 =	ssub.s32 @!p1 s2, s3  }
0x46: {  	s2 =	sadd.s32 @!p1 $0xFFFD8FF0, s2  }
0x47: {  	s4 =	sand.u32 @!p1 $0x1, s0;
	s3 =	sshll.u32 @!p1 s2, $0x2  }
0x48: {  	p2 =	sgt.s32 @!p1 s2, $0xEF;
	s2 =	ssub.s32 @!p1 $0x3C0, s3;
	s3 =	smulhi.u32 @!p1 $0xAAAAAAAB, s0  }
0x49: {  	s23 =	smul.u32 @!p1 $0x3C0, s4;
	p2 =	por !p2, p1;
	s2 =	sshrl.u32 @!p1 s2, $0x2  }
0x4a: {  	s5 =	simm.s32 @!p1 $0xA;
	s2 =	simm.s32 @!p2 $0x0;
	s3 =	sshrl.u32 @!p1 s3, $0x1  }
0x4b: {  	s23 =	sshrl.u32 @!p1 s23, $0x2;
	_ =	swait.ge @!p1 [sflag:s5], s2;
	s3 =	smul.u32 @!p1 $0x3, s3  }
0x4c: {  	s23 =	sadd.s32 @!p1 $0x10518, s23;
	s24 =	ssub.s32 @!p1 $0x0, s2;
	[sflag:s5] =	ssyncset.done @!p1 $0x0  }
0x4d: {  	[sflag:s5] =	ssyncadd.s32 @!p1 s24;
	s5 =	sshrl.u32 @!p1 s20, $0x3;
	s0 =	ssub.s32 @!p1 s0, s3  }
0x4e: {  	s24 =	sand.u32 @!p1 $0x7, s20;
	s5 =	sadd.s32 @!p1 s5, s15;
	s0 =	smul.u32 @!p1 $0x3C0, s0  }
0x4f: {  	[tilespmem:s23], [sflag:$0xB] =	stream.linear.gather @!p1 [hbm4b:s5+s24], s2, $0x38;
	[tilespmem:$0x1F6F8] =	vst v63  }
0x50: {  	s3 =	ssub.s32 @!p1 $0x27100, s20;
	s2 =	smul.u32 @!p1 $0x1E000, s4  }
0x51: {  	p2 =	slt.s32 @!p1 s3, $0xF0  }
0x52: {  	p2 =	por !p2, p1;
	s0 =	sshrl.u32 @!p1 s0, $0x2;
	s2 =	sshrl.u32 @!p1 s2, $0x2  }
0x53: {  	s3 =	simm.s32 @p2 $0xF0;
	s0 =	sadd.s32 @!p1 $0x10248, s0;
	s2 =	sor.u32 @!p1 $0x106F8, s2  }
0x54: {  	[tilespmem:s2], [sflag:$0x9] =	stream.indirect.gather @!p1 [hbm4b:s6+s3], $0x80, s0, s3, $0xb8;
	[tilespmem:$0x1F6F8] =	vst v63  }
0x55: {  	p1 =	slt.u32 s21, $0x2  }
.Ltmp3:
0x56: {  	_ = 	snop;
	(pc) =	sbr.rel @p1 .LBB2_21-.Ltmp3, $1  }
0x57: {  	_ =	sdelay $0x3  }
0x58: {  	p1 =	sgt.s32 s22, $0x27010  }
0x59: {  	s0 =	smov.u32 s22;
	s2 =	sshra.s32 s22, $0x1F;
	s3 =	ssub.s32 $0x27100, s22  }
0x5a: {  	s0 =	simm.s32 @!p1 $0x27010;
	s2 =	sand.u32 s2, s22;
	p1 =	slt.s32 s3, $0xF0  }
0x5b: {  	s0 =	ssub.s32 s0, s2;
	s3 =	simm.s32 @!p1 $0xF0  }
0x5c: {  	s0 =	sadd.s32 $0xFFFD8FF0, s0;
	s25 =	sshll.u32 s3, $0x7  }
0x5d: {  	s26 =	sshll.u32 s0, $0x2;
	s2 =	sand.u32 $0x3FFFFF80, s25  }
0x5e: {  	p1 =	sgt.s32 s0, $0xEF;
	s29 =	ssub.s32 $0x3C0, s26;
	_ =	swait.ge [sflag:s10], s2  }
0x5f: {  	s2 =	ssub.s32 $0x0, s2;
	[sflag:s10] =	ssyncset.done $0x0;
	s0 =	sshrl.u32 s29, $0x2  }
0x60: {  	[sflag:s10] =	ssyncadd.s32 s2;
	s0 =	simm.s32 @p1 $0x0  }
0x61: {  	_ =	swait.ge [sflag:s11], s0  }
0x62: {  	s0 =	ssub.s32 $0x0, s0;
	[sflag:s11] =	ssyncset.done $0x0  }
0x63: {  	[sflag:s11] =	ssyncadd.s32 s0  }
0x64: {  	v1 =	vld [tilespmem:$0xF208];
	_ =	sdelay $0x4  }
0x65: {  	(v2sf) =	vpush v1, $0x0  }
0x66: {  	(v2sf) =	vpush v1, $0x1  }
0x67: {  	(v2sf) =	vpush v1, $0x2;
	_ =	sdelay $0x3  }
0x68: {  	s0 =	sadd.s32 $0xF0, s22  }
0x69: {  	s2 =	ssub.s32 $0x4E200, s22;
	p1 =	slt.s32 s8, s0  }
0x6a: {  	s0 =	smov.u32 @p1 s8;
	p1 =	sgt.s32 s2, $0x0  }
0x6b: {  	s26 =	ssub.s32 s0, s22;
	s2 =	simm.s32 @!p1 $0x0  }
0x6c: {  	p1 =	slt.s32 s2, s26  }
0x6d: {  	s26 =	smov.u32 @p1 s2  }
0x6e: {  	s25 =	simm.s32 $0x1;
	p1 =	slt.s32 s26, $0x1  }
.Ltmp4:
0x6f: {  	s25 =	simm.s32 @!p0 $0x0;
	(pc) =	sbr.rel @p1 .LBB2_8-.Ltmp4, $4  }
0x70: {  	s31 =	smul.u32 $0x3C0, s25  }
0x71: {  	s28 =	spop (v2sf)  }
0x72: {  	s0 =	sshrl.u32 s31, $0x2;
	s30 =	spop (v2sf)  }
0x73: {  	s23 =	sadd.s32 $0x10518, s0;
	s22 =	spop (v2sf)  }
0x74: {  	s0 =	smin.u32 s26, $0x10  }
0x75: {  	v1 =	vmov s0  }
0x76: {  	p2 =	sgt.s32 s26, $0x10;
	vm1 =	vgt.u32 v1, v0  }
.Ltmp5:
0x77: {  	_ = 	snop;
	(pc) =	sbr.rel @!p2 .LBB2_7-.Ltmp5, $2  }
0x78: {  	_ =	sdelay $0x2  }
0x79: {  	s4 =	simm.s32 $0x10;
	s24 =	sadd.s32 $0xFFFFFFF0, s26;
	s0 =	smov.u32 s23;
	vm0 =	vmmov vm1  }
.LBB2_6:
0x7a: {  	s2 =	smin.u32 s24, $0x10;
	s4 =	sadd.s32 $0x10, s4;
	v1 =	vld.msk [tilespmem:s0+$0x0 ss:$0x1], vm1  }
0x7b: {  	v2 =	vmov s2;
	p2 =	slt.s32 s4, s26  }
0x7c: {  	vm1 =	vgt.u32 v2, v0  }
.Ltmp6:
0x7d: {  	(pc) =	sbr.rel @p2 .LBB2_6-.Ltmp6, $3  }
0x7e: {  	_ =	sdelay $0x1  }
0x7f: {  	v1 =	vshll.u32 v1, $0x4  }
0x80: {  	s24 =	sadd.s32 $0xFFFFFFF0, s24;
	[tilespmem:s0+$0x0] =	vst.msk vm0, v1;
	s0 =	sadd.s32 $0x10, s0;
	vm0 =	vmmov vm1  }
.LBB2_7:
0x81: {  	_ =	sdelay $0x4  }
0x82: {  	v1 =	vld.msk [tilespmem:s0+$0x0 ss:$0x1], vm1;
	_ =	sdelay $0x4  }
0x83: {  	v1 =	vshll.u32 v1, $0x4  }
0x84: {  	[tilespmem:s0+$0x0] =	vst.msk vm0, v1  }
.LBB2_8:
0x85: {  	s0 =	sand.u32 $0x1, s21  }
0x86: {  	s0 =	smul.u32 $0xF0, s0  }
0x87: {  	p2 =	sne.s32 s30, $0xFFFFFFFF  }
0x88: {  	v1 =	vld.msk @!p2 [tilespmem:s0+$0x10518], $0x1;
	_ =	sdelay $0x4  }
0x89: {  	(v2sf) =	vpush @!p2 v1, $0x0;
	_ =	sdelay $0xc  }
.Ltmp7:
0x8a: {  	_ = 	snop;
	(pc) =	sbr.rel @p1 .LBB2_19-.Ltmp7, $4  }
0x8b: {  	_ = 	snop  }
0x8c: {  	s29 =	spop @!p2 (v2sf)  }
0x8d: {  	s22 =	simm.s32 @!p2 $0x0;
	s24 =	smov.u32 s29  }
0x8e: {  	[sflag:s18] =	ssyncpa.u1 $0x0;
	s29 =	smov.u32 @p2 s28;
	s24 =	smov.u32 @p2 s30  }
0x8f: {  	v1 =	vld.msk [tilespmem:s23+$0x0], $0x1;
	_ =	sdelay $0x4  }
0x90: {  	(v2sf) =	vpush v1, $0x0;
	_ =	sdelay $0xe  }
0x91: {  	s2 =	smul.u32 $0x1E000, s25;
	s0 =	spop (v2sf)  }
0x92: {  	s26 =	ssub.s32 $0x0, s26;
	p1 =	seq.s32 s29, s0  }
0x93: {  	s30 =	sadd.s32 $0x1, s26;
	s2 =	sshrl.u32 s2, $0x2;
	p2 =	sgt.s32 @!p1 s29, $0x0  }
0x94: {  	s25 =	sor.u32 $0x10738, s2;
	s2 =	smov.u32 s29;
	p2 =	por !p2, p1  }
0x95: {  	s2 =	simm.s32 @p2 $0x0;
	p2 =	seq.s32 s30, $0x0  }
.Ltmp8:
0x96: {  	_ = 	snop;
	(pc) =	sbr.rel @p2 .LBB2_11-.Ltmp8, $4  }
0x97: {  	_ = 	snop  }
0x98: {  	s28 =	simm.s32 $0x0;
	s31 =	sadd.s32 $0x1, s23;
	s2 =	smin.u32 @!p1 s2, $0x27FF0  }
0x99: {  	s4 =	simm.s32 @!p1 $0x1;
	s5 =	simm.s32 @!p1 $0x7988;
	s3 =	sand.u32 @!p1 $0x3FFF8, s2  }
0x9a: {  	s4 =	smov.u32 @p1 s28;
	s2 =	sand.u32 @!p1 $0x7, s2;
	s3 =	sadd.s32 @!p1 s1, s3  }
.LBB2_10:
0x9b: {  	s9 =	smov.u32 s4  }
0x9c: {  	[tilespmem:s5], [sflag:$0x2] =	stream.linear.gather @!p1 [hbm4b:s3+s2], $0x80, $0x38;
	[tilespmem:$0x1F6F8] =	vst v63  }
0x9d: {  	s30 =	sadd.s32 $0x1, s30;
	s2 =	smov.u32 s0;
	v1 =	vld.msk [tilespmem:s31+$0x0], $0x1  }
0x9e: {  	p2 =	seq.s32 s30, $0x0;
	_ =	sdelay $0x3  }
0x9f: {  	(v2sf) =	vpush v1, $0x0;
	_ =	sdelay $0xe  }
0xa0: {  	s0 =	spop (v2sf)  }
0xa1: {  	p1 =	seq.s32 s2, s0  }
0xa2: {  	p3 =	sgt.s32 @!p1 s2, $0x0;
	s3 =	sshll.u32 @!p1 s4, $0x9;
	s4 =	sadd.s32 @!p1 $0x1, s4  }
.Ltmp9:
0xa3: {  	p3 =	por !p3, p1;
	s3 =	sshra.s32 @!p1 s3, $0x2;
	(pc) =	sbr.rel @!p2 .LBB2_10-.Ltmp9, $4  }
0xa4: {  	s4 =	smov.u32 @p1 s9;
	s2 =	simm.s32 @p3 $0x0;
	s5 =	sadd.s32 @!p1 $0x7988, s3  }
0xa5: {  	s2 =	smin.u32 @!p1 s2, $0x27FF0  }
0xa6: {  	s3 =	sand.u32 @!p1 $0x3FFF8, s2;
	s2 =	sand.u32 @!p1 $0x7, s2  }
0xa7: {  	s31 =	sadd.s32 $0x1, s31;
	s3 =	sadd.s32 @!p1 s1, s3  }
.LBB2_11:
0xa8: {  	[tilespmem:s5], [sflag:$0x2] =	stream.linear.gather @!p1 [hbm4b:s3+s2], $0x80, $0x38;
	[tilespmem:$0x1F6F8] =	vst v63  }
.Ltmp10:
0xa9: {  	s0 =	sshll.u32 s4, $0x7;
	(pc) =	sbr.rel .LBB2_12-.Ltmp10, $4  }
0xaa: {  	s30 =	simm.s32 $0x2;
	s0 =	sand.u32 $0x3FFFFF80, s0  }
0xab: {  	_ =	swait.ge [sflag:s30], s0  }
0xac: {  	s0 =	ssub.s32 $0x0, s0;
	[sflag:s30] =	ssyncset.done $0x0  }
0xad: {  	s31 =	simm.s32 $0x0;
	[sflag:s30] =	ssyncadd.s32 s0  }
.LBB2_13:
0xae: {  	v1 =	vld [tilespmem:s25+$0xFFFFFFC0];
	_ =	sdelay $0x3  }
0xaf: {  	s0 =	sshra.s32 s0, $0x2  }
0xb0: {  	[tilespmem:s0+$0x108] =	vst.add.f32.msk $0xffff, v1  }
0xb1: {  	v1 =	vld [tilespmem:s25+$0xFFFFFFD0];
	_ =	sdelay $0x4  }
0xb2: {  	[tilespmem:s0+$0x118] =	vst.add.f32.msk $0xffff, v1  }
0xb3: {  	v1 =	vld [tilespmem:s25+$0xFFFFFFE0];
	_ =	sdelay $0x4  }
0xb4: {  	[tilespmem:s0+$0x128] =	vst.add.f32.msk $0xffff, v1  }
0xb5: {  	v1 =	vld [tilespmem:s25+$0xFFFFFFF0];
	_ =	sdelay $0x4  }
0xb6: {  	[tilespmem:s0+$0x138] =	vst.add.f32.msk $0xffff, v1  }
0xb7: {  	v1 =	vld [tilespmem:s25+$0x0];
	_ =	sdelay $0x4  }
0xb8: {  	[tilespmem:s0+$0x148] =	vst.add.f32.msk $0xffff, v1  }
0xb9: {  	v1 =	vld [tilespmem:s25+$0x10];
	_ =	sdelay $0x4  }
0xba: {  	[tilespmem:s0+$0x158] =	vst.add.f32.msk $0xffff, v1  }
0xbb: {  	v1 =	vld [tilespmem:s25+$0x20];
	_ =	sdelay $0x4  }
0xbc: {  	[tilespmem:s0+$0x168] =	vst.add.f32.msk $0xffff, v1  }
0xbd: {  	v1 =	vld [tilespmem:s25+$0x30];
	_ =	sdelay $0x4  }
0xbe: {  	[tilespmem:s0+$0x178] =	vst.add.f32.msk $0xffff, v1  }
.LBB2_17:
0xbf: {  	s26 =	sadd.s32 $0x1, s26  }
0xc0: {  	p1 =	seq.s32 s26, $0x0  }
.Ltmp11:
0xc1: {  	_ = 	snop;
	(pc) =	sbr.rel @p1 .LBB2_18-.Ltmp11, $2  }
0xc2: {  	_ =	sdelay $0x2  }
0xc3: {  	s23 =	sadd.s32 $0x1, s23;
	s25 =	sadd.s32 $0x80, s25;
	s29 =	smov.u32 s30  }
.LBB2_12:
0xc4: {  	v1 =	vld.msk [tilespmem:s23+$0x0], $0x1;
	_ =	sdelay $0x4  }
0xc5: {  	(v2sf) =	vpush v1, $0x0;
	_ =	sdelay $0xe  }
0xc6: {  	s30 =	spop (v2sf)  }
0xc7: {  	p1 =	sne.s32 s29, s30  }
.Ltmp12:
0xc8: {  	_ = 	snop;
	(pc) =	sbr.rel @!p1 .LBB2_13-.Ltmp12, $2  }
0xc9: {  	_ =	sdelay $0x2  }
0xca: {  	s0 =	sshll.u32 s22, $0x9  }
0xcb: {  	p1 =	seq.s32 s29, s24  }
.Ltmp13:
0xcc: {  	_ = 	snop;
	(pc) =	sbr.rel @!p1 .LBB2_15-.Ltmp13, $1  }
0xcd: {  	_ =	sdelay $0x3  }
0xce: {  	s0 =	sshra.s32 s0, $0x2  }
.Ltmp14:
0xcf: {  	s0 =	sadd.s32 $0x108, s0;
	(pc) =	sbr.rel .LBB2_16-.Ltmp14, $4  }
0xd0: {  	[spmem:s16] =	stream.linear.scatter [tilespmem:s0], [sflag:$0x1], $0x80, $0x38;
	[tilespmem:$0x1F6F8] =	vst v63  }
0xd1: {  	_ =	swait.ge [sflag:s12], $0x80  }
0xd2: {  	[sflag:s12] =	ssyncset.done $0x0  }
0xd3: {  	[sflag:s12] =	ssyncadd.s32 $0xFFFFFF80  }
.LBB2_15:
0xd4: {  	s2 =	sshll.u32 s28, $0x9  }
0xd5: {  	s2 =	sshra.s32 s2, $0x2  }
0xd6: {  	v1 =	vld [tilespmem:s2+$0x7988];
	_ =	sdelay $0x3  }
0xd7: {  	s0 =	sshra.s32 s0, $0x2  }
0xd8: {  	[tilespmem:s0+$0x108] =	vst.add.f32.msk $0xffff, v1  }
0xd9: {  	v1 =	vld [tilespmem:s2+$0x7998];
	_ =	sdelay $0x4  }
0xda: {  	[tilespmem:s0+$0x118] =	vst.add.f32.msk $0xffff, v1  }
0xdb: {  	v1 =	vld [tilespmem:s2+$0x79A8];
	_ =	sdelay $0x4  }
0xdc: {  	[tilespmem:s0+$0x128] =	vst.add.f32.msk $0xffff, v1  }
0xdd: {  	v1 =	vld [tilespmem:s2+$0x79B8];
	_ =	sdelay $0x4  }
0xde: {  	[tilespmem:s0+$0x138] =	vst.add.f32.msk $0xffff, v1  }
0xdf: {  	v1 =	vld [tilespmem:s2+$0x79C8];
	_ =	sdelay $0x4  }
0xe0: {  	[tilespmem:s0+$0x148] =	vst.add.f32.msk $0xffff, v1  }
0xe1: {  	v1 =	vld [tilespmem:s2+$0x79D8];
	_ =	sdelay $0x4  }
0xe2: {  	[tilespmem:s0+$0x158] =	vst.add.f32.msk $0xffff, v1  }
0xe3: {  	v1 =	vld [tilespmem:s2+$0x79E8];
	_ =	sdelay $0x4  }
0xe4: {  	[tilespmem:s0+$0x168] =	vst.add.f32.msk $0xffff, v1  }
0xe5: {  	v1 =	vld [tilespmem:s2+$0x79F8];
	_ =	sdelay $0x2  }
0xe6: {  	p1 =	sgt.u32 s29, $0x27FF0  }
0xe7: {  	s2 =	sand.u32 @!p1 $0x3FFF8, s29  }
0xe8: {  	s3 =	sadd.s32 $0x108, s0;
	[tilespmem:s0+$0x178] =	vst.add.f32.msk $0xffff, v1;
	s0 =	sadd.s32 @!p1 s1, s2;
	s2 =	sand.u32 @!p1 $0x7, s29  }
0xe9: {  	[hbm4b:s0+s2] =	stream.linear.scatter @!p1 [tilespmem:s3], [sflag:$0xC], $0x80, $0x38;
	[tilespmem:$0x1F6F8] =	vst v63  }
0xea: {  	s0 =	simm.s32 $0x0  }
0xeb: {  	s0 =	simm.s32 @!p1 $0x200  }
0xec: {  	s31 =	sadd.s32 s0, s31  }
.LBB2_16:
0xed: {  	s0 =	sadd.s32 $0x1, s22  }
0xee: {  	s2 =	smulhi.u32 $0x88888889, s0;
	_ =	sdelay $0x1  }
0xef: {  	v1 =	vld [tilespmem:s25+$0xFFFFFFC0];
	s2 =	sshrl.u32 s2, $0x7  }
0xf0: {  	s2 =	smul.u32 $0xF0, s2;
	_ =	sdelay $0x1  }
0xf1: {  	s22 =	ssub.s32 s0, s2  }
0xf2: {  	s0 =	sshll.u32 s22, $0x7  }
0xf3: {  	[tilespmem:s0+$0x108] =	vst v1  }
0xf4: {  	v1 =	vld [tilespmem:s25+$0xFFFFFFD0];
	_ =	sdelay $0x4  }
0xf5: {  	[tilespmem:s0+$0x118] =	vst v1  }
0xf6: {  	v1 =	vld [tilespmem:s25+$0xFFFFFFE0];
	_ =	sdelay $0x4  }
0xf7: {  	[tilespmem:s0+$0x128] =	vst v1  }
0xf8: {  	v1 =	vld [tilespmem:s25+$0xFFFFFFF0];
	_ =	sdelay $0x4  }
0xf9: {  	[tilespmem:s0+$0x138] =	vst v1  }
0xfa: {  	v1 =	vld [tilespmem:s25+$0x0];
	_ =	sdelay $0x4  }
0xfb: {  	[tilespmem:s0+$0x148] =	vst v1  }
0xfc: {  	v1 =	vld [tilespmem:s25+$0x10];
	_ =	sdelay $0x4  }
0xfd: {  	[tilespmem:s0+$0x158] =	vst v1  }
0xfe: {  	v1 =	vld [tilespmem:s25+$0x20];
	_ =	sdelay $0x4  }
0xff: {  	[tilespmem:s0+$0x168] =	vst v1  }
0x100: {  	v1 =	vld [tilespmem:s25+$0x30]  }
.Ltmp15:
0x101: {  	_ = 	snop;
	(pc) =	sbr.rel .LBB2_17-.Ltmp15, $2  }
0x102: {  	_ =	sdelay $0x2  }
0x103: {  	s28 =	sadd.s32 $0x1, s28;
	[tilespmem:s0+$0x178] =	vst v1  }
.LBB2_19:
.Ltmp16:
0x104: {  	(pc) =	sbr.rel .LBB2_20-.Ltmp16, $4  }
0x105: {  	_ = 	snop  }
0x106: {  	s0 =	simm.s32 $0x2  }
0x107: {  	_ =	swait.ge [sflag:s0], $0x0  }
0x108: {  	s30 =	smov.u32 s29;
	[sflag:s0] =	ssyncset.done $0x0;
	s0 =	simm.s32 $0x0  }
.LBB2_22:
0x109: {  	_ =	sfence.sel $0x180000  }
0x10a: {  	s0 =	simm.s32 $0x9;
	[bflag:$0x0] =	sbarrier.arrive $0xFFFF  }
0x10b: {  	s24 =	simm.s32 $0xA;
	[sflag:s0] =	ssyncpa.u1 $0x1  }
0x10c: {  	s25 =	simm.s32 $0xB;
	[sflag:s24] =	ssyncpa.u1 $0x1  }
0x10d: {  	s26 =	simm.s32 $0x2;
	[sflag:s25] =	ssyncpa.u1 $0x1  }
0x10e: {  	[sflag:s26] =	ssyncpa.u1 $0x1  }
0x10f: {  	v0 =	vld [tilespmem:$0xF208];
	_ =	sdelay $0x4  }
0x110: {  	(v2sf) =	vpush v0, $0x0  }
0x111: {  	(v2sf) =	vpush v0, $0x1;
	_ =	sdelay $0x1  }
0x112: {  	(v2sf) =	vpush v0, $0x2;
	_ =	sdelay $0xb  }
0x113: {  	s0 =	spop (v2sf)  }
0x114: {  	s2 =	spop (v2sf)  }
0x115: {  	s3 =	smov.u32 s0;
	p0 =	sne.s32 s0, s2  }
0x116: {  	s4 =	spop (v2sf);
	s3 =	simm.s32 @!p0 $0xFFFFFFFF  }
0x117: {  	v2 =	vimm.s32 $0x1;
	v3 =	vlaneseq.u32;
	p0 =	seq.s32 s4, $0xFFFFFFFF;
	v1 =	vmov s3  }
0x118: {  	s16 =	stileid.u32;
	v0 =	vperm.xlane v0, v2;
	p1 =	sne.s32 @!p0 s0, s2;
	v1 =	vperm.xlane v1, v3  }
0x119: {  	vm0 =	vcmask $0x3F04;
	s6 =	simm.s32 $0xF208;
	s0 =	simm.s32 @!p0 $0x1;
	p1 =	por !p1, p0  }
0x11a: {  	s3 =	sshll.u32 s16, $0x1;
	s2 =	sshll.u32 @!p0 s4, $0x9;
	s0 =	simm.s32 @p1 $0x0;
	v0 =	vsel vm0, v1, v0  }
0x11b: {  	s5 =	sor.u32 $0x1000, s3;
	s2 =	sshra.s32 @!p0 s2, $0x2;
	s0 =	sor.u32 @!p0 s0, s3;
	[tilespmem:$0xF208] =	vst v0  }
0x11c: {  	[spmem:s5] =	stream.linear.scatter [tilespmem:s6], [sflag:$0x1], $0x2, $0x38;
	[tilespmem:$0x1F6F8] =	vst v63  }
0x11d: {  	s2 =	sadd.s32 @!p0 $0x108, s2;
	s0 =	sshll.u32 @!p0 s0, $0x7  }
0x11e: {  	[spmem:s0] =	stream.linear.scatter @!p0 [tilespmem:s2], [sflag:$0x1], $0x80, $0x38;
	[tilespmem:$0x1F6F8] =	vst v63  }
0x11f: {  	s0 =	simm.s32 @!p0 $0x82  }
0x120: {  	s28 =	simm.s32 $0x1;
	s0 =	simm.s32 @p0 $0x2  }
0x121: {  	_ =	swait.ge [sflag:s28], s0  }
0x122: {  	s0 =	ssub.s32 $0x0, s0;
	[sflag:s28] =	ssyncset.done $0x0  }
0x123: {  	p0 =	sne.s32 s16, $0x0;
	[sflag:s28] =	ssyncadd.s32 s0  }
.Ltmp17:
0x124: {  	_ =	sfence.stream.spmem;
	(pc) =	sbr.rel @p0 .LBB2_39-.Ltmp17, $4  }
0x125: {  	s29 =	simm.s32 $0x3;
	[bflag:$0x0] =	sbarrier.arrive $0xFFFF  }
0x126: {  	s30 =	simm.s32 $0x4;
	[sflag:s29] =	ssyncpa.u1 $0x1  }
0x127: {  	s31 =	simm.s32 $0x3C;
	[sflag:s30] =	ssyncpa.u1 $0x1  }
0x128: {  	s15 =	rddreg [dreg:$0x4];
	[sflag:s31] =	ssyncpa.u1 $0x1  }
0x129: {  	_ =	sfence.stream.spmem;
	s0 =	simm.s32 $0x5  }
0x12a: {  	s2 =	simm.s32 $0x1000;
	s3 =	simm.s32 $0xF218;
	[sflag:s0] =	ssyncpa.u1 $0x0  }
0x12b: {  	[tilespmem:s3], [sflag:$0x5] =	stream.linear.gather [spmem:s2], $0x20, $0x38;
	[tilespmem:$0x1F6F8] =	vst v63  }
0x12c: {  	s26 =	simm.s32 $0x0;
	s28 =	simm.s32 $0xF238  }
0x12d: {  	[tilespmem:s28], [sflag:$0x5] =	stream.linear.gather [spmem:s26], $0x1000, $0x38;
	[tilespmem:$0x1F6F8] =	vst v63  }
0x12e: {  	_ =	swait.ge [sflag:s0], $0x1020  }
0x12f: {  	[sflag:s0] =	ssyncset.done $0x0  }
0x130: {  	s29 =	simm.s32 $0x0;
	[sflag:s0] =	ssyncadd.s32 $0xFFFFEFE0  }
0x131: {  	v0 =	vld.msk [tilespmem:s29+$0xF218], $0x1;
	_ =	sdelay $0x1  }
0x132: {  	s30 =	simm.s32 $0x1  }
0x133: {  	v1 =	vld.msk [tilespmem:s30+$0xF218], $0x1;
	_ =	sdelay $0x1  }
0x134: {  	(v2sf) =	vpush v0, $0x0;
	_ =	sdelay $0x2  }
0x135: {  	(v2sf) =	vpush v1, $0x0;
	_ =	sdelay $0x2  }
0x136: {  	s31 =	simm.s32 $0x2  }
0x137: {  	v0 =	vld.msk [tilespmem:s31+$0xF218], $0x1;
	_ =	sdelay $0x2  }
0x138: {  	s4 =	simm.s32 $0xFFFFFFFF;
	s5 =	simm.s32 $0xFFFFFFFF;
	s0 =	simm.s32 $0xC  }
.LBB2_24:
0x139: {  	s2 =	smov.u32 s5;
	s3 =	smov.u32 s4  }
0x13a: {  	s4 =	sshra.s32 s0, $0x2;
	p1 =	sne.s32 s0, $0x7C;
	s0 =	sadd.s32 $0x4, s0;
	(v2sf) =	vpush v0, $0x0  }
0x13b: {  	v0 =	vld.msk [tilespmem:s4+$0xF218], $0x1  }
.Ltmp18:
0x13c: {  	(pc) =	sbr.rel @p1 .LBB2_24-.Ltmp18, $4  }
0x13d: {  	s5 =	spop (v2sf)  }
0x13e: {  	p2 =	sne.s32 s3, $0xFFFFFFFF;
	s4 =	smov.u32 s5  }
0x13f: {  	p3 =	seq.s32 s5, $0xFFFFFFFF;
	s4 =	smov.u32 @p2 s3  }
0x140: {  	s5 =	smov.u32 @p3 s2;
	s4 =	smov.u32 @p3 s3  }
0x141: {  	(v2sf) =	vpush v0, $0x0;
	_ =	sdelay $0x8  }
0x142: {  	s0 =	spop (v2sf)  }
0x143: {  	p1 =	sne.s32 s4, $0xFFFFFFFF;
	s2 =	smov.u32 s0  }
0x144: {  	s9 =	simm.s32 $0x6;
	p2 =	seq.s32 s0, $0xFFFFFFFF;
	s2 =	smov.u32 @p1 s4  }
0x145: {  	s6 =	simm.s32 $0x0;
	s2 =	smov.u32 @p2 s4;
	s3 =	spop (v2sf)  }
0x146: {  	s0 =	smov.u32 @p2 s5;
	p1 =	sne.s32 s2, $0xFFFFFFFF;
	s4 =	smov.u32 s3  }
.Ltmp19:
0x147: {  	p2 =	seq.s32 s3, $0xFFFFFFFF;
	s4 =	smov.u32 @p1 s2;
	(pc) =	sbr.rel .LBB2_26-.Ltmp19, $4  }
0x148: {  	s10 =	simm.s32 $0xF188;
	s4 =	smov.u32 @p2 s2;
	s7 =	spop (v2sf)  }
0x149: {  	s11 =	simm.s32 $0x0;
	p1 =	sne.s32 s4, $0xFFFFFFFF;
	s8 =	smov.u32 s7  }
0x14a: {  	s3 =	smov.u32 @p2 s0;
	p2 =	seq.s32 s7, $0xFFFFFFFF;
	s8 =	smov.u32 @p1 s4  }
0x14b: {  	[sflag:s9] =	ssyncpa.u1 $0x0;
	s7 =	smov.u32 @p2 s3;
	s8 =	smov.u32 @p2 s4  }
.LBB2_32:
0x14c: {  	p1 =	sgt.u32 s12, $0x27FF0  }
0x14d: {  	p2 =	seq.s32 @!p1 s12, s8  }
0x14e: {  	p1 =	por p1, p2  }
0x14f: {  	p2 =	sne.s32 @!p1 s12, s7  }
0x150: {  	p1 =	por p1, !p2  }
0x151: {  	s0 =	sshll.u32 @p1 s11, $0x9  }
0x152: {  	s0 =	sand.u32 @!p1 $0x3FFF8, s12  }
0x153: {  	s2 =	sand.u32 @!p1 $0x7, s12;
	s0 =	sadd.s32 @!p1 s1, s0  }
0x154: {  	[tilespmem:s10], [sflag:$0x6] =	stream.linear.gather @!p1 [hbm4b:s0+s2], $0x80, $0x38;
	[tilespmem:$0x1F6F8] =	vst v63  }
0x155: {  	_ =	swait.ge @!p1 [sflag:s9], $0x80  }
0x156: {  	[sflag:s9] =	ssyncset.done @!p1 $0x0  }
0x157: {  	[sflag:s9] =	ssyncadd.s32 @!p1 $0xFFFFFF80  }
0x158: {  	v1 =	vld @!p1 [tilespmem:$0xF188];
	_ =	sdelay $0x2  }
0x159: {  	s0 =	sshll.u32 @!p1 s11, $0x9  }
0x15a: {  	s2 =	sshrl.u32 @!p1 s0, $0x2  }
0x15b: {  	[tilespmem:s2+$0xF238] =	vst.add.f32.msk @!p1 $0xffff, v1  }
0x15c: {  	v1 =	vld @!p1 [tilespmem:$0xF198];
	_ =	sdelay $0x4  }
0x15d: {  	[tilespmem:s2+$0xF248] =	vst.add.f32.msk @!p1 $0xffff, v1  }
0x15e: {  	v1 =	vld @!p1 [tilespmem:$0xF1A8];
	_ =	sdelay $0x4  }
0x15f: {  	[tilespmem:s2+$0xF258] =	vst.add.f32.msk @!p1 $0xffff, v1  }
0x160: {  	v1 =	vld @!p1 [tilespmem:$0xF1B8];
	_ =	sdelay $0x4  }
0x161: {  	[tilespmem:s2+$0xF268] =	vst.add.f32.msk @!p1 $0xffff, v1  }
0x162: {  	v1 =	vld @!p1 [tilespmem:$0xF1C8];
	_ =	sdelay $0x4  }
0x163: {  	[tilespmem:s2+$0xF278] =	vst.add.f32.msk @!p1 $0xffff, v1  }
0x164: {  	v1 =	vld @!p1 [tilespmem:$0xF1D8];
	_ =	sdelay $0x4  }
0x165: {  	[tilespmem:s2+$0xF288] =	vst.add.f32.msk @!p1 $0xffff, v1  }
0x166: {  	v1 =	vld @!p1 [tilespmem:$0xF1E8];
	_ =	sdelay $0x4  }
0x167: {  	[tilespmem:s2+$0xF298] =	vst.add.f32.msk @!p1 $0xffff, v1  }
0x168: {  	v1 =	vld @!p1 [tilespmem:$0xF1F8];
	_ =	sdelay $0x4  }
0x169: {  	[tilespmem:s2+$0xF2A8] =	vst.add.f32.msk @!p1 $0xffff, v1  }
0x16a: {  	s0 =	sshrl.u32 s0, $0x2;
	[tilespmem:s6+$0xF218] =	vst.msk $0x1, v0  }
0x16b: {  	v0 =	vld [tilespmem:s0+$0xF238];
	_ =	sdelay $0x2  }
0x16c: {  	s31 =	sshll.u32 s6, $0x9  }
0x16d: {  	s2 =	sshra.s32 s31, $0x2  }
0x16e: {  	[tilespmem:s2+$0xF238] =	vst v0  }
0x16f: {  	v0 =	vld [tilespmem:s0+$0xF248];
	_ =	sdelay $0x4  }
0x170: {  	[tilespmem:s2+$0xF248] =	vst v0  }
0x171: {  	v0 =	vld [tilespmem:s0+$0xF258];
	_ =	sdelay $0x4  }
0x172: {  	[tilespmem:s2+$0xF258] =	vst v0  }
0x173: {  	v0 =	vld [tilespmem:s0+$0xF268];
	_ =	sdelay $0x4  }
0x174: {  	[tilespmem:s2+$0xF268] =	vst v0  }
0x175: {  	v0 =	vld [tilespmem:s0+$0xF278];
	_ =	sdelay $0x4  }
0x176: {  	[tilespmem:s2+$0xF278] =	vst v0  }
0x177: {  	v0 =	vld [tilespmem:s0+$0xF288];
	_ =	sdelay $0x4  }
0x178: {  	[tilespmem:s2+$0xF288] =	vst v0  }
0x179: {  	v0 =	vld [tilespmem:s0+$0xF298];
	_ =	sdelay $0x4  }
0x17a: {  	[tilespmem:s2+$0xF298] =	vst v0  }
0x17b: {  	v0 =	vld [tilespmem:s0+$0xF2A8];
	_ =	sdelay $0x4  }
0x17c: {  	s6 =	sadd.s32 $0x1, s6;
	[tilespmem:s2+$0xF2A8] =	vst v0  }
.LBB2_33:
0x17d: {  	s11 =	sadd.s32 $0x1, s11  }
0x17e: {  	p1 =	sne.s32 s11, $0x20  }
.Ltmp20:
0x17f: {  	_ = 	snop;
	(pc) =	sbr.rel @!p1 .LBB2_34-.Ltmp20, $1  }
0x180: {  	_ =	sdelay $0x3  }
.LBB2_26:
0x181: {  	v0 =	vld.msk [tilespmem:s11+$0xF218], $0x1;
	_ =	sdelay $0x4  }
0x182: {  	(v2sf) =	vpush v0, $0x0;
	_ =	sdelay $0xe  }
0x183: {  	s12 =	spop (v2sf)  }
0x184: {  	p1 =	seq.s32 s12, $0xFFFFFFFF  }
.Ltmp21:
0x185: {  	_ = 	snop;
	(pc) =	sbr.rel @p1 .LBB2_33-.Ltmp21, $1  }
0x186: {  	_ =	sdelay $0x3  }
0x187: {  	p1 =	slt.s32 s6, $0x1  }
.Ltmp22:
0x188: {  	_ = 	snop;
	(pc) =	sbr.rel @p1 .LBB2_32-.Ltmp22, $1  }
0x189: {  	_ =	sdelay $0x3  }
0x18a: {  	s13 =	simm.s32 $0xF218;
	p1 =	por $0x0, $0x0  }
0x18b: {  	v1 =	vld.msk @!p1 [tilespmem:s13+$0x0], $0x1;
	_ =	sdelay $0x4  }
0x18c: {  	(v2sf) =	vpush @!p1 v1, $0x0;
	_ =	sdelay $0xd  }
0x18d: {  	p3 =	sne.s32 s6, $0x1  }
.Ltmp23:
0x18e: {  	s0 =	spop @!p1 (v2sf);
	(pc) =	sbr.rel @!p3 .LBB2_30-.Ltmp23, $4  }
0x18f: {  	p2 =	seq.s32 @!p1 s12, s0  }
0x190: {  	s14 =	simm.s32 $0x0;
	p2 =	por !p2, p1  }
0x191: {  	s2 =	simm.s32 $0xFFFFFFFF;
	s14 =	simm.s32 @p2 $0xFFFFFFFF  }
0x192: {  	s0 =	simm.s32 $0x1;
	s14 =	smov.u32 @p1 s2  }
.LBB2_29:
0x193: {  	s2 =	smov.u32 s14;
	p1 =	sne.s32 s14, $0xFFFFFFFF  }
0x194: {  	s13 =	sadd.s32 $0x1, s13;
	s14 =	smov.u32 s0;
	s0 =	sadd.s32 $0x1, s0  }
0x195: {  	p2 =	sne.s32 s6, s0;
	v1 =	vld.msk @!p1 [tilespmem:s13+$0x0], $0x1;
	_ =	sdelay $0x4  }
0x196: {  	(v2sf) =	vpush @!p1 v1, $0x0;
	_ =	sdelay $0xe  }
.Ltmp24:
0x197: {  	s3 =	spop @!p1 (v2sf);
	(pc) =	sbr.rel @p2 .LBB2_29-.Ltmp24, $4  }
0x198: {  	p3 =	seq.s32 @!p1 s12, s3  }
0x199: {  	p3 =	por !p3, p1  }
0x19a: {  	s14 =	simm.s32 @p3 $0xFFFFFFFF  }
0x19b: {  	s14 =	smov.u32 @p1 s2  }
.LBB2_30:
0x19c: {  	p1 =	seq.s32 s14, $0xFFFFFFFF  }
.Ltmp25:
0x19d: {  	_ = 	snop;
	(pc) =	sbr.rel @p1 .LBB2_32-.Ltmp25, $1  }
0x19e: {  	_ =	sdelay $0x3  }
0x19f: {  	s0 =	sshll.u32 s11, $0x7  }
0x1a0: {  	s0 =	sand.u32 $0x3FFFFF80, s0  }
0x1a1: {  	v0 =	vld [tilespmem:s0+$0xF238];
	_ =	sdelay $0x2  }
0x1a2: {  	s2 =	sshll.u32 s14, $0x9  }
0x1a3: {  	s2 =	sshra.s32 s2, $0x2  }
0x1a4: {  	[tilespmem:s2+$0xF238] =	vst.add.f32.msk $0xffff, v0  }
0x1a5: {  	v0 =	vld [tilespmem:s0+$0xF248];
	_ =	sdelay $0x4  }
0x1a6: {  	[tilespmem:s2+$0xF248] =	vst.add.f32.msk $0xffff, v0  }
0x1a7: {  	v0 =	vld [tilespmem:s0+$0xF258];
	_ =	sdelay $0x4  }
0x1a8: {  	[tilespmem:s2+$0xF258] =	vst.add.f32.msk $0xffff, v0  }
0x1a9: {  	v0 =	vld [tilespmem:s0+$0xF268];
	_ =	sdelay $0x4  }
0x1aa: {  	[tilespmem:s2+$0xF268] =	vst.add.f32.msk $0xffff, v0  }
0x1ab: {  	v0 =	vld [tilespmem:s0+$0xF278];
	_ =	sdelay $0x4  }
0x1ac: {  	[tilespmem:s2+$0xF278] =	vst.add.f32.msk $0xffff, v0  }
0x1ad: {  	v0 =	vld [tilespmem:s0+$0xF288];
	_ =	sdelay $0x4  }
0x1ae: {  	[tilespmem:s2+$0xF288] =	vst.add.f32.msk $0xffff, v0  }
0x1af: {  	v0 =	vld [tilespmem:s0+$0xF298];
	_ =	sdelay $0x4  }
0x1b0: {  	[tilespmem:s2+$0xF298] =	vst.add.f32.msk $0xffff, v0  }
0x1b1: {  	v0 =	vld [tilespmem:s0+$0xF2A8]  }
.Ltmp26:
0x1b2: {  	_ = 	snop;
	(pc) =	sbr.rel .LBB2_33-.Ltmp26, $2  }
0x1b3: {  	_ =	sdelay $0x2  }
0x1b4: {  	[tilespmem:s2+$0xF2A8] =	vst.add.f32.msk $0xffff, v0  }
.LBB2_34:
0x1b5: {  	s0 =	simm.s32 $0x6;
	p1 =	seq.s32 s6, $0x0  }
0x1b6: {  	[sflag:s0] =	ssyncpa.u1 $0x1;
	v0 =	vimm.s32 @p1 $0xFFFFFFFF  }
0x1b7: {  	s9 =	sadd.s32 $0xFFFFFFFF, s6;
	[tilespmem:$0x10238] =	vst @p1 v0  }
0x1b8: {  	v0 =	vld.msk @!p1 [tilespmem:s9+$0xF218], $0x1;
	_ =	sdelay $0x1  }
0x1b9: {  	v1 =	vld.msk @!p1 [tilespmem:$0xF218], $0x1;
	_ =	sdelay $0x2  }
0x1ba: {  	p2 =	seq.s32 @!p1 s9, $0x0;
	v0 =	vbroadcast @!p1 v0, $0x0  }
0x1bb: {  	vm0 =	vmmov @!p1 $0x1;
	p2 =	por !p2, p1  }
0x1bc: {  	v1 =	vnsel @!p1 vm0, $0xFFFFFFFF, v1;
	vm0 =	vcmask @!p1 $0x308;
	v0 =	vpsel !p2, $0xFFFFFFFF, v0  }
0x1bd: {  	p2 =	sne.s32 @!p1 s8, s7;
	v0 =	vsel @!p1 vm0, v1, v0  }
0x1be: {  	s0 =	simm.s32 @!p1 $0xF238;
	s2 =	simm.s32 @!p1 $0x0;
	p3 =	por !p2, p1;
	[tilespmem:$0x10238] =	vst @!p1 v0  }
0x1bf: {  	[spmem:s2] =	stream.linear.scatter @!p1 [tilespmem:s0], [sflag:$0x1], $0x80, $0x38;
	[tilespmem:$0x1F6F8] =	vst v63  }
0x1c0: {  	s0 =	sshll.u32 @!p3 s9, $0x9  }
0x1c1: {  	s0 =	sshra.s32 @!p3 s0, $0x2  }
0x1c2: {  	s2 =	simm.s32 @!p3 $0x80;
	s0 =	sadd.s32 @!p3 $0xF238, s0  }
0x1c3: {  	[spmem:s2] =	stream.linear.scatter @!p3 [tilespmem:s0], [sflag:$0x1], $0x80, $0x38;
	[tilespmem:$0x1F6F8] =	vst v63  }
0x1c4: {  	s0 =	simm.s32 @!p3 $0x1  }
0x1c5: {  	_ =	swait.ge @!p3 [sflag:s0], $0x100  }
0x1c6: {  	p1 =	por p2, p1;
	[sflag:s0] =	ssyncset.done @!p3 $0x0  }
0x1c7: {  	[sflag:s0] =	ssyncadd.s32 @!p3 $0xFFFFFF00;
	s0 =	simm.s32 @!p1 $0x1  }
0x1c8: {  	_ =	swait.ge @!p1 [sflag:s0], $0x80  }
0x1c9: {  	s29 =	simm.s32 $0x10238;
	[sflag:s0] =	ssyncset.done @!p1 $0x0  }
0x1ca: {  	s30 =	simm.s32 $0x1000;
	s31 =	simm.s32 $0x1;
	[sflag:s0] =	ssyncadd.s32 @!p1 $0xFFFFFF80  }
0x1cb: {  	[spmem:s30] =	stream.linear.scatter [tilespmem:s29], [sflag:$0x1], $0x10, $0x38;
	[tilespmem:$0x1F6F8] =	vst v63  }
0x1cc: {  	_ =	swait.ge [sflag:s31], $0x10  }
0x1cd: {  	[sflag:s31] =	ssyncset.done $0x0  }
0x1ce: {  	p1 =	seq.s32 s15, $0x0;
	s8 =	rddreg [dreg:$0x1];
	[sflag:s31] =	ssyncadd.s32 $0xFFFFFFF0  }
0x1cf: {  	s2 =	sshll.u32 @p1 s8, $0xE;
	s7 =	rddreg [dreg:$0x2]  }
0x1d0: {  	s0 =	sadd.s32 @p1 $0x15C3C, s2;
	s2 =	sshll.u32 @p1 s7, $0x11  }
0x1d1: {  	_ =	sfence.stream.spmem;
	s0 =	sor.u32 @p1 s2, s0  }
0x1d2: {  	[sflag:s0] =	ssyncadd.remote.s32 @p1 $0x1;
	s0 =	simm.s32 @p1 $0x4  }
0x1d3: {  	s3 =	simm.s32 @!p1 $0x3C;
	s2 =	sand.u32 $0xFFFFFFFE, s8;
	_ =	swait.ge @p1 [sflag:s0], $0x22  }
0x1d4: {  	s4 =	simm.s32 @!p1 $0x0;
	s2 =	sadd.s32 @!p1 $0x4, s2;
	[sflag:s0] =	ssyncset.done @p1 $0x0  }
0x1d5: {  	s5 =	simm.s32 @!p1 $0x100;
	[sflag:s0] =	ssyncadd.s32 @p1 $0xFFFFFFDE;
	s0 =	sshll.u32 @!p1 s2, $0x1A  }
0x1d6: {  	s2 =	sshll.u32 @!p1 s2, $0xD;
	s0 =	sor.u32 @!p1 s0, s7;
	_ =	swait.eq @!p1 [sflag:s3], $0x1  }
0x1d7: {  	s2 =	sor.u32 @!p1 $0x1C04, s2;
	s3 =	simm.s32 @!p1 $0x1C03;
	s0 =	sor.u32 @!p1 $0x80004000, s0  }
0x1d8: {  	[spmem:s5], [sflag:s2] =	dma.general @!p1 [spmem:s4], [sflag:s3], length:$0x20, [dreg:$0x0], stride_count:$0x0, ici_dest:s0, dma_misc:DstOpCode:WRITE  }
0x1d9: {  	p2 =	slt.s32 s9, $0x2;
	s4 =	simm.s32 @!p1 $0x200;
	s5 =	simm.s32 @!p1 $0x202  }
0x1da: {  	[spmem:s5], [sflag:s2] =	dma.general @!p1 [spmem:s4], [sflag:s3], length:$0x2, [dreg:$0x0], stride_count:$0x0, ici_dest:s0, dma_misc:DstOpCode:WRITE  }
.Ltmp27:
0x1db: {  	s0 =	simm.s32 @!p1 $0x3;
	(pc) =	sbr.rel @p2 .LBB2_38-.Ltmp27, $4  }
0x1dc: {  	s2 =	sshll.u32 @!p1 s8, $0xE;
	_ =	swait.ge @!p1 [sflag:s0], $0x22  }
0x1dd: {  	s3 =	sshll.u32 @!p1 s7, $0x11;
	s2 =	sadd.s32 @!p1 $0x11C3C, s2;
	[sflag:s0] =	ssyncset.done @!p1 $0x0  }
0x1de: {  	[sflag:s0] =	ssyncadd.s32 @!p1 $0xFFFFFFDE;
	s0 =	sor.u32 @!p1 s3, s2  }
0x1df: {  	[sflag:s0] =	ssyncadd.remote.s32 @!p1 $0xFFFFFFFF;
	s0 =	simm.s32 $0x0  }
0x1e0: {  	s0 =	simm.s32 $0xF219  }
0x1e1: {  	v0 =	vld.msk [tilespmem:s0+$0x0], $0x1;
	_ =	sdelay $0x4  }
0x1e2: {  	(v2sf) =	vpush v0, $0x0;
	_ =	sdelay $0xb  }
0x1e3: {  	s31 =	sadd.s32 $0xFFFFFFFE, s6  }
0x1e4: {  	s0 =	sadd.s32 $0xFFFFFFFF, s31  }
0x1e5: {  	p2 =	sne.s32 s0, $0x0  }
.Ltmp28:
0x1e6: {  	s2 =	spop (v2sf);
	(pc) =	sbr.rel @!p2 .LBB2_37-.Ltmp28, $4  }
0x1e7: {  	s4 =	simm.s32 $0xF2B8;
	s7 =	simm.s32 $0x0;
	p1 =	sgt.u32 s2, $0x27FF0  }
0x1e8: {  	s5 =	simm.s32 $0x0;
	s6 =	simm.s32 $0xF21A;
	s3 =	sand.u32 @!p1 $0x3FFF8, s2  }
0x1e9: {  	s2 =	sand.u32 @!p1 $0x7, s2;
	s7 =	simm.s32 @!p1 $0x200;
	s3 =	sadd.s32 @!p1 s1, s3  }
0x1ea: {  	[hbm4b:s3+s2] =	stream.linear.scatter @!p1 [tilespmem:s4], [sflag:$0x5], $0x80, $0x38;
	[tilespmem:$0x1F6F8] =	vst v63  }
.LBB2_36:
0x1eb: {  	v0 =	vld.msk [tilespmem:s6+$0x0], $0x1;
	s0 =	sadd.s32 $0xFFFFFFFF, s0;
	s5 =	sadd.s32 s5, s7  }
0x1ec: {  	p1 =	sne.s32 s0, $0x0;
	_ =	sdelay $0x3  }
0x1ed: {  	(v2sf) =	vpush v0, $0x0;
	_ =	sdelay $0xe  }
.Ltmp29:
0x1ee: {  	s2 =	spop (v2sf);
	(pc) =	sbr.rel @p1 .LBB2_36-.Ltmp29, $4  }
0x1ef: {  	s7 =	simm.s32 $0x0;
	p2 =	sgt.u32 s2, $0x27FF0  }
0x1f0: {  	s4 =	sadd.s32 $0x80, s4;
	s7 =	simm.s32 @!p2 $0x200;
	s3 =	sand.u32 @!p2 $0x3FFF8, s2  }
0x1f1: {  	s6 =	sadd.s32 $0x1, s6;
	s2 =	sand.u32 @!p2 $0x7, s2;
	s3 =	sadd.s32 @!p2 s1, s3  }
0x1f2: {  	[hbm4b:s3+s2] =	stream.linear.scatter @!p2 [tilespmem:s4], [sflag:$0x5], $0x80, $0x38;
	[tilespmem:$0x1F6F8] =	vst v63  }
.LBB2_37:
0x1f3: {  	s0 =	sadd.s32 s5, s7  }
0x1f4: {  	s0 =	sshrl.u32 s0, $0x2  }
.LBB2_38:
0x1f5: {  	s2 =	simm.s32 $0x5  }
0x1f6: {  	_ =	swait.ge [sflag:s2], s0  }
0x1f7: {  	s31 =	ssub.s32 $0x0, s0;
	[sflag:s2] =	ssyncset.done $0x0  }
0x1f8: {  	[sflag:s2] =	ssyncadd.s32 s31  }
0x1f9: {  	[sflag:s2] =	ssyncpa.u1 $0x1  }
.LBB2_39:
0x1fa: {  	s0 =	sor.u32 s15, s16  }
0x1fb: {  	p1 =	sne.s32 s0, $0x0  }
.Ltmp30:
0x1fc: {  	_ = 	snop;
	(pc) =	sbr.rel @p1 .LBB2_54-.Ltmp30, $3  }
0x1fd: {  	_ =	sdelay $0x1  }
0x1fe: {  	[bflag:$0x0] =	sbarrier.arrive $0xFFFF  }
0x1ff: {  	_ =	sfence  }
0x200: {  	s0 =	simm.s32 $0x7  }
0x201: {  	s2 =	simm.s32 $0x1000;
	s3 =	simm.s32 $0xF218;
	[sflag:s0] =	ssyncpa.u1 $0x0  }
0x202: {  	[tilespmem:s3], [sflag:$0x7] =	stream.linear.gather [spmem:s2], $0x20, $0x38;
	[tilespmem:$0x1F6F8] =	vst v63  }
0x203: {  	s30 =	simm.s32 $0xF238;
	s2 =	simm.s32 $0x0  }
0x204: {  	[tilespmem:s30], [sflag:$0x7] =	stream.linear.gather [spmem:s2], $0x1000, $0x38;
	[tilespmem:$0x1F6F8] =	vst v63  }
.Ltmp31:
0x205: {  	_ = 	snop;
	(pc) =	sbr.rel .LBB2_41-.Ltmp31, $4  }
0x206: {  	_ =	swait.ge [sflag:s0], $0x1020  }
0x207: {  	[sflag:s0] =	ssyncset.done $0x0  }
0x208: {  	s31 =	simm.s32 $0x8;
	[sflag:s0] =	ssyncadd.s32 $0xFFFFEFE0  }
0x209: {  	s3 =	simm.s32 $0x0;
	[sflag:s31] =	ssyncpa.u1 $0x0  }
.LBB2_47:
0x20a: {  	p1 =	slt.u32 s4, $0x27FF1  }
0x20b: {  	s0 =	sand.u32 @p1 $0x3FFF8, s4  }
0x20c: {  	s4 =	sand.u32 @p1 $0x7, s4;
	s5 =	simm.s32 @p1 $0xF188;
	s0 =	sadd.s32 @p1 s1, s0  }
0x20d: {  	[tilespmem:s5], [sflag:$0x8] =	stream.linear.gather @p1 [hbm4b:s0+s4], $0x80, $0x38;
	[tilespmem:$0x1F6F8] =	vst v63  }
0x20e: {  	s0 =	simm.s32 @p1 $0x8  }
0x20f: {  	_ =	swait.ge @p1 [sflag:s0], $0x80  }
0x210: {  	[sflag:s0] =	ssyncset.done @p1 $0x0  }
0x211: {  	[sflag:s0] =	ssyncadd.s32 @p1 $0xFFFFFF80  }
0x212: {  	v1 =	vld @p1 [tilespmem:$0xF188];
	_ =	sdelay $0x2  }
0x213: {  	s0 =	sshll.u32 @p1 s3, $0x9  }
0x214: {  	s4 =	sshrl.u32 @p1 s0, $0x2  }
0x215: {  	[tilespmem:s4+$0xF238] =	vst.add.f32.msk @p1 $0xffff, v1  }
0x216: {  	v1 =	vld @p1 [tilespmem:$0xF198];
	_ =	sdelay $0x4  }
0x217: {  	[tilespmem:s4+$0xF248] =	vst.add.f32.msk @p1 $0xffff, v1  }
0x218: {  	v1 =	vld @p1 [tilespmem:$0xF1A8];
	_ =	sdelay $0x4  }
0x219: {  	[tilespmem:s4+$0xF258] =	vst.add.f32.msk @p1 $0xffff, v1  }
0x21a: {  	v1 =	vld @p1 [tilespmem:$0xF1B8];
	_ =	sdelay $0x4  }
0x21b: {  	[tilespmem:s4+$0xF268] =	vst.add.f32.msk @p1 $0xffff, v1  }
0x21c: {  	v1 =	vld @p1 [tilespmem:$0xF1C8];
	_ =	sdelay $0x4  }
0x21d: {  	[tilespmem:s4+$0xF278] =	vst.add.f32.msk @p1 $0xffff, v1  }
0x21e: {  	v1 =	vld @p1 [tilespmem:$0xF1D8];
	_ =	sdelay $0x4  }
0x21f: {  	[tilespmem:s4+$0xF288] =	vst.add.f32.msk @p1 $0xffff, v1  }
0x220: {  	v1 =	vld @p1 [tilespmem:$0xF1E8];
	_ =	sdelay $0x4  }
0x221: {  	[tilespmem:s4+$0xF298] =	vst.add.f32.msk @p1 $0xffff, v1  }
0x222: {  	v1 =	vld @p1 [tilespmem:$0xF1F8];
	_ =	sdelay $0x3  }
0x223: {  	s5 =	sshll.u32 @!p1 s3, $0x9  }
0x224: {  	s5 =	smov.u32 @p1 s0;
	[tilespmem:s4+$0xF2A8] =	vst.add.f32.msk @p1 $0xffff, v1  }
0x225: {  	s0 =	sshrl.u32 s5, $0x2;
	[tilespmem:s2+$0xF218] =	vst.msk $0x1, v0  }
0x226: {  	v0 =	vld [tilespmem:s0+$0xF238];
	_ =	sdelay $0x2  }
0x227: {  	s31 =	sshll.u32 s2, $0x9  }
0x228: {  	s4 =	sshra.s32 s31, $0x2  }
0x229: {  	[tilespmem:s4+$0xF238] =	vst v0  }
0x22a: {  	v0 =	vld [tilespmem:s0+$0xF248];
	_ =	sdelay $0x4  }
0x22b: {  	[tilespmem:s4+$0xF248] =	vst v0  }
0x22c: {  	v0 =	vld [tilespmem:s0+$0xF258];
	_ =	sdelay $0x4  }
0x22d: {  	[tilespmem:s4+$0xF258] =	vst v0  }
0x22e: {  	v0 =	vld [tilespmem:s0+$0xF268];
	_ =	sdelay $0x4  }
0x22f: {  	[tilespmem:s4+$0xF268] =	vst v0  }
0x230: {  	v0 =	vld [tilespmem:s0+$0xF278];
	_ =	sdelay $0x4  }
0x231: {  	[tilespmem:s4+$0xF278] =	vst v0  }
0x232: {  	v0 =	vld [tilespmem:s0+$0xF288];
	_ =	sdelay $0x4  }
0x233: {  	[tilespmem:s4+$0xF288] =	vst v0  }
0x234: {  	v0 =	vld [tilespmem:s0+$0xF298];
	_ =	sdelay $0x4  }
0x235: {  	[tilespmem:s4+$0xF298] =	vst v0  }
0x236: {  	v0 =	vld [tilespmem:s0+$0xF2A8];
	_ =	sdelay $0x4  }
0x237: {  	s2 =	sadd.s32 $0x1, s2;
	[tilespmem:s4+$0xF2A8] =	vst v0  }
.LBB2_48:
0x238: {  	s3 =	sadd.s32 $0x1, s3  }
0x239: {  	p1 =	sne.s32 s3, $0x20  }
.Ltmp32:
0x23a: {  	_ = 	snop;
	(pc) =	sbr.rel @!p1 .LBB2_49-.Ltmp32, $1  }
0x23b: {  	_ =	sdelay $0x3  }
.LBB2_41:
0x23c: {  	v0 =	vld.msk [tilespmem:s3+$0xF218], $0x1;
	_ =	sdelay $0x4  }
0x23d: {  	(v2sf) =	vpush v0, $0x0;
	_ =	sdelay $0xe  }
0x23e: {  	s4 =	spop (v2sf)  }
0x23f: {  	p1 =	seq.s32 s4, $0xFFFFFFFF  }
.Ltmp33:
0x240: {  	_ = 	snop;
	(pc) =	sbr.rel @p1 .LBB2_48-.Ltmp33, $1  }
0x241: {  	_ =	sdelay $0x3  }
0x242: {  	p1 =	slt.s32 s2, $0x1  }
.Ltmp34:
0x243: {  	_ = 	snop;
	(pc) =	sbr.rel @p1 .LBB2_47-.Ltmp34, $1  }
0x244: {  	_ =	sdelay $0x3  }
0x245: {  	s5 =	simm.s32 $0xF218;
	p1 =	por $0x0, $0x0  }
0x246: {  	v1 =	vld.msk @!p1 [tilespmem:s5+$0x0], $0x1;
	_ =	sdelay $0x4  }
0x247: {  	(v2sf) =	vpush @!p1 v1, $0x0;
	_ =	sdelay $0xd  }
0x248: {  	p3 =	sne.s32 s2, $0x1  }
.Ltmp35:
0x249: {  	s0 =	spop @!p1 (v2sf);
	(pc) =	sbr.rel @!p3 .LBB2_45-.Ltmp35, $4  }
0x24a: {  	p2 =	seq.s32 @!p1 s4, s0  }
0x24b: {  	s6 =	simm.s32 $0x0;
	p2 =	por !p2, p1  }
0x24c: {  	s7 =	simm.s32 $0xFFFFFFFF;
	s6 =	simm.s32 @p2 $0xFFFFFFFF  }
0x24d: {  	s0 =	simm.s32 $0x1;
	s6 =	smov.u32 @p1 s7  }
.LBB2_44:
0x24e: {  	s7 =	smov.u32 s6;
	p1 =	sne.s32 s6, $0xFFFFFFFF  }
0x24f: {  	s5 =	sadd.s32 $0x1, s5;
	s6 =	smov.u32 s0;
	s0 =	sadd.s32 $0x1, s0  }
0x250: {  	p2 =	sne.s32 s2, s0;
	v1 =	vld.msk @!p1 [tilespmem:s5+$0x0], $0x1;
	_ =	sdelay $0x4  }
0x251: {  	(v2sf) =	vpush @!p1 v1, $0x0;
	_ =	sdelay $0xe  }
.Ltmp36:
0x252: {  	s8 =	spop @!p1 (v2sf);
	(pc) =	sbr.rel @p2 .LBB2_44-.Ltmp36, $4  }
0x253: {  	p3 =	seq.s32 @!p1 s4, s8  }
0x254: {  	p3 =	por !p3, p1  }
0x255: {  	s6 =	simm.s32 @p3 $0xFFFFFFFF  }
0x256: {  	s6 =	smov.u32 @p1 s7  }
.LBB2_45:
0x257: {  	p1 =	seq.s32 s6, $0xFFFFFFFF  }
.Ltmp37:
0x258: {  	_ = 	snop;
	(pc) =	sbr.rel @p1 .LBB2_47-.Ltmp37, $1  }
0x259: {  	_ =	sdelay $0x3  }
0x25a: {  	s0 =	sshll.u32 s3, $0x7  }
0x25b: {  	s0 =	sand.u32 $0x3FFFFF80, s0  }
0x25c: {  	v0 =	vld [tilespmem:s0+$0xF238];
	_ =	sdelay $0x2  }
0x25d: {  	s4 =	sshll.u32 s6, $0x9  }
0x25e: {  	s4 =	sshra.s32 s4, $0x2  }
0x25f: {  	[tilespmem:s4+$0xF238] =	vst.add.f32.msk $0xffff, v0  }
0x260: {  	v0 =	vld [tilespmem:s0+$0xF248];
	_ =	sdelay $0x4  }
0x261: {  	[tilespmem:s4+$0xF248] =	vst.add.f32.msk $0xffff, v0  }
0x262: {  	v0 =	vld [tilespmem:s0+$0xF258];
	_ =	sdelay $0x4  }
0x263: {  	[tilespmem:s4+$0xF258] =	vst.add.f32.msk $0xffff, v0  }
0x264: {  	v0 =	vld [tilespmem:s0+$0xF268];
	_ =	sdelay $0x4  }
0x265: {  	[tilespmem:s4+$0xF268] =	vst.add.f32.msk $0xffff, v0  }
0x266: {  	v0 =	vld [tilespmem:s0+$0xF278];
	_ =	sdelay $0x4  }
0x267: {  	[tilespmem:s4+$0xF278] =	vst.add.f32.msk $0xffff, v0  }
0x268: {  	v0 =	vld [tilespmem:s0+$0xF288];
	_ =	sdelay $0x4  }
0x269: {  	[tilespmem:s4+$0xF288] =	vst.add.f32.msk $0xffff, v0  }
0x26a: {  	v0 =	vld [tilespmem:s0+$0xF298];
	_ =	sdelay $0x4  }
0x26b: {  	[tilespmem:s4+$0xF298] =	vst.add.f32.msk $0xffff, v0  }
0x26c: {  	v0 =	vld [tilespmem:s0+$0xF2A8]  }
.Ltmp38:
0x26d: {  	_ = 	snop;
	(pc) =	sbr.rel .LBB2_48-.Ltmp38, $2  }
0x26e: {  	_ =	sdelay $0x2  }
0x26f: {  	[tilespmem:s4+$0xF2A8] =	vst.add.f32.msk $0xffff, v0  }
.LBB2_49:
0x270: {  	p1 =	slt.s32 s2, $0x1  }
.Ltmp39:
0x271: {  	_ = 	snop;
	(pc) =	sbr.rel @p1 .LBB2_53-.Ltmp39, $3  }
0x272: {  	_ =	sdelay $0x1  }
0x273: {  	s0 =	simm.s32 $0x8  }
0x274: {  	s3 =	simm.s32 $0x0;
	[sflag:s0] =	ssyncpa.u1 $0x1  }
0x275: {  	s0 =	simm.s32 $0xF218  }
0x276: {  	v0 =	vld.msk [tilespmem:s0+$0x0], $0x1;
	_ =	sdelay $0x4  }
0x277: {  	(v2sf) =	vpush v0, $0x0;
	_ =	sdelay $0xe  }
0x278: {  	s0 =	sadd.s32 $0xFFFFFFFF, s2;
	s5 =	spop (v2sf)  }
0x279: {  	p2 =	sne.s32 s0, $0x0;
	p1 =	sgt.u32 s5, $0x27FF0  }
.Ltmp40:
0x27a: {  	s6 =	sand.u32 @!p1 $0x3FFF8, s5;
	(pc) =	sbr.rel @!p2 .LBB2_52-.Ltmp40, $4  }
0x27b: {  	s4 =	simm.s32 $0xF238;
	s5 =	sand.u32 @!p1 $0x7, s5;
	s2 =	sadd.s32 @!p1 s1, s6  }
0x27c: {  	[hbm4b:s2+s5] =	stream.linear.scatter @!p1 [tilespmem:s4], [sflag:$0x7], $0x80, $0x38;
	[tilespmem:$0x1F6F8] =	vst v63  }
0x27d: {  	s5 =	simm.s32 $0x0  }
0x27e: {  	s2 =	simm.s32 $0xF219;
	s5 =	simm.s32 @!p1 $0x200  }
.LBB2_51:
0x27f: {  	v0 =	vld.msk [tilespmem:s2+$0x0], $0x1;
	s0 =	sadd.s32 $0xFFFFFFFF, s0;
	s3 =	sadd.s32 s3, s5  }
0x280: {  	p1 =	sne.s32 s0, $0x0;
	_ =	sdelay $0x3  }
0x281: {  	(v2sf) =	vpush v0, $0x0;
	_ =	sdelay $0xe  }
.Ltmp41:
0x282: {  	s6 =	spop (v2sf);
	(pc) =	sbr.rel @p1 .LBB2_51-.Ltmp41, $4  }
0x283: {  	s5 =	simm.s32 $0x0;
	p2 =	sgt.u32 s6, $0x27FF0  }
0x284: {  	s4 =	sadd.s32 $0x80, s4;
	s5 =	simm.s32 @!p2 $0x200;
	s7 =	sand.u32 @!p2 $0x3FFF8, s6  }
0x285: {  	s2 =	sadd.s32 $0x1, s2;
	s6 =	sand.u32 @!p2 $0x7, s6;
	s7 =	sadd.s32 @!p2 s1, s7  }
0x286: {  	[hbm4b:s7+s6] =	stream.linear.scatter @!p2 [tilespmem:s4], [sflag:$0x7], $0x80, $0x38;
	[tilespmem:$0x1F6F8] =	vst v63  }
.LBB2_52:
0x287: {  	s0 =	sadd.s32 s3, s5  }
0x288: {  	s3 =	sshrl.u32 s0, $0x2  }
.LBB2_53:
0x289: {  	s0 =	simm.s32 $0x7  }
0x28a: {  	_ =	swait.ge [sflag:s0], s3  }
0x28b: {  	s1 =	ssub.s32 $0x0, s3;
	[sflag:s0] =	ssyncset.done $0x0  }
0x28c: {  	[sflag:s0] =	ssyncadd.s32 s1  }
0x28d: {  	[sflag:s0] =	ssyncpa.u1 $0x1  }
.LBB2_54:
0x28e: {  	_ =	sfence;
	s0 =	simm.s32 $0x1  }
0x28f: {  	[sflag:s0] =	ssyncpa.u1 $0x1  }
0x290: {  	_ =	strace $0x9000004D  }
0x291: {  	[bflag:$0x2] =	sbarrier.arrive $0xFFFF  }
0x292: {  	s0 =	rddreg [dreg:$0x3]  }
0x293: {  	s0 =	sadd.s32 @!p0 $0x100000, s0  }
0x294: {  	[sflag:s0] =	ssyncadd.tile.s32 @!p0 $0x1;
	_ =	shalt  }
.Lfunc_end2:
_tile_overlayer_lowered:
.L_overlay_start_2:
0x295: {  	(tag) =	ssettag $0x2  }
0x296: {  	s0 =	rddreg [dreg:$0x0];
	s2 =	stileid.u32  }
0x297: {  	s1 =	rddreg [dreg:$0x1];
	p0 =	sne.s32 s2, $0x0  }
0x298: {  	s3 =	rddreg [dreg:$0x2];
	[bflag:$0x3] =	sbarrier.arrive $0xFFFF;
	s2 =	simm.s32 @!p0 $0x1C01  }
0x299: {  	[timem:s3], [sflag:s2] =	dma.local @!p0 [hbm:s0], s1  }
0x29a: {  	s0 =	simm.s32 @!p0 $0x1  }
0x29b: {  	_ =	swait.ge @!p0 [sflag:s0], s1  }
0x29c: {  	s1 =	ssub.s32 @!p0 $0x0, s1;
	[sflag:s0] =	ssyncset.done @!p0 $0x0  }
0x29d: {  	[sflag:s0] =	ssyncadd.s32 @!p0 s1  }
0x29e: {  	[bflag:$0x3] =	sbarrier.arrive $0xFFFF  }
0x29f: {  	_ =	shalt  }

</sc_bundles>
